<compile_context>
chip_gen: v7x
topology: tpu7x:2x2x1
jax: 0.10.2.dev20260603
libtpu: 0.0.44.dev20260713+nightly
codegen_flags: <defaults>
</compile_context>

<pallas_src>
import functools

import jax
import jax.numpy as jnp
from jax import lax
from jax.experimental import pallas as pl
from jax.experimental.pallas import tpu as pltpu
from jax.experimental.pallas import tpu_sc as plsc

N = 10000
E = 160000
D = 256
DH = 128
NPAD = 10240
NT = 16
CH = 128
NCH = 80
TOT_E = NT * NCH * CH
RPT = NPAD // NT
BR = 1024

_MESH = plsc.VectorSubcoreMesh(
    core_axis_name="c", subcore_axis_name="s", num_cores=2, num_subcores=16)

f32 = jnp.float32


@functools.partial(
    pl.kernel,
    out_type=jax.ShapeDtypeStruct((2, NT, NPAD), f32),
    mesh=_MESH,
    scratch_types=[
        pltpu.VMEM((NCH // 2, CH), jnp.int32),
        pltpu.VMEM((NPAD,), f32),
    ],
    compiler_params=pltpu.CompilerParams(needs_layout_passes=False),
)
def _sc_degree(dst_hbm, zeros_hbm, cnt_hbm, dstblk, hist):
    c = lax.axis_index("c")
    s = lax.axis_index("s")
    pltpu.sync_copy(zeros_hbm, hist)
    pltpu.sync_copy(dst_hbm.at[s, pl.ds(c * (NCH // 2), NCH // 2)], dstblk)

    def chunk(j, carry):
        for k in range(CH // 16):
            vec = dstblk[j, pl.ds(k * 16, 16)]
            cnt_run, last = plsc.scan_count(vec)
            plsc.addupdate_scatter(
                hist, [vec], cnt_run.astype(f32), mask=last)
        return carry

    lax.fori_loop(0, NCH // 2, chunk, 0)
    pltpu.sync_copy(hist, cnt_hbm.at[c, s])


@functools.partial(
    pl.kernel,
    out_type=(jax.ShapeDtypeStruct((NPAD, DH), f32),
              jax.ShapeDtypeStruct((NPAD, DH), f32)),
    mesh=_MESH,
    scratch_types=(
        [pltpu.VMEM((CH,), jnp.int32)] * 4 +
        [pltpu.VMEM((CH, DH), f32)] * 2 +
        [pltpu.VMEM_SHARED((NPAD, DH), f32)] +
        [pltpu.SemaphoreType.DMA] * 6
    ),
)
def _sc_agg(ua_hbm, ub_hbm, src_hbm, dst_hbm, z_hbm, aa_hbm, ab_hbm,
            si0, si1, di0, di1, gb0, gb1, acc,
            gs0, gs1, ss0, ss1, is0, is1):
    c = lax.axis_index("c")
    s = lax.axis_index("s")
    row0 = s * RPT
    pltpu.sync_copy(z_hbm, gb0)
    for i in range(RPT // CH):
        pltpu.sync_copy(gb0, acc.at[pl.ds(row0 + i * CH, CH)])
    plsc.subcore_barrier()

    def istart(j, sv, dv, sem):
        pltpu.async_copy(src_hbm.at[s, j], sv, sem)
        pltpu.async_copy(dst_hbm.at[s, j], dv, sem)

    def iwait(j, sv, dv, sem):
        pltpu.make_async_copy(src_hbm.at[s, j], sv, sem).wait()
        pltpu.make_async_copy(dst_hbm.at[s, j], dv, sem).wait()

    def run(u_hbm, out_hbm):
        def gstart(sv, gb, sem):
            pltpu.async_copy(u_hbm.at[sv], gb, sem)

        def gwait(sv, gb, sem):
            pltpu.make_async_copy(u_hbm.at[sv], gb, sem).wait()

        def sstart(dv, gb, sem):
            pltpu.async_copy(gb, acc.at[dv], sem, add=True)

        def swait(dv, gb, sem):
            pltpu.make_async_copy(gb, acc.at[dv], sem).wait()

        npairs = NCH // 2
        pltpu.sync_copy(src_hbm.at[s, 0], si0)
        pltpu.sync_copy(dst_hbm.at[s, 0], di0)
        gstart(si0, gb0, gs0)

        def pair(p, carry):
            j0 = 2 * p
            istart(j0 + 1, si1, di1, is1)
            gwait(si0, gb0, gs0)
            iwait(j0 + 1, si1, di1, is1)
            gstart(si1, gb1, gs1)
            sstart(di0, gb0, ss0)
            gwait(si1, gb1, gs1)
            sstart(di1, gb1, ss1)
            swait(di0, gb0, ss0)

            @pl.when(p < npairs - 1)
            def _():
                istart(j0 + 2, si0, di0, is0)
                iwait(j0 + 2, si0, di0, is0)
                gstart(si0, gb0, gs0)

            swait(di1, gb1, ss1)
            return carry

        lax.fori_loop(0, npairs, pair, 0)
        plsc.subcore_barrier()
        for i in range(RPT // CH):
            pltpu.sync_copy(acc.at[pl.ds(row0 + i * CH, CH)], gb0)
            pltpu.sync_copy(gb0, out_hbm.at[pl.ds(row0 + i * CH, CH)])

    @pl.when(c == 0)
    def _():
        run(ua_hbm, aa_hbm)

    @pl.when(c == 1)
    def _():
        run(ub_hbm, ab_hbm)


def _dis_from_cnt(cnt_ref):
    deg = jnp.sum(cnt_ref[...], axis=(0, 1)) + 1.0
    return lax.rsqrt(deg)


def _tc1_body(cnt_ref, x_ref, w_ref, ua_ref, ub_ref):
    dis = _dis_from_cnt(cnt_ref)
    h = jnp.dot(x_ref[...], w_ref[...], preferred_element_type=f32)
    u = h * dis[:, None]
    ua_ref[...] = u[:, :DH]
    ub_ref[...] = u[:, DH:]


def _tc3_body(cnt_ref, aa_ref, ab_ref, ua_ref, ub_ref, b1_ref, w2_ref,
              oa_ref, ob_ref):
    dis = _dis_from_cnt(cnt_ref)
    agg = jnp.concatenate([aa_ref[...], ab_ref[...]], axis=1)
    u1 = jnp.concatenate([ua_ref[...], ub_ref[...]], axis=1)
    x2 = jnp.maximum((agg + u1) * dis[:, None] + b1_ref[...][None, :], 0.0)
    h2 = jnp.dot(x2, w2_ref[...], preferred_element_type=f32)
    u2 = h2 * dis[:, None]
    oa_ref[...] = u2[:, :DH]
    ob_ref[...] = u2[:, DH:]


def _tc5_body(cnt_ref, aa_ref, ab_ref, ua_ref, ub_ref, b2_ref, o_ref):
    dis = _dis_from_cnt(cnt_ref)
    agg = jnp.concatenate([aa_ref[...], ab_ref[...]], axis=1)
    u2 = jnp.concatenate([ua_ref[...], ub_ref[...]], axis=1)
    o_ref[...] = (agg + u2) * dis[:, None] + b2_ref[...][None, :]


_CNT_SPEC = pl.BlockSpec((2, NT, BR), lambda i: (0, 0, i))
_HALF_SPEC = pl.BlockSpec((BR, DH), lambda i: (i, 0))
_FULL_SPEC = pl.BlockSpec((BR, D), lambda i: (i, 0))
_W_SPEC = pl.BlockSpec((D, D), lambda i: (0, 0))
_B_SPEC = pl.BlockSpec((D,), lambda i: (0,))
_GRID = (NPAD // BR,)


def _tc1(cnt, x, w1):
    return pl.pallas_call(
        _tc1_body,
        grid=_GRID,
        in_specs=[_CNT_SPEC, _FULL_SPEC, _W_SPEC],
        out_specs=(_HALF_SPEC, _HALF_SPEC),
        out_shape=(jax.ShapeDtypeStruct((NPAD, DH), f32),
                   jax.ShapeDtypeStruct((NPAD, DH), f32)),
    )(cnt, x, w1)


def _tc3(cnt, aa, ab, ua, ub, b1, w2):
    return pl.pallas_call(
        _tc3_body,
        grid=_GRID,
        in_specs=[_CNT_SPEC, _HALF_SPEC, _HALF_SPEC, _HALF_SPEC, _HALF_SPEC,
                  _B_SPEC, _W_SPEC],
        out_specs=(_HALF_SPEC, _HALF_SPEC),
        out_shape=(jax.ShapeDtypeStruct((NPAD, DH), f32),
                   jax.ShapeDtypeStruct((NPAD, DH), f32)),
    )(cnt, aa, ab, ua, ub, b1, w2)


def _tc5(cnt, aa, ab, ua, ub, b2):
    return pl.pallas_call(
        _tc5_body,
        grid=_GRID,
        in_specs=[_CNT_SPEC, _HALF_SPEC, _HALF_SPEC, _HALF_SPEC, _HALF_SPEC,
                  _B_SPEC],
        out_specs=_FULL_SPEC,
        out_shape=jax.ShapeDtypeStruct((NPAD, D), f32),
    )(cnt, aa, ab, ua, ub, b2)


def kernel(x, edge_index, W1, b1, W2, b2):
    x_pad = jnp.pad(x, ((0, NPAD - N), (0, 0)))
    ei = edge_index.astype(jnp.int32)
    npad_e = TOT_E - E
    pad_idx = N + (jnp.arange(npad_e, dtype=jnp.int32) % (NPAD - N))
    src = jnp.concatenate([ei[0], pad_idx]).reshape(NT, NCH, CH)
    dst = jnp.concatenate([ei[1], pad_idx]).reshape(NT, NCH, CH)
    zrow = jnp.zeros((CH, DH), f32)

    cnt = _sc_degree(dst, jnp.zeros((NPAD,), f32))
    ua, ub = _tc1(cnt, x_pad, W1)
    aa, ab = _sc_agg(ua, ub, src, dst, zrow)
    u2a, u2b = _tc3(cnt, aa, ab, ua, ub, b1, W2)
    a2a, a2b = _sc_agg(u2a, u2b, src, dst, zrow)
    out = _tc5(cnt, a2a, a2b, u2a, u2b, b2)
    return out[:N]

# --- scband reference (transcript-rebuilt; emitter-appended) ---
"""Pipeline reference for scband-environment-encoder-29970281791721 (READ-ONLY COPY).

The authoritative reference and input builder live on the scoring server;
editing this copy changes nothing except your own understanding.
"""

import jax, jax.numpy as jnp
import numpy as np

N = 10000
E = 160000
D_IN = 256
D_HID = 256
D_ENV = 256


def setup_inputs(seed: int = 0) -> dict:
    key = jax.random.key(seed)
    k1, k2, k3, k4, k5, k6 = jax.random.split(key, 6)
    x = jax.random.normal(k1, (N, D_IN), dtype=jnp.float32)
    edge_index = jax.random.randint(k2, (2, E), 0, N)
    W1 = jax.random.normal(k3, (D_IN, D_HID), dtype=jnp.float32) * (1.0 / np.sqrt(D_IN))
    b1 = jnp.zeros((D_HID,), dtype=jnp.float32)
    W2 = jax.random.normal(k4, (D_HID, D_ENV), dtype=jnp.float32) * (1.0 / np.sqrt(D_HID))
    b2 = jnp.zeros((D_ENV,), dtype=jnp.float32)
    return {"x": x, "edge_index": edge_index, "W1": W1, "b1": b1, "W2": W2, "b2": b2}


def _gcn_layer(x, edge_index, W, b):
    # PyG GCNConv: add self-loops, symmetric normalization D^-1/2 (A+I) D^-1/2, then X W + b
    n = x.shape[0]
    src = edge_index[0]
    dst = edge_index[1]
    loop = jnp.arange(n, dtype=src.dtype)
    src = jnp.concatenate([src, loop])
    dst = jnp.concatenate([dst, loop])
    ones = jnp.ones(src.shape[0], dtype=x.dtype)
    deg = jax.ops.segment_sum(ones, dst, num_segments=n)
    deg_inv_sqrt = jnp.where(deg > 0, 1.0 / jnp.sqrt(deg), 0.0)
    norm = deg_inv_sqrt[src] * deg_inv_sqrt[dst]
    h = x @ W
    msg = h[src] * norm[:, None]
    out = jax.ops.segment_sum(msg, dst, num_segments=n)
    return out + b


def reference(x, edge_index, W1, b1, W2, b2):
    h = jax.nn.relu(_gcn_layer(x, edge_index, W1, b1))
    out = _gcn_layer(h, edge_index, W2, b2)
    return out

if __name__ == "__main__":
    import jax
    _d = setup_inputs()
    print(jax.jit(kernel)(*tuple(_d.values())))

</pallas_src>

<mosaic_0001>
#map = affine_map<(d0, d1) -> (0, 0, 0)>
#map1 = affine_map<(d0, d1) -> (0)>
module attributes {stable_mosaic.version = 14 : i64} {
  func.func @_sc_degree(%arg0: i32, %arg1: i32, %arg2: memref<16x80x128xi32, #tpu.memory_space<hbm>>, %arg3: memref<10240xf32, #tpu.memory_space<hbm>>, %arg4: memref<2x16x10240xf32, #tpu.memory_space<hbm>>, %arg5: memref<40x128xi32, #tpu.memory_space<vmem>>, %arg6: memref<10240xf32, #tpu.memory_space<vmem>>) attributes {dimension_semantics = [#tpu.dimension_semantics<core_parallel>, #tpu.dimension_semantics<subcore_parallel>], iteration_bounds = array<i64: 2, 16>, scalar_prefetch = 0 : i64, scratch_operands = 2 : i64, tpu.core_type = #tpu.core_type<sc_vector_subcore>, window_params = [{transform_indices = #map}, {transform_indices = #map1}, {transform_indices = #map}]} {
    "tpu.region"() ({
      %run_scoped3A = tpu.sem_alloc : memref<!tpu.dma_semaphore, #tpu.memory_space<semaphore_mem>>
      tpu.enqueue_dma source(%arg3 : memref<10240xf32, #tpu.memory_space<hbm>>) target(%arg6 : memref<10240xf32, #tpu.memory_space<vmem>>) target_semaphore(%run_scoped3A : memref<!tpu.dma_semaphore, #tpu.memory_space<semaphore_mem>>)
      tpu.wait_dma2 semaphore(%run_scoped3A : memref<!tpu.dma_semaphore, #tpu.memory_space<semaphore_mem>>) src(%arg3 : memref<10240xf32, #tpu.memory_space<hbm>>) dst(%arg6 : memref<10240xf32, #tpu.memory_space<vmem>>)
      tpu.yield
    }) : () -> ()
    %mul3A = arith.constant 40 : i32
    %mul3A_0 = arith.muli %arg0, %mul3A : i32
    "tpu.region"() ({
      %run_scoped3A = tpu.sem_alloc : memref<!tpu.dma_semaphore, #tpu.memory_space<semaphore_mem>>
      %dma_start3A = arith.constant 0 : i32
      %dma_start3A_6 = tpu.memref_slice %arg2[%arg1, %mul3A_0, %dma_start3A] : memref<16x80x128xi32, #tpu.memory_space<hbm>> -> memref<1x40x128xi32, #tpu.memory_space<hbm>>
      %dma_start3A_7 = tpu.memref_squeeze %dma_start3A_6 : memref<1x40x128xi32, #tpu.memory_space<hbm>> -> memref<40x128xi32, #tpu.memory_space<hbm>>
      %dma_start3A_8 = arith.constant 0 : i32
      %dma_start3A_9 = tpu.memref_slice %arg2[%arg1, %mul3A_0, %dma_start3A_8] : memref<16x80x128xi32, #tpu.memory_space<hbm>> -> memref<1x40x128xi32, #tpu.memory_space<hbm>>
      %dma_start3A_10 = tpu.memref_squeeze %dma_start3A_9 : memref<1x40x128xi32, #tpu.memory_space<hbm>> -> memref<40x128xi32, #tpu.memory_space<hbm>>
      tpu.enqueue_dma source(%dma_start3A_10 : memref<40x128xi32, #tpu.memory_space<hbm>>) target(%arg5 : memref<40x128xi32, #tpu.memory_space<vmem>>) target_semaphore(%run_scoped3A : memref<!tpu.dma_semaphore, #tpu.memory_space<semaphore_mem>>)
      %dma_wait3A = arith.constant 0 : i32
      %dma_wait3A_11 = tpu.memref_slice %arg2[%arg1, %mul3A_0, %dma_wait3A] : memref<16x80x128xi32, #tpu.memory_space<hbm>> -> memref<1x40x128xi32, #tpu.memory_space<hbm>>
      %dma_wait3A_12 = tpu.memref_squeeze %dma_wait3A_11 : memref<1x40x128xi32, #tpu.memory_space<hbm>> -> memref<40x128xi32, #tpu.memory_space<hbm>>
      %dma_wait3A_13 = arith.constant 0 : i32
      %dma_wait3A_14 = tpu.memref_slice %arg2[%arg1, %mul3A_0, %dma_wait3A_13] : memref<16x80x128xi32, #tpu.memory_space<hbm>> -> memref<1x40x128xi32, #tpu.memory_space<hbm>>
      %dma_wait3A_15 = tpu.memref_squeeze %dma_wait3A_14 : memref<1x40x128xi32, #tpu.memory_space<hbm>> -> memref<40x128xi32, #tpu.memory_space<hbm>>
      tpu.wait_dma2 semaphore(%run_scoped3A : memref<!tpu.dma_semaphore, #tpu.memory_space<semaphore_mem>>) src(%dma_wait3A_15 : memref<40x128xi32, #tpu.memory_space<hbm>>) dst(%arg5 : memref<40x128xi32, #tpu.memory_space<vmem>>)
      tpu.yield
    }) : () -> ()
    %scan3A = arith.constant 0 : i32
    %scan3A_1 = arith.constant 0 : i32
    %scan3A_2 = arith.constant 40 : i32
    %scan3A_3 = arith.addi %scan3A_1, %scan3A_2 : i32
    %scan3A_4 = arith.constant 1 : i32
    scf.for %scan3A_6 = %scan3A_1 to %scan3A_3 step %scan3A_4  : i32 {
      %get3A = arith.index_cast %scan3A_6 : i32 to index
      %get3A_7 = arith.constant 0 : index
      %get3A_8 = tpu.vector_load %arg5[%get3A, %get3A_7] {strides = array<i32>} : memref<40x128xi32, #tpu.memory_space<vmem>>, vector<16xi32>,
      %broadcast_in_dim3A = arith.constant true
      %broadcast_in_dim3A_9 = vector.broadcast %broadcast_in_dim3A : i1 to vector<16xi1>
      %unique3A, %unique3A_10 = tpu.scan_count mask(%broadcast_in_dim3A_9 : vector<16xi1>) value(%get3A_8 : vector<16xi32>) : vector<16xi1>, vector<16xi32>
      %convert_element_type3A = arith.sitofp %unique3A_10 : vector<16xi32> to vector<16xf32>
      tpu.vector_store_idx %arg6[%get3A_8], %convert_element_type3A masked %unique3A {add = true} : memref<10240xf32, #tpu.memory_space<vmem>>[vector<16xi32>], vector<16xf32>, vector<16xi1>
      %get3A_11 = arith.index_cast %scan3A_6 : i32 to index
      %get3A_12 = arith.constant 16 : index
      %get3A_13 = tpu.vector_load %arg5[%get3A_11, %get3A_12] {strides = array<i32>} : memref<40x128xi32, #tpu.memory_space<vmem>>, vector<16xi32>,
      %broadcast_in_dim3A_14 = arith.constant true
      %broadcast_in_dim3A_15 = vector.broadcast %broadcast_in_dim3A_14 : i1 to vector<16xi1>
      %unique3A_16, %unique3A_17 = tpu.scan_count mask(%broadcast_in_dim3A_15 : vector<16xi1>) value(%get3A_13 : vector<16xi32>) : vector<16xi1>, vector<16xi32>
      %convert_element_type3A_18 = arith.sitofp %unique3A_17 : vector<16xi32> to vector<16xf32>
      tpu.vector_store_idx %arg6[%get3A_13], %convert_element_type3A_18 masked %unique3A_16 {add = true} : memref<10240xf32, #tpu.memory_space<vmem>>[vector<16xi32>], vector<16xf32>, vector<16xi1>
      %get3A_19 = arith.index_cast %scan3A_6 : i32 to index
      %get3A_20 = arith.constant 32 : index
      %get3A_21 = tpu.vector_load %arg5[%get3A_19, %get3A_20] {strides = array<i32>} : memref<40x128xi32, #tpu.memory_space<vmem>>, vector<16xi32>,
      %broadcast_in_dim3A_22 = arith.constant true
      %broadcast_in_dim3A_23 = vector.broadcast %broadcast_in_dim3A_22 : i1 to vector<16xi1>
      %unique3A_24, %unique3A_25 = tpu.scan_count mask(%broadcast_in_dim3A_23 : vector<16xi1>) value(%get3A_21 : vector<16xi32>) : vector<16xi1>, vector<16xi32>
      %convert_element_type3A_26 = arith.sitofp %unique3A_25 : vector<16xi32> to vector<16xf32>
      tpu.vector_store_idx %arg6[%get3A_21], %convert_element_type3A_26 masked %unique3A_24 {add = true} : memref<10240xf32, #tpu.memory_space<vmem>>[vector<16xi32>], vector<16xf32>, vector<16xi1>
      %get3A_27 = arith.index_cast %scan3A_6 : i32 to index
      %get3A_28 = arith.constant 48 : index
      %get3A_29 = tpu.vector_load %arg5[%get3A_27, %get3A_28] {strides = array<i32>} : memref<40x128xi32, #tpu.memory_space<vmem>>, vector<16xi32>,
      %broadcast_in_dim3A_30 = arith.constant true
      %broadcast_in_dim3A_31 = vector.broadcast %broadcast_in_dim3A_30 : i1 to vector<16xi1>
      %unique3A_32, %unique3A_33 = tpu.scan_count mask(%broadcast_in_dim3A_31 : vector<16xi1>) value(%get3A_29 : vector<16xi32>) : vector<16xi1>, vector<16xi32>
      %convert_element_type3A_34 = arith.sitofp %unique3A_33 : vector<16xi32> to vector<16xf32>
      tpu.vector_store_idx %arg6[%get3A_29], %convert_element_type3A_34 masked %unique3A_32 {add = true} : memref<10240xf32, #tpu.memory_space<vmem>>[vector<16xi32>], vector<16xf32>, vector<16xi1>
      %get3A_35 = arith.index_cast %scan3A_6 : i32 to index
      %get3A_36 = arith.constant 64 : index
      %get3A_37 = tpu.vector_load %arg5[%get3A_35, %get3A_36] {strides = array<i32>} : memref<40x128xi32, #tpu.memory_space<vmem>>, vector<16xi32>,
      %broadcast_in_dim3A_38 = arith.constant true
      %broadcast_in_dim3A_39 = vector.broadcast %broadcast_in_dim3A_38 : i1 to vector<16xi1>
      %unique3A_40, %unique3A_41 = tpu.scan_count mask(%broadcast_in_dim3A_39 : vector<16xi1>) value(%get3A_37 : vector<16xi32>) : vector<16xi1>, vector<16xi32>
      %convert_element_type3A_42 = arith.sitofp %unique3A_41 : vector<16xi32> to vector<16xf32>
      tpu.vector_store_idx %arg6[%get3A_37], %convert_element_type3A_42 masked %unique3A_40 {add = true} : memref<10240xf32, #tpu.memory_space<vmem>>[vector<16xi32>], vector<16xf32>, vector<16xi1>
      %get3A_43 = arith.index_cast %scan3A_6 : i32 to index
      %get3A_44 = arith.constant 80 : index
      %get3A_45 = tpu.vector_load %arg5[%get3A_43, %get3A_44] {strides = array<i32>} : memref<40x128xi32, #tpu.memory_space<vmem>>, vector<16xi32>,
      %broadcast_in_dim3A_46 = arith.constant true
      %broadcast_in_dim3A_47 = vector.broadcast %broadcast_in_dim3A_46 : i1 to vector<16xi1>
      %unique3A_48, %unique3A_49 = tpu.scan_count mask(%broadcast_in_dim3A_47 : vector<16xi1>) value(%get3A_45 : vector<16xi32>) : vector<16xi1>, vector<16xi32>
      %convert_element_type3A_50 = arith.sitofp %unique3A_49 : vector<16xi32> to vector<16xf32>
      tpu.vector_store_idx %arg6[%get3A_45], %convert_element_type3A_50 masked %unique3A_48 {add = true} : memref<10240xf32, #tpu.memory_space<vmem>>[vector<16xi32>], vector<16xf32>, vector<16xi1>
      %get3A_51 = arith.index_cast %scan3A_6 : i32 to index
      %get3A_52 = arith.constant 96 : index
      %get3A_53 = tpu.vector_load %arg5[%get3A_51, %get3A_52] {strides = array<i32>} : memref<40x128xi32, #tpu.memory_space<vmem>>, vector<16xi32>,
      %broadcast_in_dim3A_54 = arith.constant true
      %broadcast_in_dim3A_55 = vector.broadcast %broadcast_in_dim3A_54 : i1 to vector<16xi1>
      %unique3A_56, %unique3A_57 = tpu.scan_count mask(%broadcast_in_dim3A_55 : vector<16xi1>) value(%get3A_53 : vector<16xi32>) : vector<16xi1>, vector<16xi32>
      %convert_element_type3A_58 = arith.sitofp %unique3A_57 : vector<16xi32> to vector<16xf32>
      tpu.vector_store_idx %arg6[%get3A_53], %convert_element_type3A_58 masked %unique3A_56 {add = true} : memref<10240xf32, #tpu.memory_space<vmem>>[vector<16xi32>], vector<16xf32>, vector<16xi1>
      %get3A_59 = arith.index_cast %scan3A_6 : i32 to index
      %get3A_60 = arith.constant 112 : index
      %get3A_61 = tpu.vector_load %arg5[%get3A_59, %get3A_60] {strides = array<i32>} : memref<40x128xi32, #tpu.memory_space<vmem>>, vector<16xi32>,
      %broadcast_in_dim3A_62 = arith.constant true
      %broadcast_in_dim3A_63 = vector.broadcast %broadcast_in_dim3A_62 : i1 to vector<16xi1>
      %unique3A_64, %unique3A_65 = tpu.scan_count mask(%broadcast_in_dim3A_63 : vector<16xi1>) value(%get3A_61 : vector<16xi32>) : vector<16xi1>, vector<16xi32>
      %convert_element_type3A_66 = arith.sitofp %unique3A_65 : vector<16xi32> to vector<16xf32>
      tpu.vector_store_idx %arg6[%get3A_61], %convert_element_type3A_66 masked %unique3A_64 {add = true} : memref<10240xf32, #tpu.memory_space<vmem>>[vector<16xi32>], vector<16xf32>, vector<16xi1>
    }
    %scan3A_5 = arith.constant 40 : i32
    "tpu.region"() ({
      %run_scoped3A = tpu.sem_alloc : memref<!tpu.dma_semaphore, #tpu.memory_space<semaphore_mem>>
      %dma_start3A = arith.constant 0 : i32
      %dma_start3A_6 = tpu.memref_slice %arg4[%arg0, %arg1, %dma_start3A] : memref<2x16x10240xf32, #tpu.memory_space<hbm>> -> memref<1x1x10240xf32, #tpu.memory_space<hbm>>
      %dma_start3A_7 = tpu.memref_squeeze %dma_start3A_6 : memref<1x1x10240xf32, #tpu.memory_space<hbm>> -> memref<10240xf32, #tpu.memory_space<hbm>>
      %dma_start3A_8 = arith.constant 0 : i32
      %dma_start3A_9 = tpu.memref_slice %arg4[%arg0, %arg1, %dma_start3A_8] : memref<2x16x10240xf32, #tpu.memory_space<hbm>> -> memref<1x1x10240xf32, #tpu.memory_space<hbm>>
      %dma_start3A_10 = tpu.memref_squeeze %dma_start3A_9 : memref<1x1x10240xf32, #tpu.memory_space<hbm>> -> memref<10240xf32, #tpu.memory_space<hbm>>
      tpu.enqueue_dma source(%arg6 : memref<10240xf32, #tpu.memory_space<vmem>>) target(%dma_start3A_10 : memref<10240xf32, #tpu.memory_space<hbm>>) target_semaphore(%run_scoped3A : memref<!tpu.dma_semaphore, #tpu.memory_space<semaphore_mem>>)
      %dma_wait3A = arith.constant 0 : i32
      %dma_wait3A_11 = tpu.memref_slice %arg4[%arg0, %arg1, %dma_wait3A] : memref<2x16x10240xf32, #tpu.memory_space<hbm>> -> memref<1x1x10240xf32, #tpu.memory_space<hbm>>
      %dma_wait3A_12 = tpu.memref_squeeze %dma_wait3A_11 : memref<1x1x10240xf32, #tpu.memory_space<hbm>> -> memref<10240xf32, #tpu.memory_space<hbm>>
      %dma_wait3A_13 = arith.constant 0 : i32
      %dma_wait3A_14 = tpu.memref_slice %arg4[%arg0, %arg1, %dma_wait3A_13] : memref<2x16x10240xf32, #tpu.memory_space<hbm>> -> memref<1x1x10240xf32, #tpu.memory_space<hbm>>
      %dma_wait3A_15 = tpu.memref_squeeze %dma_wait3A_14 : memref<1x1x10240xf32, #tpu.memory_space<hbm>> -> memref<10240xf32, #tpu.memory_space<hbm>>
      tpu.wait_dma2 semaphore(%run_scoped3A : memref<!tpu.dma_semaphore, #tpu.memory_space<semaphore_mem>>) src(%arg6 : memref<10240xf32, #tpu.memory_space<vmem>>) dst(%dma_wait3A_15 : memref<10240xf32, #tpu.memory_space<hbm>>)
      tpu.yield
    }) : () -> ()
    return
  }
}

#map = affine_map<(d0, d1) -> (0, 0)>
#map1 = affine_map<(d0, d1) -> (0, 0, 0)>
module attributes {stable_mosaic.version = 14 : i64} {
  func.func @_sc_agg(%arg0: i32, %arg1: i32, %arg2: memref<10240x128xf32, #tpu.memory_space<hbm>>, %arg3: memref<10240x128xf32, #tpu.memory_space<hbm>>, %arg4: memref<16x80x128xi32, #tpu.memory_space<hbm>>, %arg5: memref<16x80x128xi32, #tpu.memory_space<hbm>>, %arg6: memref<128x128xf32, #tpu.memory_space<hbm>>, %arg7: memref<10240x128xf32, #tpu.memory_space<hbm>>, %arg8: memref<10240x128xf32, #tpu.memory_space<hbm>>, %arg9: memref<128xi32, #tpu.memory_space<vmem>>, %arg10: memref<128xi32, #tpu.memory_space<vmem>>, %arg11: memref<128xi32, #tpu.memory_space<vmem>>, %arg12: memref<128xi32, #tpu.memory_space<vmem>>, %arg13: memref<128x128xf32, #tpu.memory_space<vmem>>, %arg14: memref<128x128xf32, #tpu.memory_space<vmem>>, %arg15: memref<10240x128xf32, #tpu.memory_space<vmem_shared>>, %arg16: memref<!tpu.dma_semaphore, #tpu.memory_space<semaphore_mem>>, %arg17: memref<!tpu.dma_semaphore, #tpu.memory_space<semaphore_mem>>, %arg18: memref<!tpu.dma_semaphore, #tpu.memory_space<semaphore_mem>>, %arg19: memref<!tpu.dma_semaphore, #tpu.memory_space<semaphore_mem>>, %arg20: memref<!tpu.dma_semaphore, #tpu.memory_space<semaphore_mem>>, %arg21: memref<!tpu.dma_semaphore, #tpu.memory_space<semaphore_mem>>) attributes {dimension_semantics = [#tpu.dimension_semantics<core_parallel>, #tpu.dimension_semantics<subcore_parallel>], iteration_bounds = array<i64: 2, 16>, scalar_prefetch = 0 : i64, scratch_operands = 13 : i64, tpu.core_type = #tpu.core_type<sc_vector_subcore>, window_params = [{transform_indices = #map}, {transform_indices = #map}, {transform_indices = #map1}, {transform_indices = #map1}, {transform_indices = #map}, {transform_indices = #map}, {transform_indices = #map}]} {
    %mul3A = arith.constant 640 : i32
    %mul3A_0 = arith.muli %arg1, %mul3A : i32
    "tpu.region"() ({
      %run_scoped3A = tpu.sem_alloc : memref<!tpu.dma_semaphore, #tpu.memory_space<semaphore_mem>>
      tpu.enqueue_dma source(%arg6 : memref<128x128xf32, #tpu.memory_space<hbm>>) target(%arg13 : memref<128x128xf32, #tpu.memory_space<vmem>>) target_semaphore(%run_scoped3A : memref<!tpu.dma_semaphore, #tpu.memory_space<semaphore_mem>>)
      tpu.wait_dma2 semaphore(%run_scoped3A : memref<!tpu.dma_semaphore, #tpu.memory_space<semaphore_mem>>) src(%arg6 : memref<128x128xf32, #tpu.memory_space<hbm>>) dst(%arg13 : memref<128x128xf32, #tpu.memory_space<vmem>>)
      tpu.yield
    }) : () -> ()
    %add3A = arith.constant 0 : i32
    %add3A_1 = arith.addi %mul3A_0, %add3A : i32
    "tpu.region"() ({
      %run_scoped3A = tpu.sem_alloc : memref<!tpu.dma_semaphore, #tpu.memory_space<semaphore_mem>>
      %dma_start3A = arith.constant 0 : i32
      %dma_start3A_17 = tpu.memref_slice %arg15[%add3A_1, %dma_start3A] : memref<10240x128xf32, #tpu.memory_space<vmem_shared>> -> memref<128x128xf32, #tpu.memory_space<vmem_shared>>
      %dma_start3A_18 = arith.constant 0 : i32
      %dma_start3A_19 = tpu.memref_slice %arg15[%add3A_1, %dma_start3A_18] : memref<10240x128xf32, #tpu.memory_space<vmem_shared>> -> memref<128x128xf32, #tpu.memory_space<vmem_shared>>
      tpu.enqueue_dma source(%arg13 : memref<128x128xf32, #tpu.memory_space<vmem>>) target(%dma_start3A_19 : memref<128x128xf32, #tpu.memory_space<vmem_shared>>) target_semaphore(%run_scoped3A : memref<!tpu.dma_semaphore, #tpu.memory_space<semaphore_mem>>)
      %dma_wait3A = arith.constant 0 : i32
      %dma_wait3A_20 = tpu.memref_slice %arg15[%add3A_1, %dma_wait3A] : memref<10240x128xf32, #tpu.memory_space<vmem_shared>> -> memref<128x128xf32, #tpu.memory_space<vmem_shared>>
      %dma_wait3A_21 = arith.constant 0 : i32
      %dma_wait3A_22 = tpu.memref_slice %arg15[%add3A_1, %dma_wait3A_21] : memref<10240x128xf32, #tpu.memory_space<vmem_shared>> -> memref<128x128xf32, #tpu.memory_space<vmem_shared>>
      tpu.wait_dma2 semaphore(%run_scoped3A : memref<!tpu.dma_semaphore, #tpu.memory_space<semaphore_mem>>) src(%arg13 : memref<128x128xf32, #tpu.memory_space<vmem>>) dst(%dma_wait3A_22 : memref<128x128xf32, #tpu.memory_space<vmem_shared>>)
      tpu.yield
    }) : () -> ()
    %add3A_2 = arith.constant 128 : i32
    %add3A_3 = arith.addi %mul3A_0, %add3A_2 : i32
    "tpu.region"() ({
      %run_scoped3A = tpu.sem_alloc : memref<!tpu.dma_semaphore, #tpu.memory_space<semaphore_mem>>
      %dma_start3A = arith.constant 0 : i32
      %dma_start3A_17 = tpu.memref_slice %arg15[%add3A_3, %dma_start3A] : memref<10240x128xf32, #tpu.memory_space<vmem_shared>> -> memref<128x128xf32, #tpu.memory_space<vmem_shared>>
      %dma_start3A_18 = arith.constant 0 : i32
      %dma_start3A_19 = tpu.memref_slice %arg15[%add3A_3, %dma_start3A_18] : memref<10240x128xf32, #tpu.memory_space<vmem_shared>> -> memref<128x128xf32, #tpu.memory_space<vmem_shared>>
      tpu.enqueue_dma source(%arg13 : memref<128x128xf32, #tpu.memory_space<vmem>>) target(%dma_start3A_19 : memref<128x128xf32, #tpu.memory_space<vmem_shared>>) target_semaphore(%run_scoped3A : memref<!tpu.dma_semaphore, #tpu.memory_space<semaphore_mem>>)
      %dma_wait3A = arith.constant 0 : i32
      %dma_wait3A_20 = tpu.memref_slice %arg15[%add3A_3, %dma_wait3A] : memref<10240x128xf32, #tpu.memory_space<vmem_shared>> -> memref<128x128xf32, #tpu.memory_space<vmem_shared>>
      %dma_wait3A_21 = arith.constant 0 : i32
      %dma_wait3A_22 = tpu.memref_slice %arg15[%add3A_3, %dma_wait3A_21] : memref<10240x128xf32, #tpu.memory_space<vmem_shared>> -> memref<128x128xf32, #tpu.memory_space<vmem_shared>>
      tpu.wait_dma2 semaphore(%run_scoped3A : memref<!tpu.dma_semaphore, #tpu.memory_space<semaphore_mem>>) src(%arg13 : memref<128x128xf32, #tpu.memory_space<vmem>>) dst(%dma_wait3A_22 : memref<128x128xf32, #tpu.memory_space<vmem_shared>>)
      tpu.yield
    }) : () -> ()
    %add3A_4 = arith.constant 256 : i32
    %add3A_5 = arith.addi %mul3A_0, %add3A_4 : i32
    "tpu.region"() ({
      %run_scoped3A = tpu.sem_alloc : memref<!tpu.dma_semaphore, #tpu.memory_space<semaphore_mem>>
      %dma_start3A = arith.constant 0 : i32
      %dma_start3A_17 = tpu.memref_slice %arg15[%add3A_5, %dma_start3A] : memref<10240x128xf32, #tpu.memory_space<vmem_shared>> -> memref<128x128xf32, #tpu.memory_space<vmem_shared>>
      %dma_start3A_18 = arith.constant 0 : i32
      %dma_start3A_19 = tpu.memref_slice %arg15[%add3A_5, %dma_start3A_18] : memref<10240x128xf32, #tpu.memory_space<vmem_shared>> -> memref<128x128xf32, #tpu.memory_space<vmem_shared>>
      tpu.enqueue_dma source(%arg13 : memref<128x128xf32, #tpu.memory_space<vmem>>) target(%dma_start3A_19 : memref<128x128xf32, #tpu.memory_space<vmem_shared>>) target_semaphore(%run_scoped3A : memref<!tpu.dma_semaphore, #tpu.memory_space<semaphore_mem>>)
      %dma_wait3A = arith.constant 0 : i32
      %dma_wait3A_20 = tpu.memref_slice %arg15[%add3A_5, %dma_wait3A] : memref<10240x128xf32, #tpu.memory_space<vmem_shared>> -> memref<128x128xf32, #tpu.memory_space<vmem_shared>>
      %dma_wait3A_21 = arith.constant 0 : i32
      %dma_wait3A_22 = tpu.memref_slice %arg15[%add3A_5, %dma_wait3A_21] : memref<10240x128xf32, #tpu.memory_space<vmem_shared>> -> memref<128x128xf32, #tpu.memory_space<vmem_shared>>
      tpu.wait_dma2 semaphore(%run_scoped3A : memref<!tpu.dma_semaphore, #tpu.memory_space<semaphore_mem>>) src(%arg13 : memref<128x128xf32, #tpu.memory_space<vmem>>) dst(%dma_wait3A_22 : memref<128x128xf32, #tpu.memory_space<vmem_shared>>)
      tpu.yield
    }) : () -> ()
    %add3A_6 = arith.constant 384 : i32
    %add3A_7 = arith.addi %mul3A_0, %add3A_6 : i32
    "tpu.region"() ({
      %run_scoped3A = tpu.sem_alloc : memref<!tpu.dma_semaphore, #tpu.memory_space<semaphore_mem>>
      %dma_start3A = arith.constant 0 : i32
      %dma_start3A_17 = tpu.memref_slice %arg15[%add3A_7, %dma_start3A] : memref<10240x128xf32, #tpu.memory_space<vmem_shared>> -> memref<128x128xf32, #tpu.memory_space<vmem_shared>>
      %dma_start3A_18 = arith.constant 0 : i32
      %dma_start3A_19 = tpu.memref_slice %arg15[%add3A_7, %dma_start3A_18] : memref<10240x128xf32, #tpu.memory_space<vmem_shared>> -> memref<128x128xf32, #tpu.memory_space<vmem_shared>>
      tpu.enqueue_dma source(%arg13 : memref<128x128xf32, #tpu.memory_space<vmem>>) target(%dma_start3A_19 : memref<128x128xf32, #tpu.memory_space<vmem_shared>>) target_semaphore(%run_scoped3A : memref<!tpu.dma_semaphore, #tpu.memory_space<semaphore_mem>>)
      %dma_wait3A = arith.constant 0 : i32
      %dma_wait3A_20 = tpu.memref_slice %arg15[%add3A_7, %dma_wait3A] : memref<10240x128xf32, #tpu.memory_space<vmem_shared>> -> memref<128x128xf32, #tpu.memory_space<vmem_shared>>
      %dma_wait3A_21 = arith.constant 0 : i32
      %dma_wait3A_22 = tpu.memref_slice %arg15[%add3A_7, %dma_wait3A_21] : memref<10240x128xf32, #tpu.memory_space<vmem_shared>> -> memref<128x128xf32, #tpu.memory_space<vmem_shared>>
      tpu.wait_dma2 semaphore(%run_scoped3A : memref<!tpu.dma_semaphore, #tpu.memory_space<semaphore_mem>>) src(%arg13 : memref<128x128xf32, #tpu.memory_space<vmem>>) dst(%dma_wait3A_22 : memref<128x128xf32, #tpu.memory_space<vmem_shared>>)
      tpu.yield
    }) : () -> ()
    %add3A_8 = arith.constant 512 : i32
    %add3A_9 = arith.addi %mul3A_0, %add3A_8 : i32
    "tpu.region"() ({
      %run_scoped3A = tpu.sem_alloc : memref<!tpu.dma_semaphore, #tpu.memory_space<semaphore_mem>>
      %dma_start3A = arith.constant 0 : i32
      %dma_start3A_17 = tpu.memref_slice %arg15[%add3A_9, %dma_start3A] : memref<10240x128xf32, #tpu.memory_space<vmem_shared>> -> memref<128x128xf32, #tpu.memory_space<vmem_shared>>
      %dma_start3A_18 = arith.constant 0 : i32
      %dma_start3A_19 = tpu.memref_slice %arg15[%add3A_9, %dma_start3A_18] : memref<10240x128xf32, #tpu.memory_space<vmem_shared>> -> memref<128x128xf32, #tpu.memory_space<vmem_shared>>
      tpu.enqueue_dma source(%arg13 : memref<128x128xf32, #tpu.memory_space<vmem>>) target(%dma_start3A_19 : memref<128x128xf32, #tpu.memory_space<vmem_shared>>) target_semaphore(%run_scoped3A : memref<!tpu.dma_semaphore, #tpu.memory_space<semaphore_mem>>)
      %dma_wait3A = arith.constant 0 : i32
      %dma_wait3A_20 = tpu.memref_slice %arg15[%add3A_9, %dma_wait3A] : memref<10240x128xf32, #tpu.memory_space<vmem_shared>> -> memref<128x128xf32, #tpu.memory_space<vmem_shared>>
      %dma_wait3A_21 = arith.constant 0 : i32
      %dma_wait3A_22 = tpu.memref_slice %arg15[%add3A_9, %dma_wait3A_21] : memref<10240x128xf32, #tpu.memory_space<vmem_shared>> -> memref<128x128xf32, #tpu.memory_space<vmem_shared>>
      tpu.wait_dma2 semaphore(%run_scoped3A : memref<!tpu.dma_semaphore, #tpu.memory_space<semaphore_mem>>) src(%arg13 : memref<128x128xf32, #tpu.memory_space<vmem>>) dst(%dma_wait3A_22 : memref<128x128xf32, #tpu.memory_space<vmem_shared>>)
      tpu.yield
    }) : () -> ()
    %barrier3A = arith.constant 0 : index
    tpu.barrier barrier_id(%barrier3A)
    %eq3A = arith.constant 0 : i32
    %eq3A_10 = arith.cmpi eq, %arg0, %eq3A : i32
    %convert_element_type3A = arith.extui %eq3A_10 : i1 to i32
    %cond3A = arith.constant 0 : i32
    %cond3A_11 = arith.cmpi ne, %convert_element_type3A, %cond3A : i32
    scf.if %cond3A_11 {
      %run_scoped3A = arith.constant 0 : i32
      "tpu.region"() ({
        %run_scoped3A_46 = tpu.sem_alloc : memref<!tpu.dma_semaphore, #tpu.memory_space<semaphore_mem>>
        %dma_start3A_47 = arith.constant 0 : i32
        %dma_start3A_48 = tpu.memref_slice %arg4[%arg1, %run_scoped3A, %dma_start3A_47] : memref<16x80x128xi32, #tpu.memory_space<hbm>> -> memref<1x1x128xi32, #tpu.memory_space<hbm>>
        %dma_start3A_49 = tpu.memref_squeeze %dma_start3A_48 : memref<1x1x128xi32, #tpu.memory_space<hbm>> -> memref<128xi32, #tpu.memory_space<hbm>>
        %dma_start3A_50 = arith.constant 0 : i32
        %dma_start3A_51 = tpu.memref_slice %arg4[%arg1, %run_scoped3A, %dma_start3A_50] : memref<16x80x128xi32, #tpu.memory_space<hbm>> -> memref<1x1x128xi32, #tpu.memory_space<hbm>>
        %dma_start3A_52 = tpu.memref_squeeze %dma_start3A_51 : memref<1x1x128xi32, #tpu.memory_space<hbm>> -> memref<128xi32, #tpu.memory_space<hbm>>
        tpu.enqueue_dma source(%dma_start3A_52 : memref<128xi32, #tpu.memory_space<hbm>>) target(%arg9 : memref<128xi32, #tpu.memory_space<vmem>>) target_semaphore(%run_scoped3A_46 : memref<!tpu.dma_semaphore, #tpu.memory_space<semaphore_mem>>)
        %dma_wait3A = arith.constant 0 : i32
        %dma_wait3A_53 = tpu.memref_slice %arg4[%arg1, %run_scoped3A, %dma_wait3A] : memref<16x80x128xi32, #tpu.memory_space<hbm>> -> memref<1x1x128xi32, #tpu.memory_space<hbm>>
        %dma_wait3A_54 = tpu.memref_squeeze %dma_wait3A_53 : memref<1x1x128xi32, #tpu.memory_space<hbm>> -> memref<128xi32, #tpu.memory_space<hbm>>
        %dma_wait3A_55 = arith.constant 0 : i32
        %dma_wait3A_56 = tpu.memref_slice %arg4[%arg1, %run_scoped3A, %dma_wait3A_55] : memref<16x80x128xi32, #tpu.memory_space<hbm>> -> memref<1x1x128xi32, #tpu.memory_space<hbm>>
        %dma_wait3A_57 = tpu.memref_squeeze %dma_wait3A_56 : memref<1x1x128xi32, #tpu.memory_space<hbm>> -> memref<128xi32, #tpu.memory_space<hbm>>
        tpu.wait_dma2 semaphore(%run_scoped3A_46 : memref<!tpu.dma_semaphore, #tpu.memory_space<semaphore_mem>>) src(%dma_wait3A_57 : memref<128xi32, #tpu.memory_space<hbm>>) dst(%arg9 : memref<128xi32, #tpu.memory_space<vmem>>)
        tpu.yield
      }) : () -> ()
      %run_scoped3A_17 = arith.constant 0 : i32
      "tpu.region"() ({
        %run_scoped3A_46 = tpu.sem_alloc : memref<!tpu.dma_semaphore, #tpu.memory_space<semaphore_mem>>
        %dma_start3A_47 = arith.constant 0 : i32
        %dma_start3A_48 = tpu.memref_slice %arg5[%arg1, %run_scoped3A_17, %dma_start3A_47] : memref<16x80x128xi32, #tpu.memory_space<hbm>> -> memref<1x1x128xi32, #tpu.memory_space<hbm>>
        %dma_start3A_49 = tpu.memref_squeeze %dma_start3A_48 : memref<1x1x128xi32, #tpu.memory_space<hbm>> -> memref<128xi32, #tpu.memory_space<hbm>>
        %dma_start3A_50 = arith.constant 0 : i32
        %dma_start3A_51 = tpu.memref_slice %arg5[%arg1, %run_scoped3A_17, %dma_start3A_50] : memref<16x80x128xi32, #tpu.memory_space<hbm>> -> memref<1x1x128xi32, #tpu.memory_space<hbm>>
        %dma_start3A_52 = tpu.memref_squeeze %dma_start3A_51 : memref<1x1x128xi32, #tpu.memory_space<hbm>> -> memref<128xi32, #tpu.memory_space<hbm>>
        tpu.enqueue_dma source(%dma_start3A_52 : memref<128xi32, #tpu.memory_space<hbm>>) target(%arg11 : memref<128xi32, #tpu.memory_space<vmem>>) target_semaphore(%run_scoped3A_46 : memref<!tpu.dma_semaphore, #tpu.memory_space<semaphore_mem>>)
        %dma_wait3A = arith.constant 0 : i32
        %dma_wait3A_53 = tpu.memref_slice %arg5[%arg1, %run_scoped3A_17, %dma_wait3A] : memref<16x80x128xi32, #tpu.memory_space<hbm>> -> memref<1x1x128xi32, #tpu.memory_space<hbm>>
        %dma_wait3A_54 = tpu.memref_squeeze %dma_wait3A_53 : memref<1x1x128xi32, #tpu.memory_space<hbm>> -> memref<128xi32, #tpu.memory_space<hbm>>
        %dma_wait3A_55 = arith.constant 0 : i32
        %dma_wait3A_56 = tpu.memref_slice %arg5[%arg1, %run_scoped3A_17, %dma_wait3A_55] : memref<16x80x128xi32, #tpu.memory_space<hbm>> -> memref<1x1x128xi32, #tpu.memory_space<hbm>>
        %dma_wait3A_57 = tpu.memref_squeeze %dma_wait3A_56 : memref<1x1x128xi32, #tpu.memory_space<hbm>> -> memref<128xi32, #tpu.memory_space<hbm>>
        tpu.wait_dma2 semaphore(%run_scoped3A_46 : memref<!tpu.dma_semaphore, #tpu.memory_space<semaphore_mem>>) src(%dma_wait3A_57 : memref<128xi32, #tpu.memory_space<hbm>>) dst(%arg11 : memref<128xi32, #tpu.memory_space<vmem>>)
        tpu.yield
      }) : () -> ()
      %dma_start3A = arith.constant 0 : i32
      %dma_start3A_18 = arith.constant 0 : i32
      %dma_start3A_19 = tpu.memref_slice %arg2[%dma_start3A, %dma_start3A_18] : memref<10240x128xf32, #tpu.memory_space<hbm>> -> memref<10240x128xf32, #tpu.memory_space<hbm>>
      tpu.enqueue_indirect_dma source(%dma_start3A_19 : memref<10240x128xf32, #tpu.memory_space<hbm>>) target(%arg13 : memref<128x128xf32, #tpu.memory_space<vmem>>) offsets(%arg9 : memref<128xi32, #tpu.memory_space<vmem>>) semaphore(%arg16 : memref<!tpu.dma_semaphore, #tpu.memory_space<semaphore_mem>>)
      %scan3A = arith.constant 0 : i32
      %scan3A_20 = arith.constant 0 : i32
      %scan3A_21 = arith.constant 40 : i32
      %scan3A_22 = arith.addi %scan3A_20, %scan3A_21 : i32
      %scan3A_23 = arith.constant 1 : i32
      scf.for %scan3A_46 = %scan3A_20 to %scan3A_22 step %scan3A_23  : i32 {
        %mul3A_47 = arith.constant 2 : i32
        %mul3A_48 = arith.muli %mul3A_47, %scan3A_46 : i32
        %add3A_49 = arith.constant 1 : i32
        %add3A_50 = arith.addi %mul3A_48, %add3A_49 : i32
        %dma_start3A_51 = arith.constant 0 : i32
        %dma_start3A_52 = tpu.memref_slice %arg4[%arg1, %add3A_50, %dma_start3A_51] : memref<16x80x128xi32, #tpu.memory_space<hbm>> -> memref<1x1x128xi32, #tpu.memory_space<hbm>>
        %dma_start3A_53 = tpu.memref_squeeze %dma_start3A_52 : memref<1x1x128xi32, #tpu.memory_space<hbm>> -> memref<128xi32, #tpu.memory_space<hbm>>
        %dma_start3A_54 = arith.constant 0 : i32
        %dma_start3A_55 = tpu.memref_slice %arg4[%arg1, %add3A_50, %dma_start3A_54] : memref<16x80x128xi32, #tpu.memory_space<hbm>> -> memref<1x1x128xi32, #tpu.memory_space<hbm>>
        %dma_start3A_56 = tpu.memref_squeeze %dma_start3A_55 : memref<1x1x128xi32, #tpu.memory_space<hbm>> -> memref<128xi32, #tpu.memory_space<hbm>>
        tpu.enqueue_dma source(%dma_start3A_56 : memref<128xi32, #tpu.memory_space<hbm>>) target(%arg10 : memref<128xi32, #tpu.memory_space<vmem>>) target_semaphore(%arg21 : memref<!tpu.dma_semaphore, #tpu.memory_space<semaphore_mem>>)
        %dma_start3A_57 = arith.constant 0 : i32
        %dma_start3A_58 = tpu.memref_slice %arg5[%arg1, %add3A_50, %dma_start3A_57] : memref<16x80x128xi32, #tpu.memory_space<hbm>> -> memref<1x1x128xi32, #tpu.memory_space<hbm>>
        %dma_start3A_59 = tpu.memref_squeeze %dma_start3A_58 : memref<1x1x128xi32, #tpu.memory_space<hbm>> -> memref<128xi32, #tpu.memory_space<hbm>>
        %dma_start3A_60 = arith.constant 0 : i32
        %dma_start3A_61 = tpu.memref_slice %arg5[%arg1, %add3A_50, %dma_start3A_60] : memref<16x80x128xi32, #tpu.memory_space<hbm>> -> memref<1x1x128xi32, #tpu.memory_space<hbm>>
        %dma_start3A_62 = tpu.memref_squeeze %dma_start3A_61 : memref<1x1x128xi32, #tpu.memory_space<hbm>> -> memref<128xi32, #tpu.memory_space<hbm>>
        tpu.enqueue_dma source(%dma_start3A_62 : memref<128xi32, #tpu.memory_space<hbm>>) target(%arg12 : memref<128xi32, #tpu.memory_space<vmem>>) target_semaphore(%arg21 : memref<!tpu.dma_semaphore, #tpu.memory_space<semaphore_mem>>)
        %dma_wait3A = arith.constant 0 : i32
        %dma_wait3A_63 = arith.constant 0 : i32
        %dma_wait3A_64 = tpu.memref_slice %arg2[%dma_wait3A, %dma_wait3A_63] : memref<10240x128xf32, #tpu.memory_space<hbm>> -> memref<10240x128xf32, #tpu.memory_space<hbm>>
        tpu.wait_indirect_dma semaphore(%arg16 : memref<!tpu.dma_semaphore, #tpu.memory_space<semaphore_mem>>) src(%dma_wait3A_64 : memref<10240x128xf32, #tpu.memory_space<hbm>>) dst(%arg13 : memref<128x128xf32, #tpu.memory_space<vmem>>)
        %add3A_65 = arith.constant 1 : i32
        %add3A_66 = arith.addi %mul3A_48, %add3A_65 : i32
        %dma_wait3A_67 = arith.constant 0 : i32
        %dma_wait3A_68 = tpu.memref_slice %arg4[%arg1, %add3A_66, %dma_wait3A_67] : memref<16x80x128xi32, #tpu.memory_space<hbm>> -> memref<1x1x128xi32, #tpu.memory_space<hbm>>
        %dma_wait3A_69 = tpu.memref_squeeze %dma_wait3A_68 : memref<1x1x128xi32, #tpu.memory_space<hbm>> -> memref<128xi32, #tpu.memory_space<hbm>>
        %dma_wait3A_70 = arith.constant 0 : i32
        %dma_wait3A_71 = tpu.memref_slice %arg4[%arg1, %add3A_66, %dma_wait3A_70] : memref<16x80x128xi32, #tpu.memory_space<hbm>> -> memref<1x1x128xi32, #tpu.memory_space<hbm>>
        %dma_wait3A_72 = tpu.memref_squeeze %dma_wait3A_71 : memref<1x1x128xi32, #tpu.memory_space<hbm>> -> memref<128xi32, #tpu.memory_space<hbm>>
        tpu.wait_dma2 semaphore(%arg21 : memref<!tpu.dma_semaphore, #tpu.memory_space<semaphore_mem>>) src(%dma_wait3A_72 : memref<128xi32, #tpu.memory_space<hbm>>) dst(%arg10 : memref<128xi32, #tpu.memory_space<vmem>>)
        %dma_wait3A_73 = arith.constant 0 : i32
        %dma_wait3A_74 = tpu.memref_slice %arg5[%arg1, %add3A_66, %dma_wait3A_73] : memref<16x80x128xi32, #tpu.memory_space<hbm>> -> memref<1x1x128xi32, #tpu.memory_space<hbm>>
        %dma_wait3A_75 = tpu.memref_squeeze %dma_wait3A_74 : memref<1x1x128xi32, #tpu.memory_space<hbm>> -> memref<128xi32, #tpu.memory_space<hbm>>
        %dma_wait3A_76 = arith.constant 0 : i32
        %dma_wait3A_77 = tpu.memref_slice %arg5[%arg1, %add3A_66, %dma_wait3A_76] : memref<16x80x128xi32, #tpu.memory_space<hbm>> -> memref<1x1x128xi32, #tpu.memory_space<hbm>>
        %dma_wait3A_78 = tpu.memref_squeeze %dma_wait3A_77 : memref<1x1x128xi32, #tpu.memory_space<hbm>> -> memref<128xi32, #tpu.memory_space<hbm>>
        tpu.wait_dma2 semaphore(%arg21 : memref<!tpu.dma_semaphore, #tpu.memory_space<semaphore_mem>>) src(%dma_wait3A_78 : memref<128xi32, #tpu.memory_space<hbm>>) dst(%arg12 : memref<128xi32, #tpu.memory_space<vmem>>)
        %dma_start3A_79 = arith.constant 0 : i32
        %dma_start3A_80 = arith.constant 0 : i32
        %dma_start3A_81 = tpu.memref_slice %arg2[%dma_start3A_79, %dma_start3A_80] : memref<10240x128xf32, #tpu.memory_space<hbm>> -> memref<10240x128xf32, #tpu.memory_space<hbm>>
        tpu.enqueue_indirect_dma source(%dma_start3A_81 : memref<10240x128xf32, #tpu.memory_space<hbm>>) target(%arg14 : memref<128x128xf32, #tpu.memory_space<vmem>>) offsets(%arg10 : memref<128xi32, #tpu.memory_space<vmem>>) semaphore(%arg17 : memref<!tpu.dma_semaphore, #tpu.memory_space<semaphore_mem>>)
        %dma_start3A_82 = arith.constant 0 : i32
        %dma_start3A_83 = arith.constant 0 : i32
        %dma_start3A_84 = tpu.memref_slice %arg15[%dma_start3A_82, %dma_start3A_83] : memref<10240x128xf32, #tpu.memory_space<vmem_shared>> -> memref<10240x128xf32, #tpu.memory_space<vmem_shared>>
        tpu.enqueue_indirect_dma source(%arg13 : memref<128x128xf32, #tpu.memory_space<vmem>>) target(%dma_start3A_84 : memref<10240x128xf32, #tpu.memory_space<vmem_shared>>) offsets(%arg11 : memref<128xi32, #tpu.memory_space<vmem>>) semaphore(%arg18 : memref<!tpu.dma_semaphore, #tpu.memory_space<semaphore_mem>>) {add = true}
        %dma_wait3A_85 = arith.constant 0 : i32
        %dma_wait3A_86 = arith.constant 0 : i32
        %dma_wait3A_87 = tpu.memref_slice %arg2[%dma_wait3A_85, %dma_wait3A_86] : memref<10240x128xf32, #tpu.memory_space<hbm>> -> memref<10240x128xf32, #tpu.memory_space<hbm>>
        tpu.wait_indirect_dma semaphore(%arg17 : memref<!tpu.dma_semaphore, #tpu.memory_space<semaphore_mem>>) src(%dma_wait3A_87 : memref<10240x128xf32, #tpu.memory_space<hbm>>) dst(%arg14 : memref<128x128xf32, #tpu.memory_space<vmem>>)
        %dma_start3A_88 = arith.constant 0 : i32
        %dma_start3A_89 = arith.constant 0 : i32
        %dma_start3A_90 = tpu.memref_slice %arg15[%dma_start3A_88, %dma_start3A_89] : memref<10240x128xf32, #tpu.memory_space<vmem_shared>> -> memref<10240x128xf32, #tpu.memory_space<vmem_shared>>
        tpu.enqueue_indirect_dma source(%arg14 : memref<128x128xf32, #tpu.memory_space<vmem>>) target(%dma_start3A_90 : memref<10240x128xf32, #tpu.memory_space<vmem_shared>>) offsets(%arg12 : memref<128xi32, #tpu.memory_space<vmem>>) semaphore(%arg19 : memref<!tpu.dma_semaphore, #tpu.memory_space<semaphore_mem>>) {add = true}
        %dma_wait3A_91 = arith.constant 0 : i32
        %dma_wait3A_92 = arith.constant 0 : i32
        %dma_wait3A_93 = tpu.memref_slice %arg15[%dma_wait3A_91, %dma_wait3A_92] : memref<10240x128xf32, #tpu.memory_space<vmem_shared>> -> memref<10240x128xf32, #tpu.memory_space<vmem_shared>>
        tpu.wait_indirect_dma semaphore(%arg18 : memref<!tpu.dma_semaphore, #tpu.memory_space<semaphore_mem>>) src(%arg13 : memref<128x128xf32, #tpu.memory_space<vmem>>) dst(%dma_wait3A_93 : memref<10240x128xf32, #tpu.memory_space<vmem_shared>>)
        %lt3A = arith.constant 39 : i32
        %lt3A_94 = arith.cmpi slt, %scan3A_46, %lt3A : i32
        %convert_element_type3A_95 = arith.extui %lt3A_94 : i1 to i32
        %cond3A_96 = arith.constant 0 : i32
        %cond3A_97 = arith.cmpi ne, %convert_element_type3A_95, %cond3A_96 : i32
        scf.if %cond3A_97 {
          %add3A_101 = arith.constant 2 : i32
          %add3A_102 = arith.addi %mul3A_48, %add3A_101 : i32
          %dma_start3A_103 = arith.constant 0 : i32
          %dma_start3A_104 = tpu.memref_slice %arg4[%arg1, %add3A_102, %dma_start3A_103] : memref<16x80x128xi32, #tpu.memory_space<hbm>> -> memref<1x1x128xi32, #tpu.memory_space<hbm>>
          %dma_start3A_105 = tpu.memref_squeeze %dma_start3A_104 : memref<1x1x128xi32, #tpu.memory_space<hbm>> -> memref<128xi32, #tpu.memory_space<hbm>>
          %dma_start3A_106 = arith.constant 0 : i32
          %dma_start3A_107 = tpu.memref_slice %arg4[%arg1, %add3A_102, %dma_start3A_106] : memref<16x80x128xi32, #tpu.memory_space<hbm>> -> memref<1x1x128xi32, #tpu.memory_space<hbm>>
          %dma_start3A_108 = tpu.memref_squeeze %dma_start3A_107 : memref<1x1x128xi32, #tpu.memory_space<hbm>> -> memref<128xi32, #tpu.memory_space<hbm>>
          tpu.enqueue_dma source(%dma_start3A_108 : memref<128xi32, #tpu.memory_space<hbm>>) target(%arg9 : memref<128xi32, #tpu.memory_space<vmem>>) target_semaphore(%arg20 : memref<!tpu.dma_semaphore, #tpu.memory_space<semaphore_mem>>)
          %dma_start3A_109 = arith.constant 0 : i32
          %dma_start3A_110 = tpu.memref_slice %arg5[%arg1, %add3A_102, %dma_start3A_109] : memref<16x80x128xi32, #tpu.memory_space<hbm>> -> memref<1x1x128xi32, #tpu.memory_space<hbm>>
          %dma_start3A_111 = tpu.memref_squeeze %dma_start3A_110 : memref<1x1x128xi32, #tpu.memory_space<hbm>> -> memref<128xi32, #tpu.memory_space<hbm>>
          %dma_start3A_112 = arith.constant 0 : i32
          %dma_start3A_113 = tpu.memref_slice %arg5[%arg1, %add3A_102, %dma_start3A_112] : memref<16x80x128xi32, #tpu.memory_space<hbm>> -> memref<1x1x128xi32, #tpu.memory_space<hbm>>
          %dma_start3A_114 = tpu.memref_squeeze %dma_start3A_113 : memref<1x1x128xi32, #tpu.memory_space<hbm>> -> memref<128xi32, #tpu.memory_space<hbm>>
          tpu.enqueue_dma source(%dma_start3A_114 : memref<128xi32, #tpu.memory_space<hbm>>) target(%arg11 : memref<128xi32, #tpu.memory_space<vmem>>) target_semaphore(%arg20 : memref<!tpu.dma_semaphore, #tpu.memory_space<semaphore_mem>>)
          %add3A_115 = arith.constant 2 : i32
          %add3A_116 = arith.addi %mul3A_48, %add3A_115 : i32
          %dma_wait3A_117 = arith.constant 0 : i32
          %dma_wait3A_118 = tpu.memref_slice %arg4[%arg1, %add3A_116, %dma_wait3A_117] : memref<16x80x128xi32, #tpu.memory_space<hbm>> -> memref<1x1x128xi32, #tpu.memory_space<hbm>>
          %dma_wait3A_119 = tpu.memref_squeeze %dma_wait3A_118 : memref<1x1x128xi32, #tpu.memory_space<hbm>> -> memref<128xi32, #tpu.memory_space<hbm>>
          %dma_wait3A_120 = arith.constant 0 : i32
          %dma_wait3A_121 = tpu.memref_slice %arg4[%arg1, %add3A_116, %dma_wait3A_120] : memref<16x80x128xi32, #tpu.memory_space<hbm>> -> memref<1x1x128xi32, #tpu.memory_space<hbm>>
          %dma_wait3A_122 = tpu.memref_squeeze %dma_wait3A_121 : memref<1x1x128xi32, #tpu.memory_space<hbm>> -> memref<128xi32, #tpu.memory_space<hbm>>
          tpu.wait_dma2 semaphore(%arg20 : memref<!tpu.dma_semaphore, #tpu.memory_space<semaphore_mem>>) src(%dma_wait3A_122 : memref<128xi32, #tpu.memory_space<hbm>>) dst(%arg9 : memref<128xi32, #tpu.memory_space<vmem>>)
          %dma_wait3A_123 = arith.constant 0 : i32
          %dma_wait3A_124 = tpu.memref_slice %arg5[%arg1, %add3A_116, %dma_wait3A_123] : memref<16x80x128xi32, #tpu.memory_space<hbm>> -> memref<1x1x128xi32, #tpu.memory_space<hbm>>
          %dma_wait3A_125 = tpu.memref_squeeze %dma_wait3A_124 : memref<1x1x128xi32, #tpu.memory_space<hbm>> -> memref<128xi32, #tpu.memory_space<hbm>>
          %dma_wait3A_126 = arith.constant 0 : i32
          %dma_wait3A_127 = tpu.memref_slice %arg5[%arg1, %add3A_116, %dma_wait3A_126] : memref<16x80x128xi32, #tpu.memory_space<hbm>> -> memref<1x1x128xi32, #tpu.memory_space<hbm>>
          %dma_wait3A_128 = tpu.memref_squeeze %dma_wait3A_127 : memref<1x1x128xi32, #tpu.memory_space<hbm>> -> memref<128xi32, #tpu.memory_space<hbm>>
          tpu.wait_dma2 semaphore(%arg20 : memref<!tpu.dma_semaphore, #tpu.memory_space<semaphore_mem>>) src(%dma_wait3A_128 : memref<128xi32, #tpu.memory_space<hbm>>) dst(%arg11 : memref<128xi32, #tpu.memory_space<vmem>>)
          %dma_start3A_129 = arith.constant 0 : i32
          %dma_start3A_130 = arith.constant 0 : i32
          %dma_start3A_131 = tpu.memref_slice %arg2[%dma_start3A_129, %dma_start3A_130] : memref<10240x128xf32, #tpu.memory_space<hbm>> -> memref<10240x128xf32, #tpu.memory_space<hbm>>
          tpu.enqueue_indirect_dma source(%dma_start3A_131 : memref<10240x128xf32, #tpu.memory_space<hbm>>) target(%arg13 : memref<128x128xf32, #tpu.memory_space<vmem>>) offsets(%arg9 : memref<128xi32, #tpu.memory_space<vmem>>) semaphore(%arg16 : memref<!tpu.dma_semaphore, #tpu.memory_space<semaphore_mem>>)
        } else {
        }
        %dma_wait3A_98 = arith.constant 0 : i32
        %dma_wait3A_99 = arith.constant 0 : i32
        %dma_wait3A_100 = tpu.memref_slice %arg15[%dma_wait3A_98, %dma_wait3A_99] : memref<10240x128xf32, #tpu.memory_space<vmem_shared>> -> memref<10240x128xf32, #tpu.memory_space<vmem_shared>>
        tpu.wait_indirect_dma semaphore(%arg19 : memref<!tpu.dma_semaphore, #tpu.memory_space<semaphore_mem>>) src(%arg14 : memref<128x128xf32, #tpu.memory_space<vmem>>) dst(%dma_wait3A_100 : memref<10240x128xf32, #tpu.memory_space<vmem_shared>>)
      }
      %scan3A_24 = arith.constant 40 : i32
      %barrier3A_25 = arith.constant 0 : index
      tpu.barrier barrier_id(%barrier3A_25)
      %add3A_26 = arith.constant 0 : i32
      %add3A_27 = arith.addi %mul3A_0, %add3A_26 : i32
      "tpu.region"() ({
        %run_scoped3A_46 = tpu.sem_alloc : memref<!tpu.dma_semaphore, #tpu.memory_space<semaphore_mem>>
        %dma_start3A_47 = arith.constant 0 : i32
        %dma_start3A_48 = tpu.memref_slice %arg15[%add3A_27, %dma_start3A_47] : memref<10240x128xf32, #tpu.memory_space<vmem_shared>> -> memref<128x128xf32, #tpu.memory_space<vmem_shared>>
        %dma_start3A_49 = arith.constant 0 : i32
        %dma_start3A_50 = tpu.memref_slice %arg15[%add3A_27, %dma_start3A_49] : memref<10240x128xf32, #tpu.memory_space<vmem_shared>> -> memref<128x128xf32, #tpu.memory_space<vmem_shared>>
        tpu.enqueue_dma source(%dma_start3A_50 : memref<128x128xf32, #tpu.memory_space<vmem_shared>>) target(%arg13 : memref<128x128xf32, #tpu.memory_space<vmem>>) target_semaphore(%run_scoped3A_46 : memref<!tpu.dma_semaphore, #tpu.memory_space<semaphore_mem>>)
        %dma_wait3A = arith.constant 0 : i32
        %dma_wait3A_51 = tpu.memref_slice %arg15[%add3A_27, %dma_wait3A] : memref<10240x128xf32, #tpu.memory_space<vmem_shared>> -> memref<128x128xf32, #tpu.memory_space<vmem_shared>>
        %dma_wait3A_52 = arith.constant 0 : i32
        %dma_wait3A_53 = tpu.memref_slice %arg15[%add3A_27, %dma_wait3A_52] : memref<10240x128xf32, #tpu.memory_space<vmem_shared>> -> memref<128x128xf32, #tpu.memory_space<vmem_shared>>
        tpu.wait_dma2 semaphore(%run_scoped3A_46 : memref<!tpu.dma_semaphore, #tpu.memory_space<semaphore_mem>>) src(%dma_wait3A_53 : memref<128x128xf32, #tpu.memory_space<vmem_shared>>) dst(%arg13 : memref<128x128xf32, #tpu.memory_space<vmem>>)
        tpu.yield
      }) : () -> ()
      %add3A_28 = arith.constant 0 : i32
      %add3A_29 = arith.addi %mul3A_0, %add3A_28 : i32
      "tpu.region"() ({
        %run_scoped3A_46 = tpu.sem_alloc : memref<!tpu.dma_semaphore, #tpu.memory_space<semaphore_mem>>
        %dma_start3A_47 = arith.constant 0 : i32
        %dma_start3A_48 = tpu.memref_slice %arg7[%add3A_29, %dma_start3A_47] : memref<10240x128xf32, #tpu.memory_space<hbm>> -> memref<128x128xf32, #tpu.memory_space<hbm>>
        %dma_start3A_49 = arith.constant 0 : i32
        %dma_start3A_50 = tpu.memref_slice %arg7[%add3A_29, %dma_start3A_49] : memref<10240x128xf32, #tpu.memory_space<hbm>> -> memref<128x128xf32, #tpu.memory_space<hbm>>
        tpu.enqueue_dma source(%arg13 : memref<128x128xf32, #tpu.memory_space<vmem>>) target(%dma_start3A_50 : memref<128x128xf32, #tpu.memory_space<hbm>>) target_semaphore(%run_scoped3A_46 : memref<!tpu.dma_semaphore, #tpu.memory_space<semaphore_mem>>)
        %dma_wait3A = arith.constant 0 : i32
        %dma_wait3A_51 = tpu.memref_slice %arg7[%add3A_29, %dma_wait3A] : memref<10240x128xf32, #tpu.memory_space<hbm>> -> memref<128x128xf32, #tpu.memory_space<hbm>>
        %dma_wait3A_52 = arith.constant 0 : i32
        %dma_wait3A_53 = tpu.memref_slice %arg7[%add3A_29, %dma_wait3A_52] : memref<10240x128xf32, #tpu.memory_space<hbm>> -> memref<128x128xf32, #tpu.memory_space<hbm>>
        tpu.wait_dma2 semaphore(%run_scoped3A_46 : memref<!tpu.dma_semaphore, #tpu.memory_space<semaphore_mem>>) src(%arg13 : memref<128x128xf32, #tpu.memory_space<vmem>>) dst(%dma_wait3A_53 : memref<128x128xf32, #tpu.memory_space<hbm>>)
        tpu.yield
      }) : () -> ()
      %add3A_30 = arith.constant 128 : i32
      %add3A_31 = arith.addi %mul3A_0, %add3A_30 : i32
      "tpu.region"() ({
        %run_scoped3A_46 = tpu.sem_alloc : memref<!tpu.dma_semaphore, #tpu.memory_space<semaphore_mem>>
        %dma_start3A_47 = arith.constant 0 : i32
        %dma_start3A_48 = tpu.memref_slice %arg15[%add3A_31, %dma_start3A_47] : memref<10240x128xf32, #tpu.memory_space<vmem_shared>> -> memref<128x128xf32, #tpu.memory_space<vmem_shared>>
        %dma_start3A_49 = arith.constant 0 : i32
        %dma_start3A_50 = tpu.memref_slice %arg15[%add3A_31, %dma_start3A_49] : memref<10240x128xf32, #tpu.memory_space<vmem_shared>> -> memref<128x128xf32, #tpu.memory_space<vmem_shared>>
        tpu.enqueue_dma source(%dma_start3A_50 : memref<128x128xf32, #tpu.memory_space<vmem_shared>>) target(%arg13 : memref<128x128xf32, #tpu.memory_space<vmem>>) target_semaphore(%run_scoped3A_46 : memref<!tpu.dma_semaphore, #tpu.memory_space<semaphore_mem>>)
        %dma_wait3A = arith.constant 0 : i32
        %dma_wait3A_51 = tpu.memref_slice %arg15[%add3A_31, %dma_wait3A] : memref<10240x128xf32, #tpu.memory_space<vmem_shared>> -> memref<128x128xf32, #tpu.memory_space<vmem_shared>>
        %dma_wait3A_52 = arith.constant 0 : i32
        %dma_wait3A_53 = tpu.memref_slice %arg15[%add3A_31, %dma_wait3A_52] : memref<10240x128xf32, #tpu.memory_space<vmem_shared>> -> memref<128x128xf32, #tpu.memory_space<vmem_shared>>
        tpu.wait_dma2 semaphore(%run_scoped3A_46 : memref<!tpu.dma_semaphore, #tpu.memory_space<semaphore_mem>>) src(%dma_wait3A_53 : memref<128x128xf32, #tpu.memory_space<vmem_shared>>) dst(%arg13 : memref<128x128xf32, #tpu.memory_space<vmem>>)
        tpu.yield
      }) : () -> ()
      %add3A_32 = arith.constant 128 : i32
      %add3A_33 = arith.addi %mul3A_0, %add3A_32 : i32
      "tpu.region"() ({
        %run_scoped3A_46 = tpu.sem_alloc : memref<!tpu.dma_semaphore, #tpu.memory_space<semaphore_mem>>
        %dma_start3A_47 = arith.constant 0 : i32
        %dma_start3A_48 = tpu.memref_slice %arg7[%add3A_33, %dma_start3A_47] : memref<10240x128xf32, #tpu.memory_space<hbm>> -> memref<128x128xf32, #tpu.memory_space<hbm>>
        %dma_start3A_49 = arith.constant 0 : i32
        %dma_start3A_50 = tpu.memref_slice %arg7[%add3A_33, %dma_start3A_49] : memref<10240x128xf32, #tpu.memory_space<hbm>> -> memref<128x128xf32, #tpu.memory_space<hbm>>
        tpu.enqueue_dma source(%arg13 : memref<128x128xf32, #tpu.memory_space<vmem>>) target(%dma_start3A_50 : memref<128x128xf32, #tpu.memory_space<hbm>>) target_semaphore(%run_scoped3A_46 : memref<!tpu.dma_semaphore, #tpu.memory_space<semaphore_mem>>)
        %dma_wait3A = arith.constant 0 : i32
        %dma_wait3A_51 = tpu.memref_slice %arg7[%add3A_33, %dma_wait3A] : memref<10240x128xf32, #tpu.memory_space<hbm>> -> memref<128x128xf32, #tpu.memory_space<hbm>>
        %dma_wait3A_52 = arith.constant 0 : i32
        %dma_wait3A_53 = tpu.memref_slice %arg7[%add3A_33, %dma_wait3A_52] : memref<10240x128xf32, #tpu.memory_space<hbm>> -> memref<128x128xf32, #tpu.memory_space<hbm>>
        tpu.wait_dma2 semaphore(%run_scoped3A_46 : memref<!tpu.dma_semaphore, #tpu.memory_space<semaphore_mem>>) src(%arg13 : memref<128x128xf32, #tpu.memory_space<vmem>>) dst(%dma_wait3A_53 : memref<128x128xf32, #tpu.memory_space<hbm>>)
        tpu.yield
      }) : () -> ()
      %add3A_34 = arith.constant 256 : i32
      %add3A_35 = arith.addi %mul3A_0, %add3A_34 : i32
      "tpu.region"() ({
        %run_scoped3A_46 = tpu.sem_alloc : memref<!tpu.dma_semaphore, #tpu.memory_space<semaphore_mem>>
        %dma_start3A_47 = arith.constant 0 : i32
        %dma_start3A_48 = tpu.memref_slice %arg15[%add3A_35, %dma_start3A_47] : memref<10240x128xf32, #tpu.memory_space<vmem_shared>> -> memref<128x128xf32, #tpu.memory_space<vmem_shared>>
        %dma_start3A_49 = arith.constant 0 : i32
        %dma_start3A_50 = tpu.memref_slice %arg15[%add3A_35, %dma_start3A_49] : memref<10240x128xf32, #tpu.memory_space<vmem_shared>> -> memref<128x128xf32, #tpu.memory_space<vmem_shared>>
        tpu.enqueue_dma source(%dma_start3A_50 : memref<128x128xf32, #tpu.memory_space<vmem_shared>>) target(%arg13 : memref<128x128xf32, #tpu.memory_space<vmem>>) target_semaphore(%run_scoped3A_46 : memref<!tpu.dma_semaphore, #tpu.memory_space<semaphore_mem>>)
        %dma_wait3A = arith.constant 0 : i32
        %dma_wait3A_51 = tpu.memref_slice %arg15[%add3A_35, %dma_wait3A] : memref<10240x128xf32, #tpu.memory_space<vmem_shared>> -> memref<128x128xf32, #tpu.memory_space<vmem_shared>>
        %dma_wait3A_52 = arith.constant 0 : i32
        %dma_wait3A_53 = tpu.memref_slice %arg15[%add3A_35, %dma_wait3A_52] : memref<10240x128xf32, #tpu.memory_space<vmem_shared>> -> memref<128x128xf32, #tpu.memory_space<vmem_shared>>
        tpu.wait_dma2 semaphore(%run_scoped3A_46 : memref<!tpu.dma_semaphore, #tpu.memory_space<semaphore_mem>>) src(%dma_wait3A_53 : memref<128x128xf32, #tpu.memory_space<vmem_shared>>) dst(%arg13 : memref<128x128xf32, #tpu.memory_space<vmem>>)
        tpu.yield
      }) : () -> ()
      %add3A_36 = arith.constant 256 : i32
      %add3A_37 = arith.addi %mul3A_0, %add3A_36 : i32
      "tpu.region"() ({
        %run_scoped3A_46 = tpu.sem_alloc : memref<!tpu.dma_semaphore, #tpu.memory_space<semaphore_mem>>
        %dma_start3A_47 = arith.constant 0 : i32
        %dma_start3A_48 = tpu.memref_slice %arg7[%add3A_37, %dma_start3A_47] : memref<10240x128xf32, #tpu.memory_space<hbm>> -> memref<128x128xf32, #tpu.memory_space<hbm>>
        %dma_start3A_49 = arith.constant 0 : i32
        %dma_start3A_50 = tpu.memref_slice %arg7[%add3A_37, %dma_start3A_49] : memref<10240x128xf32, #tpu.memory_space<hbm>> -> memref<128x128xf32, #tpu.memory_space<hbm>>
        tpu.enqueue_dma source(%arg13 : memref<128x128xf32, #tpu.memory_space<vmem>>) target(%dma_start3A_50 : memref<128x128xf32, #tpu.memory_space<hbm>>) target_semaphore(%run_scoped3A_46 : memref<!tpu.dma_semaphore, #tpu.memory_space<semaphore_mem>>)
        %dma_wait3A = arith.constant 0 : i32
        %dma_wait3A_51 = tpu.memref_slice %arg7[%add3A_37, %dma_wait3A] : memref<10240x128xf32, #tpu.memory_space<hbm>> -> memref<128x128xf32, #tpu.memory_space<hbm>>
        %dma_wait3A_52 = arith.constant 0 : i32
        %dma_wait3A_53 = tpu.memref_slice %arg7[%add3A_37, %dma_wait3A_52] : memref<10240x128xf32, #tpu.memory_space<hbm>> -> memref<128x128xf32, #tpu.memory_space<hbm>>
        tpu.wait_dma2 semaphore(%run_scoped3A_46 : memref<!tpu.dma_semaphore, #tpu.memory_space<semaphore_mem>>) src(%arg13 : memref<128x128xf32, #tpu.memory_space<vmem>>) dst(%dma_wait3A_53 : memref<128x128xf32, #tpu.memory_space<hbm>>)
        tpu.yield
      }) : () -> ()
      %add3A_38 = arith.constant 384 : i32
      %add3A_39 = arith.addi %mul3A_0, %add3A_38 : i32
      "tpu.region"() ({
        %run_scoped3A_46 = tpu.sem_alloc : memref<!tpu.dma_semaphore, #tpu.memory_space<semaphore_mem>>
        %dma_start3A_47 = arith.constant 0 : i32
        %dma_start3A_48 = tpu.memref_slice %arg15[%add3A_39, %dma_start3A_47] : memref<10240x128xf32, #tpu.memory_space<vmem_shared>> -> memref<128x128xf32, #tpu.memory_space<vmem_shared>>
        %dma_start3A_49 = arith.constant 0 : i32
        %dma_start3A_50 = tpu.memref_slice %arg15[%add3A_39, %dma_start3A_49] : memref<10240x128xf32, #tpu.memory_space<vmem_shared>> -> memref<128x128xf32, #tpu.memory_space<vmem_shared>>
        tpu.enqueue_dma source(%dma_start3A_50 : memref<128x128xf32, #tpu.memory_space<vmem_shared>>) target(%arg13 : memref<128x128xf32, #tpu.memory_space<vmem>>) target_semaphore(%run_scoped3A_46 : memref<!tpu.dma_semaphore, #tpu.memory_space<semaphore_mem>>)
        %dma_wait3A = arith.constant 0 : i32
        %dma_wait3A_51 = tpu.memref_slice %arg15[%add3A_39, %dma_wait3A] : memref<10240x128xf32, #tpu.memory_space<vmem_shared>> -> memref<128x128xf32, #tpu.memory_space<vmem_shared>>
        %dma_wait3A_52 = arith.constant 0 : i32
        %dma_wait3A_53 = tpu.memref_slice %arg15[%add3A_39, %dma_wait3A_52] : memref<10240x128xf32, #tpu.memory_space<vmem_shared>> -> memref<128x128xf32, #tpu.memory_space<vmem_shared>>
        tpu.wait_dma2 semaphore(%run_scoped3A_46 : memref<!tpu.dma_semaphore, #tpu.memory_space<semaphore_mem>>) src(%dma_wait3A_53 : memref<128x128xf32, #tpu.memory_space<vmem_shared>>) dst(%arg13 : memref<128x128xf32, #tpu.memory_space<vmem>>)
        tpu.yield
      }) : () -> ()
      %add3A_40 = arith.constant 384 : i32
      %add3A_41 = arith.addi %mul3A_0, %add3A_40 : i32
      "tpu.region"() ({
        %run_scoped3A_46 = tpu.sem_alloc : memref<!tpu.dma_semaphore, #tpu.memory_space<semaphore_mem>>
        %dma_start3A_47 = arith.constant 0 : i32
        %dma_start3A_48 = tpu.memref_slice %arg7[%add3A_41, %dma_start3A_47] : memref<10240x128xf32, #tpu.memory_space<hbm>> -> memref<128x128xf32, #tpu.memory_space<hbm>>
        %dma_start3A_49 = arith.constant 0 : i32
        %dma_start3A_50 = tpu.memref_slice %arg7[%add3A_41, %dma_start3A_49] : memref<10240x128xf32, #tpu.memory_space<hbm>> -> memref<128x128xf32, #tpu.memory_space<hbm>>
        tpu.enqueue_dma source(%arg13 : memref<128x128xf32, #tpu.memory_space<vmem>>) target(%dma_start3A_50 : memref<128x128xf32, #tpu.memory_space<hbm>>) target_semaphore(%run_scoped3A_46 : memref<!tpu.dma_semaphore, #tpu.memory_space<semaphore_mem>>)
        %dma_wait3A = arith.constant 0 : i32
        %dma_wait3A_51 = tpu.memref_slice %arg7[%add3A_41, %dma_wait3A] : memref<10240x128xf32, #tpu.memory_space<hbm>> -> memref<128x128xf32, #tpu.memory_space<hbm>>
        %dma_wait3A_52 = arith.constant 0 : i32
        %dma_wait3A_53 = tpu.memref_slice %arg7[%add3A_41, %dma_wait3A_52] : memref<10240x128xf32, #tpu.memory_space<hbm>> -> memref<128x128xf32, #tpu.memory_space<hbm>>
        tpu.wait_dma2 semaphore(%run_scoped3A_46 : memref<!tpu.dma_semaphore, #tpu.memory_space<semaphore_mem>>) src(%arg13 : memref<128x128xf32, #tpu.memory_space<vmem>>) dst(%dma_wait3A_53 : memref<128x128xf32, #tpu.memory_space<hbm>>)
        tpu.yield
      }) : () -> ()
      %add3A_42 = arith.constant 512 : i32
      %add3A_43 = arith.addi %mul3A_0, %add3A_42 : i32
      "tpu.region"() ({
        %run_scoped3A_46 = tpu.sem_alloc : memref<!tpu.dma_semaphore, #tpu.memory_space<semaphore_mem>>
        %dma_start3A_47 = arith.constant 0 : i32
        %dma_start3A_48 = tpu.memref_slice %arg15[%add3A_43, %dma_start3A_47] : memref<10240x128xf32, #tpu.memory_space<vmem_shared>> -> memref<128x128xf32, #tpu.memory_space<vmem_shared>>
        %dma_start3A_49 = arith.constant 0 : i32
        %dma_start3A_50 = tpu.memref_slice %arg15[%add3A_43, %dma_start3A_49] : memref<10240x128xf32, #tpu.memory_space<vmem_shared>> -> memref<128x128xf32, #tpu.memory_space<vmem_shared>>
        tpu.enqueue_dma source(%dma_start3A_50 : memref<128x128xf32, #tpu.memory_space<vmem_shared>>) target(%arg13 : memref<128x128xf32, #tpu.memory_space<vmem>>) target_semaphore(%run_scoped3A_46 : memref<!tpu.dma_semaphore, #tpu.memory_space<semaphore_mem>>)
        %dma_wait3A = arith.constant 0 : i32
        %dma_wait3A_51 = tpu.memref_slice %arg15[%add3A_43, %dma_wait3A] : memref<10240x128xf32, #tpu.memory_space<vmem_shared>> -> memref<128x128xf32, #tpu.memory_space<vmem_shared>>
        %dma_wait3A_52 = arith.constant 0 : i32
        %dma_wait3A_53 = tpu.memref_slice %arg15[%add3A_43, %dma_wait3A_52] : memref<10240x128xf32, #tpu.memory_space<vmem_shared>> -> memref<128x128xf32, #tpu.memory_space<vmem_shared>>
        tpu.wait_dma2 semaphore(%run_scoped3A_46 : memref<!tpu.dma_semaphore, #tpu.memory_space<semaphore_mem>>) src(%dma_wait3A_53 : memref<128x128xf32, #tpu.memory_space<vmem_shared>>) dst(%arg13 : memref<128x128xf32, #tpu.memory_space<vmem>>)
        tpu.yield
      }) : () -> ()
      %add3A_44 = arith.constant 512 : i32
      %add3A_45 = arith.addi %mul3A_0, %add3A_44 : i32
      "tpu.region"() ({
        %run_scoped3A_46 = tpu.sem_alloc : memref<!tpu.dma_semaphore, #tpu.memory_space<semaphore_mem>>
        %dma_start3A_47 = arith.constant 0 : i32
        %dma_start3A_48 = tpu.memref_slice %arg7[%add3A_45, %dma_start3A_47] : memref<10240x128xf32, #tpu.memory_space<hbm>> -> memref<128x128xf32, #tpu.memory_space<hbm>>
        %dma_start3A_49 = arith.constant 0 : i32
        %dma_start3A_50 = tpu.memref_slice %arg7[%add3A_45, %dma_start3A_49] : memref<10240x128xf32, #tpu.memory_space<hbm>> -> memref<128x128xf32, #tpu.memory_space<hbm>>
        tpu.enqueue_dma source(%arg13 : memref<128x128xf32, #tpu.memory_space<vmem>>) target(%dma_start3A_50 : memref<128x128xf32, #tpu.memory_space<hbm>>) target_semaphore(%run_scoped3A_46 : memref<!tpu.dma_semaphore, #tpu.memory_space<semaphore_mem>>)
        %dma_wait3A = arith.constant 0 : i32
        %dma_wait3A_51 = tpu.memref_slice %arg7[%add3A_45, %dma_wait3A] : memref<10240x128xf32, #tpu.memory_space<hbm>> -> memref<128x128xf32, #tpu.memory_space<hbm>>
        %dma_wait3A_52 = arith.constant 0 : i32
        %dma_wait3A_53 = tpu.memref_slice %arg7[%add3A_45, %dma_wait3A_52] : memref<10240x128xf32, #tpu.memory_space<hbm>> -> memref<128x128xf32, #tpu.memory_space<hbm>>
        tpu.wait_dma2 semaphore(%run_scoped3A_46 : memref<!tpu.dma_semaphore, #tpu.memory_space<semaphore_mem>>) src(%arg13 : memref<128x128xf32, #tpu.memory_space<vmem>>) dst(%dma_wait3A_53 : memref<128x128xf32, #tpu.memory_space<hbm>>)
        tpu.yield
      }) : () -> ()
    } else {
    }
    %eq3A_12 = arith.constant 1 : i32
    %eq3A_13 = arith.cmpi eq, %arg0, %eq3A_12 : i32
    %convert_element_type3A_14 = arith.extui %eq3A_13 : i1 to i32
    %cond3A_15 = arith.constant 0 : i32
    %cond3A_16 = arith.cmpi ne, %convert_element_type3A_14, %cond3A_15 : i32
    scf.if %cond3A_16 {
      %run_scoped3A = arith.constant 0 : i32
      "tpu.region"() ({
        %run_scoped3A_46 = tpu.sem_alloc : memref<!tpu.dma_semaphore, #tpu.memory_space<semaphore_mem>>
        %dma_start3A_47 = arith.constant 0 : i32
        %dma_start3A_48 = tpu.memref_slice %arg4[%arg1, %run_scoped3A, %dma_start3A_47] : memref<16x80x128xi32, #tpu.memory_space<hbm>> -> memref<1x1x128xi32, #tpu.memory_space<hbm>>
        %dma_start3A_49 = tpu.memref_squeeze %dma_start3A_48 : memref<1x1x128xi32, #tpu.memory_space<hbm>> -> memref<128xi32, #tpu.memory_space<hbm>>
        %dma_start3A_50 = arith.constant 0 : i32
        %dma_start3A_51 = tpu.memref_slice %arg4[%arg1, %run_scoped3A, %dma_start3A_50] : memref<16x80x128xi32, #tpu.memory_space<hbm>> -> memref<1x1x128xi32, #tpu.memory_space<hbm>>
        %dma_start3A_52 = tpu.memref_squeeze %dma_start3A_51 : memref<1x1x128xi32, #tpu.memory_space<hbm>> -> memref<128xi32, #tpu.memory_space<hbm>>
        tpu.enqueue_dma source(%dma_start3A_52 : memref<128xi32, #tpu.memory_space<hbm>>) target(%arg9 : memref<128xi32, #tpu.memory_space<vmem>>) target_semaphore(%run_scoped3A_46 : memref<!tpu.dma_semaphore, #tpu.memory_space<semaphore_mem>>)
        %dma_wait3A = arith.constant 0 : i32
        %dma_wait3A_53 = tpu.memref_slice %arg4[%arg1, %run_scoped3A, %dma_wait3A] : memref<16x80x128xi32, #tpu.memory_space<hbm>> -> memref<1x1x128xi32, #tpu.memory_space<hbm>>
        %dma_wait3A_54 = tpu.memref_squeeze %dma_wait3A_53 : memref<1x1x128xi32, #tpu.memory_space<hbm>> -> memref<128xi32, #tpu.memory_space<hbm>>
        %dma_wait3A_55 = arith.constant 0 : i32
        %dma_wait3A_56 = tpu.memref_slice %arg4[%arg1, %run_scoped3A, %dma_wait3A_55] : memref<16x80x128xi32, #tpu.memory_space<hbm>> -> memref<1x1x128xi32, #tpu.memory_space<hbm>>
        %dma_wait3A_57 = tpu.memref_squeeze %dma_wait3A_56 : memref<1x1x128xi32, #tpu.memory_space<hbm>> -> memref<128xi32, #tpu.memory_space<hbm>>
        tpu.wait_dma2 semaphore(%run_scoped3A_46 : memref<!tpu.dma_semaphore, #tpu.memory_space<semaphore_mem>>) src(%dma_wait3A_57 : memref<128xi32, #tpu.memory_space<hbm>>) dst(%arg9 : memref<128xi32, #tpu.memory_space<vmem>>)
        tpu.yield
      }) : () -> ()
      %run_scoped3A_17 = arith.constant 0 : i32
      "tpu.region"() ({
        %run_scoped3A_46 = tpu.sem_alloc : memref<!tpu.dma_semaphore, #tpu.memory_space<semaphore_mem>>
        %dma_start3A_47 = arith.constant 0 : i32
        %dma_start3A_48 = tpu.memref_slice %arg5[%arg1, %run_scoped3A_17, %dma_start3A_47] : memref<16x80x128xi32, #tpu.memory_space<hbm>> -> memref<1x1x128xi32, #tpu.memory_space<hbm>>
        %dma_start3A_49 = tpu.memref_squeeze %dma_start3A_48 : memref<1x1x128xi32, #tpu.memory_space<hbm>> -> memref<128xi32, #tpu.memory_space<hbm>>
        %dma_start3A_50 = arith.constant 0 : i32
        %dma_start3A_51 = tpu.memref_slice %arg5[%arg1, %run_scoped3A_17, %dma_start3A_50] : memref<16x80x128xi32, #tpu.memory_space<hbm>> -> memref<1x1x128xi32, #tpu.memory_space<hbm>>
        %dma_start3A_52 = tpu.memref_squeeze %dma_start3A_51 : memref<1x1x128xi32, #tpu.memory_space<hbm>> -> memref<128xi32, #tpu.memory_space<hbm>>
        tpu.enqueue_dma source(%dma_start3A_52 : memref<128xi32, #tpu.memory_space<hbm>>) target(%arg11 : memref<128xi32, #tpu.memory_space<vmem>>) target_semaphore(%run_scoped3A_46 : memref<!tpu.dma_semaphore, #tpu.memory_space<semaphore_mem>>)
        %dma_wait3A = arith.constant 0 : i32
        %dma_wait3A_53 = tpu.memref_slice %arg5[%arg1, %run_scoped3A_17, %dma_wait3A] : memref<16x80x128xi32, #tpu.memory_space<hbm>> -> memref<1x1x128xi32, #tpu.memory_space<hbm>>
        %dma_wait3A_54 = tpu.memref_squeeze %dma_wait3A_53 : memref<1x1x128xi32, #tpu.memory_space<hbm>> -> memref<128xi32, #tpu.memory_space<hbm>>
        %dma_wait3A_55 = arith.constant 0 : i32
        %dma_wait3A_56 = tpu.memref_slice %arg5[%arg1, %run_scoped3A_17, %dma_wait3A_55] : memref<16x80x128xi32, #tpu.memory_space<hbm>> -> memref<1x1x128xi32, #tpu.memory_space<hbm>>
        %dma_wait3A_57 = tpu.memref_squeeze %dma_wait3A_56 : memref<1x1x128xi32, #tpu.memory_space<hbm>> -> memref<128xi32, #tpu.memory_space<hbm>>
        tpu.wait_dma2 semaphore(%run_scoped3A_46 : memref<!tpu.dma_semaphore, #tpu.memory_space<semaphore_mem>>) src(%dma_wait3A_57 : memref<128xi32, #tpu.memory_space<hbm>>) dst(%arg11 : memref<128xi32, #tpu.memory_space<vmem>>)
        tpu.yield
      }) : () -> ()
      %dma_start3A = arith.constant 0 : i32
      %dma_start3A_18 = arith.constant 0 : i32
      %dma_start3A_19 = tpu.memref_slice %arg3[%dma_start3A, %dma_start3A_18] : memref<10240x128xf32, #tpu.memory_space<hbm>> -> memref<10240x128xf32, #tpu.memory_space<hbm>>
      tpu.enqueue_indirect_dma source(%dma_start3A_19 : memref<10240x128xf32, #tpu.memory_space<hbm>>) target(%arg13 : memref<128x128xf32, #tpu.memory_space<vmem>>) offsets(%arg9 : memref<128xi32, #tpu.memory_space<vmem>>) semaphore(%arg16 : memref<!tpu.dma_semaphore, #tpu.memory_space<semaphore_mem>>)
      %scan3A = arith.constant 0 : i32
      %scan3A_20 = arith.constant 0 : i32
      %scan3A_21 = arith.constant 40 : i32
      %scan3A_22 = arith.addi %scan3A_20, %scan3A_21 : i32
      %scan3A_23 = arith.constant 1 : i32
      scf.for %scan3A_46 = %scan3A_20 to %scan3A_22 step %scan3A_23  : i32 {
        %mul3A_47 = arith.constant 2 : i32
        %mul3A_48 = arith.muli %mul3A_47, %scan3A_46 : i32
        %add3A_49 = arith.constant 1 : i32
        %add3A_50 = arith.addi %mul3A_48, %add3A_49 : i32
        %dma_start3A_51 = arith.constant 0 : i32
        %dma_start3A_52 = tpu.memref_slice %arg4[%arg1, %add3A_50, %dma_start3A_51] : memref<16x80x128xi32, #tpu.memory_space<hbm>> -> memref<1x1x128xi32, #tpu.memory_space<hbm>>
        %dma_start3A_53 = tpu.memref_squeeze %dma_start3A_52 : memref<1x1x128xi32, #tpu.memory_space<hbm>> -> memref<128xi32, #tpu.memory_space<hbm>>
        %dma_start3A_54 = arith.constant 0 : i32
        %dma_start3A_55 = tpu.memref_slice %arg4[%arg1, %add3A_50, %dma_start3A_54] : memref<16x80x128xi32, #tpu.memory_space<hbm>> -> memref<1x1x128xi32, #tpu.memory_space<hbm>>
        %dma_start3A_56 = tpu.memref_squeeze %dma_start3A_55 : memref<1x1x128xi32, #tpu.memory_space<hbm>> -> memref<128xi32, #tpu.memory_space<hbm>>
        tpu.enqueue_dma source(%dma_start3A_56 : memref<128xi32, #tpu.memory_space<hbm>>) target(%arg10 : memref<128xi32, #tpu.memory_space<vmem>>) target_semaphore(%arg21 : memref<!tpu.dma_semaphore, #tpu.memory_space<semaphore_mem>>)
        %dma_start3A_57 = arith.constant 0 : i32
        %dma_start3A_58 = tpu.memref_slice %arg5[%arg1, %add3A_50, %dma_start3A_57] : memref<16x80x128xi32, #tpu.memory_space<hbm>> -> memref<1x1x128xi32, #tpu.memory_space<hbm>>
        %dma_start3A_59 = tpu.memref_squeeze %dma_start3A_58 : memref<1x1x128xi32, #tpu.memory_space<hbm>> -> memref<128xi32, #tpu.memory_space<hbm>>
        %dma_start3A_60 = arith.constant 0 : i32
        %dma_start3A_61 = tpu.memref_slice %arg5[%arg1, %add3A_50, %dma_start3A_60] : memref<16x80x128xi32, #tpu.memory_space<hbm>> -> memref<1x1x128xi32, #tpu.memory_space<hbm>>
        %dma_start3A_62 = tpu.memref_squeeze %dma_start3A_61 : memref<1x1x128xi32, #tpu.memory_space<hbm>> -> memref<128xi32, #tpu.memory_space<hbm>>
        tpu.enqueue_dma source(%dma_start3A_62 : memref<128xi32, #tpu.memory_space<hbm>>) target(%arg12 : memref<128xi32, #tpu.memory_space<vmem>>) target_semaphore(%arg21 : memref<!tpu.dma_semaphore, #tpu.memory_space<semaphore_mem>>)
        %dma_wait3A = arith.constant 0 : i32
        %dma_wait3A_63 = arith.constant 0 : i32
        %dma_wait3A_64 = tpu.memref_slice %arg3[%dma_wait3A, %dma_wait3A_63] : memref<10240x128xf32, #tpu.memory_space<hbm>> -> memref<10240x128xf32, #tpu.memory_space<hbm>>
        tpu.wait_indirect_dma semaphore(%arg16 : memref<!tpu.dma_semaphore, #tpu.memory_space<semaphore_mem>>) src(%dma_wait3A_64 : memref<10240x128xf32, #tpu.memory_space<hbm>>) dst(%arg13 : memref<128x128xf32, #tpu.memory_space<vmem>>)
        %add3A_65 = arith.constant 1 : i32
        %add3A_66 = arith.addi %mul3A_48, %add3A_65 : i32
        %dma_wait3A_67 = arith.constant 0 : i32
        %dma_wait3A_68 = tpu.memref_slice %arg4[%arg1, %add3A_66, %dma_wait3A_67] : memref<16x80x128xi32, #tpu.memory_space<hbm>> -> memref<1x1x128xi32, #tpu.memory_space<hbm>>
        %dma_wait3A_69 = tpu.memref_squeeze %dma_wait3A_68 : memref<1x1x128xi32, #tpu.memory_space<hbm>> -> memref<128xi32, #tpu.memory_space<hbm>>
        %dma_wait3A_70 = arith.constant 0 : i32
        %dma_wait3A_71 = tpu.memref_slice %arg4[%arg1, %add3A_66, %dma_wait3A_70] : memref<16x80x128xi32, #tpu.memory_space<hbm>> -> memref<1x1x128xi32, #tpu.memory_space<hbm>>
        %dma_wait3A_72 = tpu.memref_squeeze %dma_wait3A_71 : memref<1x1x128xi32, #tpu.memory_space<hbm>> -> memref<128xi32, #tpu.memory_space<hbm>>
        tpu.wait_dma2 semaphore(%arg21 : memref<!tpu.dma_semaphore, #tpu.memory_space<semaphore_mem>>) src(%dma_wait3A_72 : memref<128xi32, #tpu.memory_space<hbm>>) dst(%arg10 : memref<128xi32, #tpu.memory_space<vmem>>)
        %dma_wait3A_73 = arith.constant 0 : i32
        %dma_wait3A_74 = tpu.memref_slice %arg5[%arg1, %add3A_66, %dma_wait3A_73] : memref<16x80x128xi32, #tpu.memory_space<hbm>> -> memref<1x1x128xi32, #tpu.memory_space<hbm>>
        %dma_wait3A_75 = tpu.memref_squeeze %dma_wait3A_74 : memref<1x1x128xi32, #tpu.memory_space<hbm>> -> memref<128xi32, #tpu.memory_space<hbm>>
        %dma_wait3A_76 = arith.constant 0 : i32
        %dma_wait3A_77 = tpu.memref_slice %arg5[%arg1, %add3A_66, %dma_wait3A_76] : memref<16x80x128xi32, #tpu.memory_space<hbm>> -> memref<1x1x128xi32, #tpu.memory_space<hbm>>
        %dma_wait3A_78 = tpu.memref_squeeze %dma_wait3A_77 : memref<1x1x128xi32, #tpu.memory_space<hbm>> -> memref<128xi32, #tpu.memory_space<hbm>>
        tpu.wait_dma2 semaphore(%arg21 : memref<!tpu.dma_semaphore, #tpu.memory_space<semaphore_mem>>) src(%dma_wait3A_78 : memref<128xi32, #tpu.memory_space<hbm>>) dst(%arg12 : memref<128xi32, #tpu.memory_space<vmem>>)
        %dma_start3A_79 = arith.constant 0 : i32
        %dma_start3A_80 = arith.constant 0 : i32
        %dma_start3A_81 = tpu.memref_slice %arg3[%dma_start3A_79, %dma_start3A_80] : memref<10240x128xf32, #tpu.memory_space<hbm>> -> memref<10240x128xf32, #tpu.memory_space<hbm>>
        tpu.enqueue_indirect_dma source(%dma_start3A_81 : memref<10240x128xf32, #tpu.memory_space<hbm>>) target(%arg14 : memref<128x128xf32, #tpu.memory_space<vmem>>) offsets(%arg10 : memref<128xi32, #tpu.memory_space<vmem>>) semaphore(%arg17 : memref<!tpu.dma_semaphore, #tpu.memory_space<semaphore_mem>>)
        %dma_start3A_82 = arith.constant 0 : i32
        %dma_start3A_83 = arith.constant 0 : i32
        %dma_start3A_84 = tpu.memref_slice %arg15[%dma_start3A_82, %dma_start3A_83] : memref<10240x128xf32, #tpu.memory_space<vmem_shared>> -> memref<10240x128xf32, #tpu.memory_space<vmem_shared>>
        tpu.enqueue_indirect_dma source(%arg13 : memref<128x128xf32, #tpu.memory_space<vmem>>) target(%dma_start3A_84 : memref<10240x128xf32, #tpu.memory_space<vmem_shared>>) offsets(%arg11 : memref<128xi32, #tpu.memory_space<vmem>>) semaphore(%arg18 : memref<!tpu.dma_semaphore, #tpu.memory_space<semaphore_mem>>) {add = true}
        %dma_wait3A_85 = arith.constant 0 : i32
        %dma_wait3A_86 = arith.constant 0 : i32
        %dma_wait3A_87 = tpu.memref_slice %arg3[%dma_wait3A_85, %dma_wait3A_86] : memref<10240x128xf32, #tpu.memory_space<hbm>> -> memref<10240x128xf32, #tpu.memory_space<hbm>>
        tpu.wait_indirect_dma semaphore(%arg17 : memref<!tpu.dma_semaphore, #tpu.memory_space<semaphore_mem>>) src(%dma_wait3A_87 : memref<10240x128xf32, #tpu.memory_space<hbm>>) dst(%arg14 : memref<128x128xf32, #tpu.memory_space<vmem>>)
        %dma_start3A_88 = arith.constant 0 : i32
        %dma_start3A_89 = arith.constant 0 : i32
        %dma_start3A_90 = tpu.memref_slice %arg15[%dma_start3A_88, %dma_start3A_89] : memref<10240x128xf32, #tpu.memory_space<vmem_shared>> -> memref<10240x128xf32, #tpu.memory_space<vmem_shared>>
        tpu.enqueue_indirect_dma source(%arg14 : memref<128x128xf32, #tpu.memory_space<vmem>>) target(%dma_start3A_90 : memref<10240x128xf32, #tpu.memory_space<vmem_shared>>) offsets(%arg12 : memref<128xi32, #tpu.memory_space<vmem>>) semaphore(%arg19 : memref<!tpu.dma_semaphore, #tpu.memory_space<semaphore_mem>>) {add = true}
        %dma_wait3A_91 = arith.constant 0 : i32
        %dma_wait3A_92 = arith.constant 0 : i32
        %dma_wait3A_93 = tpu.memref_slice %arg15[%dma_wait3A_91, %dma_wait3A_92] : memref<10240x128xf32, #tpu.memory_space<vmem_shared>> -> memref<10240x128xf32, #tpu.memory_space<vmem_shared>>
        tpu.wait_indirect_dma semaphore(%arg18 : memref<!tpu.dma_semaphore, #tpu.memory_space<semaphore_mem>>) src(%arg13 : memref<128x128xf32, #tpu.memory_space<vmem>>) dst(%dma_wait3A_93 : memref<10240x128xf32, #tpu.memory_space<vmem_shared>>)
        %lt3A = arith.constant 39 : i32
        %lt3A_94 = arith.cmpi slt, %scan3A_46, %lt3A : i32
        %convert_element_type3A_95 = arith.extui %lt3A_94 : i1 to i32
        %cond3A_96 = arith.constant 0 : i32
        %cond3A_97 = arith.cmpi ne, %convert_element_type3A_95, %cond3A_96 : i32
        scf.if %cond3A_97 {
          %add3A_101 = arith.constant 2 : i32
          %add3A_102 = arith.addi %mul3A_48, %add3A_101 : i32
          %dma_start3A_103 = arith.constant 0 : i32
          %dma_start3A_104 = tpu.memref_slice %arg4[%arg1, %add3A_102, %dma_start3A_103] : memref<16x80x128xi32, #tpu.memory_space<hbm>> -> memref<1x1x128xi32, #tpu.memory_space<hbm>>
          %dma_start3A_105 = tpu.memref_squeeze %dma_start3A_104 : memref<1x1x128xi32, #tpu.memory_space<hbm>> -> memref<128xi32, #tpu.memory_space<hbm>>
          %dma_start3A_106 = arith.constant 0 : i32
          %dma_start3A_107 = tpu.memref_slice %arg4[%arg1, %add3A_102, %dma_start3A_106] : memref<16x80x128xi32, #tpu.memory_space<hbm>> -> memref<1x1x128xi32, #tpu.memory_space<hbm>>
          %dma_start3A_108 = tpu.memref_squeeze %dma_start3A_107 : memref<1x1x128xi32, #tpu.memory_space<hbm>> -> memref<128xi32, #tpu.memory_space<hbm>>
          tpu.enqueue_dma source(%dma_start3A_108 : memref<128xi32, #tpu.memory_space<hbm>>) target(%arg9 : memref<128xi32, #tpu.memory_space<vmem>>) target_semaphore(%arg20 : memref<!tpu.dma_semaphore, #tpu.memory_space<semaphore_mem>>)
          %dma_start3A_109 = arith.constant 0 : i32
          %dma_start3A_110 = tpu.memref_slice %arg5[%arg1, %add3A_102, %dma_start3A_109] : memref<16x80x128xi32, #tpu.memory_space<hbm>> -> memref<1x1x128xi32, #tpu.memory_space<hbm>>
          %dma_start3A_111 = tpu.memref_squeeze %dma_start3A_110 : memref<1x1x128xi32, #tpu.memory_space<hbm>> -> memref<128xi32, #tpu.memory_space<hbm>>
          %dma_start3A_112 = arith.constant 0 : i32
          %dma_start3A_113 = tpu.memref_slice %arg5[%arg1, %add3A_102, %dma_start3A_112] : memref<16x80x128xi32, #tpu.memory_space<hbm>> -> memref<1x1x128xi32, #tpu.memory_space<hbm>>
          %dma_start3A_114 = tpu.memref_squeeze %dma_start3A_113 : memref<1x1x128xi32, #tpu.memory_space<hbm>> -> memref<128xi32, #tpu.memory_space<hbm>>
          tpu.enqueue_dma source(%dma_start3A_114 : memref<128xi32, #tpu.memory_space<hbm>>) target(%arg11 : memref<128xi32, #tpu.memory_space<vmem>>) target_semaphore(%arg20 : memref<!tpu.dma_semaphore, #tpu.memory_space<semaphore_mem>>)
          %add3A_115 = arith.constant 2 : i32
          %add3A_116 = arith.addi %mul3A_48, %add3A_115 : i32
          %dma_wait3A_117 = arith.constant 0 : i32
          %dma_wait3A_118 = tpu.memref_slice %arg4[%arg1, %add3A_116, %dma_wait3A_117] : memref<16x80x128xi32, #tpu.memory_space<hbm>> -> memref<1x1x128xi32, #tpu.memory_space<hbm>>
          %dma_wait3A_119 = tpu.memref_squeeze %dma_wait3A_118 : memref<1x1x128xi32, #tpu.memory_space<hbm>> -> memref<128xi32, #tpu.memory_space<hbm>>
          %dma_wait3A_120 = arith.constant 0 : i32
          %dma_wait3A_121 = tpu.memref_slice %arg4[%arg1, %add3A_116, %dma_wait3A_120] : memref<16x80x128xi32, #tpu.memory_space<hbm>> -> memref<1x1x128xi32, #tpu.memory_space<hbm>>
          %dma_wait3A_122 = tpu.memref_squeeze %dma_wait3A_121 : memref<1x1x128xi32, #tpu.memory_space<hbm>> -> memref<128xi32, #tpu.memory_space<hbm>>
          tpu.wait_dma2 semaphore(%arg20 : memref<!tpu.dma_semaphore, #tpu.memory_space<semaphore_mem>>) src(%dma_wait3A_122 : memref<128xi32, #tpu.memory_space<hbm>>) dst(%arg9 : memref<128xi32, #tpu.memory_space<vmem>>)
          %dma_wait3A_123 = arith.constant 0 : i32
          %dma_wait3A_124 = tpu.memref_slice %arg5[%arg1, %add3A_116, %dma_wait3A_123] : memref<16x80x128xi32, #tpu.memory_space<hbm>> -> memref<1x1x128xi32, #tpu.memory_space<hbm>>
          %dma_wait3A_125 = tpu.memref_squeeze %dma_wait3A_124 : memref<1x1x128xi32, #tpu.memory_space<hbm>> -> memref<128xi32, #tpu.memory_space<hbm>>
          %dma_wait3A_126 = arith.constant 0 : i32
          %dma_wait3A_127 = tpu.memref_slice %arg5[%arg1, %add3A_116, %dma_wait3A_126] : memref<16x80x128xi32, #tpu.memory_space<hbm>> -> memref<1x1x128xi32, #tpu.memory_space<hbm>>
          %dma_wait3A_128 = tpu.memref_squeeze %dma_wait3A_127 : memref<1x1x128xi32, #tpu.memory_space<hbm>> -> memref<128xi32, #tpu.memory_space<hbm>>
          tpu.wait_dma2 semaphore(%arg20 : memref<!tpu.dma_semaphore, #tpu.memory_space<semaphore_mem>>) src(%dma_wait3A_128 : memref<128xi32, #tpu.memory_space<hbm>>) dst(%arg11 : memref<128xi32, #tpu.memory_space<vmem>>)
          %dma_start3A_129 = arith.constant 0 : i32
          %dma_start3A_130 = arith.constant 0 : i32
          %dma_start3A_131 = tpu.memref_slice %arg3[%dma_start3A_129, %dma_start3A_130] : memref<10240x128xf32, #tpu.memory_space<hbm>> -> memref<10240x128xf32, #tpu.memory_space<hbm>>
          tpu.enqueue_indirect_dma source(%dma_start3A_131 : memref<10240x128xf32, #tpu.memory_space<hbm>>) target(%arg13 : memref<128x128xf32, #tpu.memory_space<vmem>>) offsets(%arg9 : memref<128xi32, #tpu.memory_space<vmem>>) semaphore(%arg16 : memref<!tpu.dma_semaphore, #tpu.memory_space<semaphore_mem>>)
        } else {
        }
        %dma_wait3A_98 = arith.constant 0 : i32
        %dma_wait3A_99 = arith.constant 0 : i32
        %dma_wait3A_100 = tpu.memref_slice %arg15[%dma_wait3A_98, %dma_wait3A_99] : memref<10240x128xf32, #tpu.memory_space<vmem_shared>> -> memref<10240x128xf32, #tpu.memory_space<vmem_shared>>
        tpu.wait_indirect_dma semaphore(%arg19 : memref<!tpu.dma_semaphore, #tpu.memory_space<semaphore_mem>>) src(%arg14 : memref<128x128xf32, #tpu.memory_space<vmem>>) dst(%dma_wait3A_100 : memref<10240x128xf32, #tpu.memory_space<vmem_shared>>)
      }
      %scan3A_24 = arith.constant 40 : i32
      %barrier3A_25 = arith.constant 0 : index
      tpu.barrier barrier_id(%barrier3A_25)
      %add3A_26 = arith.constant 0 : i32
      %add3A_27 = arith.addi %mul3A_0, %add3A_26 : i32
      "tpu.region"() ({
        %run_scoped3A_46 = tpu.sem_alloc : memref<!tpu.dma_semaphore, #tpu.memory_space<semaphore_mem>>
        %dma_start3A_47 = arith.constant 0 : i32
        %dma_start3A_48 = tpu.memref_slice %arg15[%add3A_27, %dma_start3A_47] : memref<10240x128xf32, #tpu.memory_space<vmem_shared>> -> memref<128x128xf32, #tpu.memory_space<vmem_shared>>
        %dma_start3A_49 = arith.constant 0 : i32
        %dma_start3A_50 = tpu.memref_slice %arg15[%add3A_27, %dma_start3A_49] : memref<10240x128xf32, #tpu.memory_space<vmem_shared>> -> memref<128x128xf32, #tpu.memory_space<vmem_shared>>
        tpu.enqueue_dma source(%dma_start3A_50 : memref<128x128xf32, #tpu.memory_space<vmem_shared>>) target(%arg13 : memref<128x128xf32, #tpu.memory_space<vmem>>) target_semaphore(%run_scoped3A_46 : memref<!tpu.dma_semaphore, #tpu.memory_space<semaphore_mem>>)
        %dma_wait3A = arith.constant 0 : i32
        %dma_wait3A_51 = tpu.memref_slice %arg15[%add3A_27, %dma_wait3A] : memref<10240x128xf32, #tpu.memory_space<vmem_shared>> -> memref<128x128xf32, #tpu.memory_space<vmem_shared>>
        %dma_wait3A_52 = arith.constant 0 : i32
        %dma_wait3A_53 = tpu.memref_slice %arg15[%add3A_27, %dma_wait3A_52] : memref<10240x128xf32, #tpu.memory_space<vmem_shared>> -> memref<128x128xf32, #tpu.memory_space<vmem_shared>>
        tpu.wait_dma2 semaphore(%run_scoped3A_46 : memref<!tpu.dma_semaphore, #tpu.memory_space<semaphore_mem>>) src(%dma_wait3A_53 : memref<128x128xf32, #tpu.memory_space<vmem_shared>>) dst(%arg13 : memref<128x128xf32, #tpu.memory_space<vmem>>)
        tpu.yield
      }) : () -> ()
      %add3A_28 = arith.constant 0 : i32
      %add3A_29 = arith.addi %mul3A_0, %add3A_28 : i32
      "tpu.region"() ({
        %run_scoped3A_46 = tpu.sem_alloc : memref<!tpu.dma_semaphore, #tpu.memory_space<semaphore_mem>>
        %dma_start3A_47 = arith.constant 0 : i32
        %dma_start3A_48 = tpu.memref_slice %arg8[%add3A_29, %dma_start3A_47] : memref<10240x128xf32, #tpu.memory_space<hbm>> -> memref<128x128xf32, #tpu.memory_space<hbm>>
        %dma_start3A_49 = arith.constant 0 : i32
        %dma_start3A_50 = tpu.memref_slice %arg8[%add3A_29, %dma_start3A_49] : memref<10240x128xf32, #tpu.memory_space<hbm>> -> memref<128x128xf32, #tpu.memory_space<hbm>>
        tpu.enqueue_dma source(%arg13 : memref<128x128xf32, #tpu.memory_space<vmem>>) target(%dma_start3A_50 : memref<128x128xf32, #tpu.memory_space<hbm>>) target_semaphore(%run_scoped3A_46 : memref<!tpu.dma_semaphore, #tpu.memory_space<semaphore_mem>>)
        %dma_wait3A = arith.constant 0 : i32
        %dma_wait3A_51 = tpu.memref_slice %arg8[%add3A_29, %dma_wait3A] : memref<10240x128xf32, #tpu.memory_space<hbm>> -> memref<128x128xf32, #tpu.memory_space<hbm>>
        %dma_wait3A_52 = arith.constant 0 : i32
        %dma_wait3A_53 = tpu.memref_slice %arg8[%add3A_29, %dma_wait3A_52] : memref<10240x128xf32, #tpu.memory_space<hbm>> -> memref<128x128xf32, #tpu.memory_space<hbm>>
        tpu.wait_dma2 semaphore(%run_scoped3A_46 : memref<!tpu.dma_semaphore, #tpu.memory_space<semaphore_mem>>) src(%arg13 : memref<128x128xf32, #tpu.memory_space<vmem>>) dst(%dma_wait3A_53 : memref<128x128xf32, #tpu.memory_space<hbm>>)
        tpu.yield
      }) : () -> ()
      %add3A_30 = arith.constant 128 : i32
      %add3A_31 = arith.addi %mul3A_0, %add3A_30 : i32
      "tpu.region"() ({
        %run_scoped3A_46 = tpu.sem_alloc : memref<!tpu.dma_semaphore, #tpu.memory_space<semaphore_mem>>
        %dma_start3A_47 = arith.constant 0 : i32
        %dma_start3A_48 = tpu.memref_slice %arg15[%add3A_31, %dma_start3A_47] : memref<10240x128xf32, #tpu.memory_space<vmem_shared>> -> memref<128x128xf32, #tpu.memory_space<vmem_shared>>
        %dma_start3A_49 = arith.constant 0 : i32
        %dma_start3A_50 = tpu.memref_slice %arg15[%add3A_31, %dma_start3A_49] : memref<10240x128xf32, #tpu.memory_space<vmem_shared>> -> memref<128x128xf32, #tpu.memory_space<vmem_shared>>
        tpu.enqueue_dma source(%dma_start3A_50 : memref<128x128xf32, #tpu.memory_space<vmem_shared>>) target(%arg13 : memref<128x128xf32, #tpu.memory_space<vmem>>) target_semaphore(%run_scoped3A_46 : memref<!tpu.dma_semaphore, #tpu.memory_space<semaphore_mem>>)
        %dma_wait3A = arith.constant 0 : i32
        %dma_wait3A_51 = tpu.memref_slice %arg15[%add3A_31, %dma_wait3A] : memref<10240x128xf32, #tpu.memory_space<vmem_shared>> -> memref<128x128xf32, #tpu.memory_space<vmem_shared>>
        %dma_wait3A_52 = arith.constant 0 : i32
        %dma_wait3A_53 = tpu.memref_slice %arg15[%add3A_31, %dma_wait3A_52] : memref<10240x128xf32, #tpu.memory_space<vmem_shared>> -> memref<128x128xf32, #tpu.memory_space<vmem_shared>>
        tpu.wait_dma2 semaphore(%run_scoped3A_46 : memref<!tpu.dma_semaphore, #tpu.memory_space<semaphore_mem>>) src(%dma_wait3A_53 : memref<128x128xf32, #tpu.memory_space<vmem_shared>>) dst(%arg13 : memref<128x128xf32, #tpu.memory_space<vmem>>)
        tpu.yield
      }) : () -> ()
      %add3A_32 = arith.constant 128 : i32
      %add3A_33 = arith.addi %mul3A_0, %add3A_32 : i32
      "tpu.region"() ({
        %run_scoped3A_46 = tpu.sem_alloc : memref<!tpu.dma_semaphore, #tpu.memory_space<semaphore_mem>>
        %dma_start3A_47 = arith.constant 0 : i32
        %dma_start3A_48 = tpu.memref_slice %arg8[%add3A_33, %dma_start3A_47] : memref<10240x128xf32, #tpu.memory_space<hbm>> -> memref<128x128xf32, #tpu.memory_space<hbm>>
        %dma_start3A_49 = arith.constant 0 : i32
        %dma_start3A_50 = tpu.memref_slice %arg8[%add3A_33, %dma_start3A_49] : memref<10240x128xf32, #tpu.memory_space<hbm>> -> memref<128x128xf32, #tpu.memory_space<hbm>>
        tpu.enqueue_dma source(%arg13 : memref<128x128xf32, #tpu.memory_space<vmem>>) target(%dma_start3A_50 : memref<128x128xf32, #tpu.memory_space<hbm>>) target_semaphore(%run_scoped3A_46 : memref<!tpu.dma_semaphore, #tpu.memory_space<semaphore_mem>>)
        %dma_wait3A = arith.constant 0 : i32
        %dma_wait3A_51 = tpu.memref_slice %arg8[%add3A_33, %dma_wait3A] : memref<10240x128xf32, #tpu.memory_space<hbm>> -> memref<128x128xf32, #tpu.memory_space<hbm>>
        %dma_wait3A_52 = arith.constant 0 : i32
        %dma_wait3A_53 = tpu.memref_slice %arg8[%add3A_33, %dma_wait3A_52] : memref<10240x128xf32, #tpu.memory_space<hbm>> -> memref<128x128xf32, #tpu.memory_space<hbm>>
        tpu.wait_dma2 semaphore(%run_scoped3A_46 : memref<!tpu.dma_semaphore, #tpu.memory_space<semaphore_mem>>) src(%arg13 : memref<128x128xf32, #tpu.memory_space<vmem>>) dst(%dma_wait3A_53 : memref<128x128xf32, #tpu.memory_space<hbm>>)
        tpu.yield
      }) : () -> ()
      %add3A_34 = arith.constant 256 : i32
      %add3A_35 = arith.addi %mul3A_0, %add3A_34 : i32
      "tpu.region"() ({
        %run_scoped3A_46 = tpu.sem_alloc : memref<!tpu.dma_semaphore, #tpu.memory_space<semaphore_mem>>
        %dma_start3A_47 = arith.constant 0 : i32
        %dma_start3A_48 = tpu.memref_slice %arg15[%add3A_35, %dma_start3A_47] : memref<10240x128xf32, #tpu.memory_space<vmem_shared>> -> memref<128x128xf32, #tpu.memory_space<vmem_shared>>
        %dma_start3A_49 = arith.constant 0 : i32
        %dma_start3A_50 = tpu.memref_slice %arg15[%add3A_35, %dma_start3A_49] : memref<10240x128xf32, #tpu.memory_space<vmem_shared>> -> memref<128x128xf32, #tpu.memory_space<vmem_shared>>
        tpu.enqueue_dma source(%dma_start3A_50 : memref<128x128xf32, #tpu.memory_space<vmem_shared>>) target(%arg13 : memref<128x128xf32, #tpu.memory_space<vmem>>) target_semaphore(%run_scoped3A_46 : memref<!tpu.dma_semaphore, #tpu.memory_space<semaphore_mem>>)
        %dma_wait3A = arith.constant 0 : i32
        %dma_wait3A_51 = tpu.memref_slice %arg15[%add3A_35, %dma_wait3A] : memref<10240x128xf32, #tpu.memory_space<vmem_shared>> -> memref<128x128xf32, #tpu.memory_space<vmem_shared>>
        %dma_wait3A_52 = arith.constant 0 : i32
        %dma_wait3A_53 = tpu.memref_slice %arg15[%add3A_35, %dma_wait3A_52] : memref<10240x128xf32, #tpu.memory_space<vmem_shared>> -> memref<128x128xf32, #tpu.memory_space<vmem_shared>>
        tpu.wait_dma2 semaphore(%run_scoped3A_46 : memref<!tpu.dma_semaphore, #tpu.memory_space<semaphore_mem>>) src(%dma_wait3A_53 : memref<128x128xf32, #tpu.memory_space<vmem_shared>>) dst(%arg13 : memref<128x128xf32, #tpu.memory_space<vmem>>)
        tpu.yield
      }) : () -> ()
      %add3A_36 = arith.constant 256 : i32
      %add3A_37 = arith.addi %mul3A_0, %add3A_36 : i32
      "tpu.region"() ({
        %run_scoped3A_46 = tpu.sem_alloc : memref<!tpu.dma_semaphore, #tpu.memory_space<semaphore_mem>>
        %dma_start3A_47 = arith.constant 0 : i32
        %dma_start3A_48 = tpu.memref_slice %arg8[%add3A_37, %dma_start3A_47] : memref<10240x128xf32, #tpu.memory_space<hbm>> -> memref<128x128xf32, #tpu.memory_space<hbm>>
        %dma_start3A_49 = arith.constant 0 : i32
        %dma_start3A_50 = tpu.memref_slice %arg8[%add3A_37, %dma_start3A_49] : memref<10240x128xf32, #tpu.memory_space<hbm>> -> memref<128x128xf32, #tpu.memory_space<hbm>>
        tpu.enqueue_dma source(%arg13 : memref<128x128xf32, #tpu.memory_space<vmem>>) target(%dma_start3A_50 : memref<128x128xf32, #tpu.memory_space<hbm>>) target_semaphore(%run_scoped3A_46 : memref<!tpu.dma_semaphore, #tpu.memory_space<semaphore_mem>>)
        %dma_wait3A = arith.constant 0 : i32
        %dma_wait3A_51 = tpu.memref_slice %arg8[%add3A_37, %dma_wait3A] : memref<10240x128xf32, #tpu.memory_space<hbm>> -> memref<128x128xf32, #tpu.memory_space<hbm>>
        %dma_wait3A_52 = arith.constant 0 : i32
        %dma_wait3A_53 = tpu.memref_slice %arg8[%add3A_37, %dma_wait3A_52] : memref<10240x128xf32, #tpu.memory_space<hbm>> -> memref<128x128xf32, #tpu.memory_space<hbm>>
        tpu.wait_dma2 semaphore(%run_scoped3A_46 : memref<!tpu.dma_semaphore, #tpu.memory_space<semaphore_mem>>) src(%arg13 : memref<128x128xf32, #tpu.memory_space<vmem>>) dst(%dma_wait3A_53 : memref<128x128xf32, #tpu.memory_space<hbm>>)
        tpu.yield
      }) : () -> ()
      %add3A_38 = arith.constant 384 : i32
      %add3A_39 = arith.addi %mul3A_0, %add3A_38 : i32
      "tpu.region"() ({
        %run_scoped3A_46 = tpu.sem_alloc : memref<!tpu.dma_semaphore, #tpu.memory_space<semaphore_mem>>
        %dma_start3A_47 = arith.constant 0 : i32
        %dma_start3A_48 = tpu.memref_slice %arg15[%add3A_39, %dma_start3A_47] : memref<10240x128xf32, #tpu.memory_space<vmem_shared>> -> memref<128x128xf32, #tpu.memory_space<vmem_shared>>
        %dma_start3A_49 = arith.constant 0 : i32
        %dma_start3A_50 = tpu.memref_slice %arg15[%add3A_39, %dma_start3A_49] : memref<10240x128xf32, #tpu.memory_space<vmem_shared>> -> memref<128x128xf32, #tpu.memory_space<vmem_shared>>
        tpu.enqueue_dma source(%dma_start3A_50 : memref<128x128xf32, #tpu.memory_space<vmem_shared>>) target(%arg13 : memref<128x128xf32, #tpu.memory_space<vmem>>) target_semaphore(%run_scoped3A_46 : memref<!tpu.dma_semaphore, #tpu.memory_space<semaphore_mem>>)
        %dma_wait3A = arith.constant 0 : i32
        %dma_wait3A_51 = tpu.memref_slice %arg15[%add3A_39, %dma_wait3A] : memref<10240x128xf32, #tpu.memory_space<vmem_shared>> -> memref<128x128xf32, #tpu.memory_space<vmem_shared>>
        %dma_wait3A_52 = arith.constant 0 : i32
        %dma_wait3A_53 = tpu.memref_slice %arg15[%add3A_39, %dma_wait3A_52] : memref<10240x128xf32, #tpu.memory_space<vmem_shared>> -> memref<128x128xf32, #tpu.memory_space<vmem_shared>>
        tpu.wait_dma2 semaphore(%run_scoped3A_46 : memref<!tpu.dma_semaphore, #tpu.memory_space<semaphore_mem>>) src(%dma_wait3A_53 : memref<128x128xf32, #tpu.memory_space<vmem_shared>>) dst(%arg13 : memref<128x128xf32, #tpu.memory_space<vmem>>)
        tpu.yield
      }) : () -> ()
      %add3A_40 = arith.constant 384 : i32
      %add3A_41 = arith.addi %mul3A_0, %add3A_40 : i32
      "tpu.region"() ({
        %run_scoped3A_46 = tpu.sem_alloc : memref<!tpu.dma_semaphore, #tpu.memory_space<semaphore_mem>>
        %dma_start3A_47 = arith.constant 0 : i32
        %dma_start3A_48 = tpu.memref_slice %arg8[%add3A_41, %dma_start3A_47] : memref<10240x128xf32, #tpu.memory_space<hbm>> -> memref<128x128xf32, #tpu.memory_space<hbm>>
        %dma_start3A_49 = arith.constant 0 : i32
        %dma_start3A_50 = tpu.memref_slice %arg8[%add3A_41, %dma_start3A_49] : memref<10240x128xf32, #tpu.memory_space<hbm>> -> memref<128x128xf32, #tpu.memory_space<hbm>>
        tpu.enqueue_dma source(%arg13 : memref<128x128xf32, #tpu.memory_space<vmem>>) target(%dma_start3A_50 : memref<128x128xf32, #tpu.memory_space<hbm>>) target_semaphore(%run_scoped3A_46 : memref<!tpu.dma_semaphore, #tpu.memory_space<semaphore_mem>>)
        %dma_wait3A = arith.constant 0 : i32
        %dma_wait3A_51 = tpu.memref_slice %arg8[%add3A_41, %dma_wait3A] : memref<10240x128xf32, #tpu.memory_space<hbm>> -> memref<128x128xf32, #tpu.memory_space<hbm>>
        %dma_wait3A_52 = arith.constant 0 : i32
        %dma_wait3A_53 = tpu.memref_slice %arg8[%add3A_41, %dma_wait3A_52] : memref<10240x128xf32, #tpu.memory_space<hbm>> -> memref<128x128xf32, #tpu.memory_space<hbm>>
        tpu.wait_dma2 semaphore(%run_scoped3A_46 : memref<!tpu.dma_semaphore, #tpu.memory_space<semaphore_mem>>) src(%arg13 : memref<128x128xf32, #tpu.memory_space<vmem>>) dst(%dma_wait3A_53 : memref<128x128xf32, #tpu.memory_space<hbm>>)
        tpu.yield
      }) : () -> ()
      %add3A_42 = arith.constant 512 : i32
      %add3A_43 = arith.addi %mul3A_0, %add3A_42 : i32
      "tpu.region"() ({
        %run_scoped3A_46 = tpu.sem_alloc : memref<!tpu.dma_semaphore, #tpu.memory_space<semaphore_mem>>
        %dma_start3A_47 = arith.constant 0 : i32
        %dma_start3A_48 = tpu.memref_slice %arg15[%add3A_43, %dma_start3A_47] : memref<10240x128xf32, #tpu.memory_space<vmem_shared>> -> memref<128x128xf32, #tpu.memory_space<vmem_shared>>
        %dma_start3A_49 = arith.constant 0 : i32
        %dma_start3A_50 = tpu.memref_slice %arg15[%add3A_43, %dma_start3A_49] : memref<10240x128xf32, #tpu.memory_space<vmem_shared>> -> memref<128x128xf32, #tpu.memory_space<vmem_shared>>
        tpu.enqueue_dma source(%dma_start3A_50 : memref<128x128xf32, #tpu.memory_space<vmem_shared>>) target(%arg13 : memref<128x128xf32, #tpu.memory_space<vmem>>) target_semaphore(%run_scoped3A_46 : memref<!tpu.dma_semaphore, #tpu.memory_space<semaphore_mem>>)
        %dma_wait3A = arith.constant 0 : i32
        %dma_wait3A_51 = tpu.memref_slice %arg15[%add3A_43, %dma_wait3A] : memref<10240x128xf32, #tpu.memory_space<vmem_shared>> -> memref<128x128xf32, #tpu.memory_space<vmem_shared>>
        %dma_wait3A_52 = arith.constant 0 : i32
        %dma_wait3A_53 = tpu.memref_slice %arg15[%add3A_43, %dma_wait3A_52] : memref<10240x128xf32, #tpu.memory_space<vmem_shared>> -> memref<128x128xf32, #tpu.memory_space<vmem_shared>>
        tpu.wait_dma2 semaphore(%run_scoped3A_46 : memref<!tpu.dma_semaphore, #tpu.memory_space<semaphore_mem>>) src(%dma_wait3A_53 : memref<128x128xf32, #tpu.memory_space<vmem_shared>>) dst(%arg13 : memref<128x128xf32, #tpu.memory_space<vmem>>)
        tpu.yield
      }) : () -> ()
      %add3A_44 = arith.constant 512 : i32
      %add3A_45 = arith.addi %mul3A_0, %add3A_44 : i32
      "tpu.region"() ({
        %run_scoped3A_46 = tpu.sem_alloc : memref<!tpu.dma_semaphore, #tpu.memory_space<semaphore_mem>>
        %dma_start3A_47 = arith.constant 0 : i32
        %dma_start3A_48 = tpu.memref_slice %arg8[%add3A_45, %dma_start3A_47] : memref<10240x128xf32, #tpu.memory_space<hbm>> -> memref<128x128xf32, #tpu.memory_space<hbm>>
        %dma_start3A_49 = arith.constant 0 : i32
        %dma_start3A_50 = tpu.memref_slice %arg8[%add3A_45, %dma_start3A_49] : memref<10240x128xf32, #tpu.memory_space<hbm>> -> memref<128x128xf32, #tpu.memory_space<hbm>>
        tpu.enqueue_dma source(%arg13 : memref<128x128xf32, #tpu.memory_space<vmem>>) target(%dma_start3A_50 : memref<128x128xf32, #tpu.memory_space<hbm>>) target_semaphore(%run_scoped3A_46 : memref<!tpu.dma_semaphore, #tpu.memory_space<semaphore_mem>>)
        %dma_wait3A = arith.constant 0 : i32
        %dma_wait3A_51 = tpu.memref_slice %arg8[%add3A_45, %dma_wait3A] : memref<10240x128xf32, #tpu.memory_space<hbm>> -> memref<128x128xf32, #tpu.memory_space<hbm>>
        %dma_wait3A_52 = arith.constant 0 : i32
        %dma_wait3A_53 = tpu.memref_slice %arg8[%add3A_45, %dma_wait3A_52] : memref<10240x128xf32, #tpu.memory_space<hbm>> -> memref<128x128xf32, #tpu.memory_space<hbm>>
        tpu.wait_dma2 semaphore(%run_scoped3A_46 : memref<!tpu.dma_semaphore, #tpu.memory_space<semaphore_mem>>) src(%arg13 : memref<128x128xf32, #tpu.memory_space<vmem>>) dst(%dma_wait3A_53 : memref<128x128xf32, #tpu.memory_space<hbm>>)
        tpu.yield
      }) : () -> ()
    } else {
    }
    return
  }
}

#map = affine_map<(d0, d1) -> (0, 0)>
#map1 = affine_map<(d0, d1) -> (0, 0, 0)>
module attributes {stable_mosaic.version = 14 : i64} {
  func.func @_sc_agg(%arg0: i32, %arg1: i32, %arg2: memref<10240x128xf32, #tpu.memory_space<hbm>>, %arg3: memref<10240x128xf32, #tpu.memory_space<hbm>>, %arg4: memref<16x80x128xi32, #tpu.memory_space<hbm>>, %arg5: memref<16x80x128xi32, #tpu.memory_space<hbm>>, %arg6: memref<128x128xf32, #tpu.memory_space<hbm>>, %arg7: memref<10240x128xf32, #tpu.memory_space<hbm>>, %arg8: memref<10240x128xf32, #tpu.memory_space<hbm>>, %arg9: memref<128xi32, #tpu.memory_space<vmem>>, %arg10: memref<128xi32, #tpu.memory_space<vmem>>, %arg11: memref<128xi32, #tpu.memory_space<vmem>>, %arg12: memref<128xi32, #tpu.memory_space<vmem>>, %arg13: memref<128x128xf32, #tpu.memory_space<vmem>>, %arg14: memref<128x128xf32, #tpu.memory_space<vmem>>, %arg15: memref<10240x128xf32, #tpu.memory_space<vmem_shared>>, %arg16: memref<!tpu.dma_semaphore, #tpu.memory_space<semaphore_mem>>, %arg17: memref<!tpu.dma_semaphore, #tpu.memory_space<semaphore_mem>>, %arg18: memref<!tpu.dma_semaphore, #tpu.memory_space<semaphore_mem>>, %arg19: memref<!tpu.dma_semaphore, #tpu.memory_space<semaphore_mem>>, %arg20: memref<!tpu.dma_semaphore, #tpu.memory_space<semaphore_mem>>, %arg21: memref<!tpu.dma_semaphore, #tpu.memory_space<semaphore_mem>>) attributes {dimension_semantics = [#tpu.dimension_semantics<core_parallel>, #tpu.dimension_semantics<subcore_parallel>], iteration_bounds = array<i64: 2, 16>, scalar_prefetch = 0 : i64, scratch_operands = 13 : i64, tpu.core_type = #tpu.core_type<sc_vector_subcore>, window_params = [{transform_indices = #map}, {transform_indices = #map}, {transform_indices = #map1}, {transform_indices = #map1}, {transform_indices = #map}, {transform_indices = #map}, {transform_indices = #map}]} {
    %mul3A = arith.constant 640 : i32
    %mul3A_0 = arith.muli %arg1, %mul3A : i32
    "tpu.region"() ({
      %run_scoped3A = tpu.sem_alloc : memref<!tpu.dma_semaphore, #tpu.memory_space<semaphore_mem>>
      tpu.enqueue_dma source(%arg6 : memref<128x128xf32, #tpu.memory_space<hbm>>) target(%arg13 : memref<128x128xf32, #tpu.memory_space<vmem>>) target_semaphore(%run_scoped3A : memref<!tpu.dma_semaphore, #tpu.memory_space<semaphore_mem>>)
      tpu.wait_dma2 semaphore(%run_scoped3A : memref<!tpu.dma_semaphore, #tpu.memory_space<semaphore_mem>>) src(%arg6 : memref<128x128xf32, #tpu.memory_space<hbm>>) dst(%arg13 : memref<128x128xf32, #tpu.memory_space<vmem>>)
      tpu.yield
    }) : () -> ()
    %add3A = arith.constant 0 : i32
    %add3A_1 = arith.addi %mul3A_0, %add3A : i32
    "tpu.region"() ({
      %run_scoped3A = tpu.sem_alloc : memref<!tpu.dma_semaphore, #tpu.memory_space<semaphore_mem>>
      %dma_start3A = arith.constant 0 : i32
      %dma_start3A_17 = tpu.memref_slice %arg15[%add3A_1, %dma_start3A] : memref<10240x128xf32, #tpu.memory_space<vmem_shared>> -> memref<128x128xf32, #tpu.memory_space<vmem_shared>>
      %dma_start3A_18 = arith.constant 0 : i32
      %dma_start3A_19 = tpu.memref_slice %arg15[%add3A_1, %dma_start3A_18] : memref<10240x128xf32, #tpu.memory_space<vmem_shared>> -> memref<128x128xf32, #tpu.memory_space<vmem_shared>>
      tpu.enqueue_dma source(%arg13 : memref<128x128xf32, #tpu.memory_space<vmem>>) target(%dma_start3A_19 : memref<128x128xf32, #tpu.memory_space<vmem_shared>>) target_semaphore(%run_scoped3A : memref<!tpu.dma_semaphore, #tpu.memory_space<semaphore_mem>>)
      %dma_wait3A = arith.constant 0 : i32
      %dma_wait3A_20 = tpu.memref_slice %arg15[%add3A_1, %dma_wait3A] : memref<10240x128xf32, #tpu.memory_space<vmem_shared>> -> memref<128x128xf32, #tpu.memory_space<vmem_shared>>
      %dma_wait3A_21 = arith.constant 0 : i32
      %dma_wait3A_22 = tpu.memref_slice %arg15[%add3A_1, %dma_wait3A_21] : memref<10240x128xf32, #tpu.memory_space<vmem_shared>> -> memref<128x128xf32, #tpu.memory_space<vmem_shared>>
      tpu.wait_dma2 semaphore(%run_scoped3A : memref<!tpu.dma_semaphore, #tpu.memory_space<semaphore_mem>>) src(%arg13 : memref<128x128xf32, #tpu.memory_space<vmem>>) dst(%dma_wait3A_22 : memref<128x128xf32, #tpu.memory_space<vmem_shared>>)
      tpu.yield
    }) : () -> ()
    %add3A_2 = arith.constant 128 : i32
    %add3A_3 = arith.addi %mul3A_0, %add3A_2 : i32
    "tpu.region"() ({
      %run_scoped3A = tpu.sem_alloc : memref<!tpu.dma_semaphore, #tpu.memory_space<semaphore_mem>>
      %dma_start3A = arith.constant 0 : i32
      %dma_start3A_17 = tpu.memref_slice %arg15[%add3A_3, %dma_start3A] : memref<10240x128xf32, #tpu.memory_space<vmem_shared>> -> memref<128x128xf32, #tpu.memory_space<vmem_shared>>
      %dma_start3A_18 = arith.constant 0 : i32
      %dma_start3A_19 = tpu.memref_slice %arg15[%add3A_3, %dma_start3A_18] : memref<10240x128xf32, #tpu.memory_space<vmem_shared>> -> memref<128x128xf32, #tpu.memory_space<vmem_shared>>
      tpu.enqueue_dma source(%arg13 : memref<128x128xf32, #tpu.memory_space<vmem>>) target(%dma_start3A_19 : memref<128x128xf32, #tpu.memory_space<vmem_shared>>) target_semaphore(%run_scoped3A : memref<!tpu.dma_semaphore, #tpu.memory_space<semaphore_mem>>)
      %dma_wait3A = arith.constant 0 : i32
      %dma_wait3A_20 = tpu.memref_slice %arg15[%add3A_3, %dma_wait3A] : memref<10240x128xf32, #tpu.memory_space<vmem_shared>> -> memref<128x128xf32, #tpu.memory_space<vmem_shared>>
      %dma_wait3A_21 = arith.constant 0 : i32
      %dma_wait3A_22 = tpu.memref_slice %arg15[%add3A_3, %dma_wait3A_21] : memref<10240x128xf32, #tpu.memory_space<vmem_shared>> -> memref<128x128xf32, #tpu.memory_space<vmem_shared>>
      tpu.wait_dma2 semaphore(%run_scoped3A : memref<!tpu.dma_semaphore, #tpu.memory_space<semaphore_mem>>) src(%arg13 : memref<128x128xf32, #tpu.memory_space<vmem>>) dst(%dma_wait3A_22 : memref<128x128xf32, #tpu.memory_space<vmem_shared>>)
      tpu.yield
    }) : () -> ()
    %add3A_4 = arith.constant 256 : i32
    %add3A_5 = arith.addi %mul3A_0, %add3A_4 : i32
    "tpu.region"() ({
      %run_scoped3A = tpu.sem_alloc : memref<!tpu.dma_semaphore, #tpu.memory_space<semaphore_mem>>
      %dma_start3A = arith.constant 0 : i32
      %dma_start3A_17 = tpu.memref_slice %arg15[%add3A_5, %dma_start3A] : memref<10240x128xf32, #tpu.memory_space<vmem_shared>> -> memref<128x128xf32, #tpu.memory_space<vmem_shared>>
      %dma_start3A_18 = arith.constant 0 : i32
      %dma_start3A_19 = tpu.memref_slice %arg15[%add3A_5, %dma_start3A_18] : memref<10240x128xf32, #tpu.memory_space<vmem_shared>> -> memref<128x128xf32, #tpu.memory_space<vmem_shared>>
      tpu.enqueue_dma source(%arg13 : memref<128x128xf32, #tpu.memory_space<vmem>>) target(%dma_start3A_19 : memref<128x128xf32, #tpu.memory_space<vmem_shared>>) target_semaphore(%run_scoped3A : memref<!tpu.dma_semaphore, #tpu.memory_space<semaphore_mem>>)
      %dma_wait3A = arith.constant 0 : i32
      %dma_wait3A_20 = tpu.memref_slice %arg15[%add3A_5, %dma_wait3A] : memref<10240x128xf32, #tpu.memory_space<vmem_shared>> -> memref<128x128xf32, #tpu.memory_space<vmem_shared>>
      %dma_wait3A_21 = arith.constant 0 : i32
      %dma_wait3A_22 = tpu.memref_slice %arg15[%add3A_5, %dma_wait3A_21] : memref<10240x128xf32, #tpu.memory_space<vmem_shared>> -> memref<128x128xf32, #tpu.memory_space<vmem_shared>>
      tpu.wait_dma2 semaphore(%run_scoped3A : memref<!tpu.dma_semaphore, #tpu.memory_space<semaphore_mem>>) src(%arg13 : memref<128x128xf32, #tpu.memory_space<vmem>>) dst(%dma_wait3A_22 : memref<128x128xf32, #tpu.memory_space<vmem_shared>>)
      tpu.yield
    }) : () -> ()
    %add3A_6 = arith.constant 384 : i32
    %add3A_7 = arith.addi %mul3A_0, %add3A_6 : i32
    "tpu.region"() ({
      %run_scoped3A = tpu.sem_alloc : memref<!tpu.dma_semaphore, #tpu.memory_space<semaphore_mem>>
      %dma_start3A = arith.constant 0 : i32
      %dma_start3A_17 = tpu.memref_slice %arg15[%add3A_7, %dma_start3A] : memref<10240x128xf32, #tpu.memory_space<vmem_shared>> -> memref<128x128xf32, #tpu.memory_space<vmem_shared>>
      %dma_start3A_18 = arith.constant 0 : i32
      %dma_start3A_19 = tpu.memref_slice %arg15[%add3A_7, %dma_start3A_18] : memref<10240x128xf32, #tpu.memory_space<vmem_shared>> -> memref<128x128xf32, #tpu.memory_space<vmem_shared>>
      tpu.enqueue_dma source(%arg13 : memref<128x128xf32, #tpu.memory_space<vmem>>) target(%dma_start3A_19 : memref<128x128xf32, #tpu.memory_space<vmem_shared>>) target_semaphore(%run_scoped3A : memref<!tpu.dma_semaphore, #tpu.memory_space<semaphore_mem>>)
      %dma_wait3A = arith.constant 0 : i32
      %dma_wait3A_20 = tpu.memref_slice %arg15[%add3A_7, %dma_wait3A] : memref<10240x128xf32, #tpu.memory_space<vmem_shared>> -> memref<128x128xf32, #tpu.memory_space<vmem_shared>>
      %dma_wait3A_21 = arith.constant 0 : i32
      %dma_wait3A_22 = tpu.memref_slice %arg15[%add3A_7, %dma_wait3A_21] : memref<10240x128xf32, #tpu.memory_space<vmem_shared>> -> memref<128x128xf32, #tpu.memory_space<vmem_shared>>
      tpu.wait_dma2 semaphore(%run_scoped3A : memref<!tpu.dma_semaphore, #tpu.memory_space<semaphore_mem>>) src(%arg13 : memref<128x128xf32, #tpu.memory_space<vmem>>) dst(%dma_wait3A_22 : memref<128x128xf32, #tpu.memory_space<vmem_shared>>)
      tpu.yield
    }) : () -> ()
    %add3A_8 = arith.constant 512 : i32
    %add3A_9 = arith.addi %mul3A_0, %add3A_8 : i32
    "tpu.region"() ({
      %run_scoped3A = tpu.sem_alloc : memref<!tpu.dma_semaphore, #tpu.memory_space<semaphore_mem>>
      %dma_start3A = arith.constant 0 : i32
      %dma_start3A_17 = tpu.memref_slice %arg15[%add3A_9, %dma_start3A] : memref<10240x128xf32, #tpu.memory_space<vmem_shared>> -> memref<128x128xf32, #tpu.memory_space<vmem_shared>>
      %dma_start3A_18 = arith.constant 0 : i32
      %dma_start3A_19 = tpu.memref_slice %arg15[%add3A_9, %dma_start3A_18] : memref<10240x128xf32, #tpu.memory_space<vmem_shared>> -> memref<128x128xf32, #tpu.memory_space<vmem_shared>>
      tpu.enqueue_dma source(%arg13 : memref<128x128xf32, #tpu.memory_space<vmem>>) target(%dma_start3A_19 : memref<128x128xf32, #tpu.memory_space<vmem_shared>>) target_semaphore(%run_scoped3A : memref<!tpu.dma_semaphore, #tpu.memory_space<semaphore_mem>>)
      %dma_wait3A = arith.constant 0 : i32
      %dma_wait3A_20 = tpu.memref_slice %arg15[%add3A_9, %dma_wait3A] : memref<10240x128xf32, #tpu.memory_space<vmem_shared>> -> memref<128x128xf32, #tpu.memory_space<vmem_shared>>
      %dma_wait3A_21 = arith.constant 0 : i32
      %dma_wait3A_22 = tpu.memref_slice %arg15[%add3A_9, %dma_wait3A_21] : memref<10240x128xf32, #tpu.memory_space<vmem_shared>> -> memref<128x128xf32, #tpu.memory_space<vmem_shared>>
      tpu.wait_dma2 semaphore(%run_scoped3A : memref<!tpu.dma_semaphore, #tpu.memory_space<semaphore_mem>>) src(%arg13 : memref<128x128xf32, #tpu.memory_space<vmem>>) dst(%dma_wait3A_22 : memref<128x128xf32, #tpu.memory_space<vmem_shared>>)
      tpu.yield
    }) : () -> ()
    %barrier3A = arith.constant 0 : index
    tpu.barrier barrier_id(%barrier3A)
    %eq3A = arith.constant 0 : i32
    %eq3A_10 = arith.cmpi eq, %arg0, %eq3A : i32
    %convert_element_type3A = arith.extui %eq3A_10 : i1 to i32
    %cond3A = arith.constant 0 : i32
    %cond3A_11 = arith.cmpi ne, %convert_element_type3A, %cond3A : i32
    scf.if %cond3A_11 {
      %run_scoped3A = arith.constant 0 : i32
      "tpu.region"() ({
        %run_scoped3A_46 = tpu.sem_alloc : memref<!tpu.dma_semaphore, #tpu.memory_space<semaphore_mem>>
        %dma_start3A_47 = arith.constant 0 : i32
        %dma_start3A_48 = tpu.memref_slice %arg4[%arg1, %run_scoped3A, %dma_start3A_47] : memref<16x80x128xi32, #tpu.memory_space<hbm>> -> memref<1x1x128xi32, #tpu.memory_space<hbm>>
        %dma_start3A_49 = tpu.memref_squeeze %dma_start3A_48 : memref<1x1x128xi32, #tpu.memory_space<hbm>> -> memref<128xi32, #tpu.memory_space<hbm>>
        %dma_start3A_50 = arith.constant 0 : i32
        %dma_start3A_51 = tpu.memref_slice %arg4[%arg1, %run_scoped3A, %dma_start3A_50] : memref<16x80x128xi32, #tpu.memory_space<hbm>> -> memref<1x1x128xi32, #tpu.memory_space<hbm>>
        %dma_start3A_52 = tpu.memref_squeeze %dma_start3A_51 : memref<1x1x128xi32, #tpu.memory_space<hbm>> -> memref<128xi32, #tpu.memory_space<hbm>>
        tpu.enqueue_dma source(%dma_start3A_52 : memref<128xi32, #tpu.memory_space<hbm>>) target(%arg9 : memref<128xi32, #tpu.memory_space<vmem>>) target_semaphore(%run_scoped3A_46 : memref<!tpu.dma_semaphore, #tpu.memory_space<semaphore_mem>>)
        %dma_wait3A = arith.constant 0 : i32
        %dma_wait3A_53 = tpu.memref_slice %arg4[%arg1, %run_scoped3A, %dma_wait3A] : memref<16x80x128xi32, #tpu.memory_space<hbm>> -> memref<1x1x128xi32, #tpu.memory_space<hbm>>
        %dma_wait3A_54 = tpu.memref_squeeze %dma_wait3A_53 : memref<1x1x128xi32, #tpu.memory_space<hbm>> -> memref<128xi32, #tpu.memory_space<hbm>>
        %dma_wait3A_55 = arith.constant 0 : i32
        %dma_wait3A_56 = tpu.memref_slice %arg4[%arg1, %run_scoped3A, %dma_wait3A_55] : memref<16x80x128xi32, #tpu.memory_space<hbm>> -> memref<1x1x128xi32, #tpu.memory_space<hbm>>
        %dma_wait3A_57 = tpu.memref_squeeze %dma_wait3A_56 : memref<1x1x128xi32, #tpu.memory_space<hbm>> -> memref<128xi32, #tpu.memory_space<hbm>>
        tpu.wait_dma2 semaphore(%run_scoped3A_46 : memref<!tpu.dma_semaphore, #tpu.memory_space<semaphore_mem>>) src(%dma_wait3A_57 : memref<128xi32, #tpu.memory_space<hbm>>) dst(%arg9 : memref<128xi32, #tpu.memory_space<vmem>>)
        tpu.yield
      }) : () -> ()
      %run_scoped3A_17 = arith.constant 0 : i32
      "tpu.region"() ({
        %run_scoped3A_46 = tpu.sem_alloc : memref<!tpu.dma_semaphore, #tpu.memory_space<semaphore_mem>>
        %dma_start3A_47 = arith.constant 0 : i32
        %dma_start3A_48 = tpu.memref_slice %arg5[%arg1, %run_scoped3A_17, %dma_start3A_47] : memref<16x80x128xi32, #tpu.memory_space<hbm>> -> memref<1x1x128xi32, #tpu.memory_space<hbm>>
        %dma_start3A_49 = tpu.memref_squeeze %dma_start3A_48 : memref<1x1x128xi32, #tpu.memory_space<hbm>> -> memref<128xi32, #tpu.memory_space<hbm>>
        %dma_start3A_50 = arith.constant 0 : i32
        %dma_start3A_51 = tpu.memref_slice %arg5[%arg1, %run_scoped3A_17, %dma_start3A_50] : memref<16x80x128xi32, #tpu.memory_space<hbm>> -> memref<1x1x128xi32, #tpu.memory_space<hbm>>
        %dma_start3A_52 = tpu.memref_squeeze %dma_start3A_51 : memref<1x1x128xi32, #tpu.memory_space<hbm>> -> memref<128xi32, #tpu.memory_space<hbm>>
        tpu.enqueue_dma source(%dma_start3A_52 : memref<128xi32, #tpu.memory_space<hbm>>) target(%arg11 : memref<128xi32, #tpu.memory_space<vmem>>) target_semaphore(%run_scoped3A_46 : memref<!tpu.dma_semaphore, #tpu.memory_space<semaphore_mem>>)
        %dma_wait3A = arith.constant 0 : i32
        %dma_wait3A_53 = tpu.memref_slice %arg5[%arg1, %run_scoped3A_17, %dma_wait3A] : memref<16x80x128xi32, #tpu.memory_space<hbm>> -> memref<1x1x128xi32, #tpu.memory_space<hbm>>
        %dma_wait3A_54 = tpu.memref_squeeze %dma_wait3A_53 : memref<1x1x128xi32, #tpu.memory_space<hbm>> -> memref<128xi32, #tpu.memory_space<hbm>>
        %dma_wait3A_55 = arith.constant 0 : i32
        %dma_wait3A_56 = tpu.memref_slice %arg5[%arg1, %run_scoped3A_17, %dma_wait3A_55] : memref<16x80x128xi32, #tpu.memory_space<hbm>> -> memref<1x1x128xi32, #tpu.memory_space<hbm>>
        %dma_wait3A_57 = tpu.memref_squeeze %dma_wait3A_56 : memref<1x1x128xi32, #tpu.memory_space<hbm>> -> memref<128xi32, #tpu.memory_space<hbm>>
        tpu.wait_dma2 semaphore(%run_scoped3A_46 : memref<!tpu.dma_semaphore, #tpu.memory_space<semaphore_mem>>) src(%dma_wait3A_57 : memref<128xi32, #tpu.memory_space<hbm>>) dst(%arg11 : memref<128xi32, #tpu.memory_space<vmem>>)
        tpu.yield
      }) : () -> ()
      %dma_start3A = arith.constant 0 : i32
      %dma_start3A_18 = arith.constant 0 : i32
      %dma_start3A_19 = tpu.memref_slice %arg2[%dma_start3A, %dma_start3A_18] : memref<10240x128xf32, #tpu.memory_space<hbm>> -> memref<10240x128xf32, #tpu.memory_space<hbm>>
      tpu.enqueue_indirect_dma source(%dma_start3A_19 : memref<10240x128xf32, #tpu.memory_space<hbm>>) target(%arg13 : memref<128x128xf32, #tpu.memory_space<vmem>>) offsets(%arg9 : memref<128xi32, #tpu.memory_space<vmem>>) semaphore(%arg16 : memref<!tpu.dma_semaphore, #tpu.memory_space<semaphore_mem>>)
      %scan3A = arith.constant 0 : i32
      %scan3A_20 = arith.constant 0 : i32
      %scan3A_21 = arith.constant 40 : i32
      %scan3A_22 = arith.addi %scan3A_20, %scan3A_21 : i32
      %scan3A_23 = arith.constant 1 : i32
      scf.for %scan3A_46 = %scan3A_20 to %scan3A_22 step %scan3A_23  : i32 {
        %mul3A_47 = arith.constant 2 : i32
        %mul3A_48 = arith.muli %mul3A_47, %scan3A_46 : i32
        %add3A_49 = arith.constant 1 : i32
        %add3A_50 = arith.addi %mul3A_48, %add3A_49 : i32
        %dma_start3A_51 = arith.constant 0 : i32
        %dma_start3A_52 = tpu.memref_slice %arg4[%arg1, %add3A_50, %dma_start3A_51] : memref<16x80x128xi32, #tpu.memory_space<hbm>> -> memref<1x1x128xi32, #tpu.memory_space<hbm>>
        %dma_start3A_53 = tpu.memref_squeeze %dma_start3A_52 : memref<1x1x128xi32, #tpu.memory_space<hbm>> -> memref<128xi32, #tpu.memory_space<hbm>>
        %dma_start3A_54 = arith.constant 0 : i32
        %dma_start3A_55 = tpu.memref_slice %arg4[%arg1, %add3A_50, %dma_start3A_54] : memref<16x80x128xi32, #tpu.memory_space<hbm>> -> memref<1x1x128xi32, #tpu.memory_space<hbm>>
        %dma_start3A_56 = tpu.memref_squeeze %dma_start3A_55 : memref<1x1x128xi32, #tpu.memory_space<hbm>> -> memref<128xi32, #tpu.memory_space<hbm>>
        tpu.enqueue_dma source(%dma_start3A_56 : memref<128xi32, #tpu.memory_space<hbm>>) target(%arg10 : memref<128xi32, #tpu.memory_space<vmem>>) target_semaphore(%arg21 : memref<!tpu.dma_semaphore, #tpu.memory_space<semaphore_mem>>)
        %dma_start3A_57 = arith.constant 0 : i32
        %dma_start3A_58 = tpu.memref_slice %arg5[%arg1, %add3A_50, %dma_start3A_57] : memref<16x80x128xi32, #tpu.memory_space<hbm>> -> memref<1x1x128xi32, #tpu.memory_space<hbm>>
        %dma_start3A_59 = tpu.memref_squeeze %dma_start3A_58 : memref<1x1x128xi32, #tpu.memory_space<hbm>> -> memref<128xi32, #tpu.memory_space<hbm>>
        %dma_start3A_60 = arith.constant 0 : i32
        %dma_start3A_61 = tpu.memref_slice %arg5[%arg1, %add3A_50, %dma_start3A_60] : memref<16x80x128xi32, #tpu.memory_space<hbm>> -> memref<1x1x128xi32, #tpu.memory_space<hbm>>
        %dma_start3A_62 = tpu.memref_squeeze %dma_start3A_61 : memref<1x1x128xi32, #tpu.memory_space<hbm>> -> memref<128xi32, #tpu.memory_space<hbm>>
        tpu.enqueue_dma source(%dma_start3A_62 : memref<128xi32, #tpu.memory_space<hbm>>) target(%arg12 : memref<128xi32, #tpu.memory_space<vmem>>) target_semaphore(%arg21 : memref<!tpu.dma_semaphore, #tpu.memory_space<semaphore_mem>>)
        %dma_wait3A = arith.constant 0 : i32
        %dma_wait3A_63 = arith.constant 0 : i32
        %dma_wait3A_64 = tpu.memref_slice %arg2[%dma_wait3A, %dma_wait3A_63] : memref<10240x128xf32, #tpu.memory_space<hbm>> -> memref<10240x128xf32, #tpu.memory_space<hbm>>
        tpu.wait_indirect_dma semaphore(%arg16 : memref<!tpu.dma_semaphore, #tpu.memory_space<semaphore_mem>>) src(%dma_wait3A_64 : memref<10240x128xf32, #tpu.memory_space<hbm>>) dst(%arg13 : memref<128x128xf32, #tpu.memory_space<vmem>>)
        %add3A_65 = arith.constant 1 : i32
        %add3A_66 = arith.addi %mul3A_48, %add3A_65 : i32
        %dma_wait3A_67 = arith.constant 0 : i32
        %dma_wait3A_68 = tpu.memref_slice %arg4[%arg1, %add3A_66, %dma_wait3A_67] : memref<16x80x128xi32, #tpu.memory_space<hbm>> -> memref<1x1x128xi32, #tpu.memory_space<hbm>>
        %dma_wait3A_69 = tpu.memref_squeeze %dma_wait3A_68 : memref<1x1x128xi32, #tpu.memory_space<hbm>> -> memref<128xi32, #tpu.memory_space<hbm>>
        %dma_wait3A_70 = arith.constant 0 : i32
        %dma_wait3A_71 = tpu.memref_slice %arg4[%arg1, %add3A_66, %dma_wait3A_70] : memref<16x80x128xi32, #tpu.memory_space<hbm>> -> memref<1x1x128xi32, #tpu.memory_space<hbm>>
        %dma_wait3A_72 = tpu.memref_squeeze %dma_wait3A_71 : memref<1x1x128xi32, #tpu.memory_space<hbm>> -> memref<128xi32, #tpu.memory_space<hbm>>
        tpu.wait_dma2 semaphore(%arg21 : memref<!tpu.dma_semaphore, #tpu.memory_space<semaphore_mem>>) src(%dma_wait3A_72 : memref<128xi32, #tpu.memory_space<hbm>>) dst(%arg10 : memref<128xi32, #tpu.memory_space<vmem>>)
        %dma_wait3A_73 = arith.constant 0 : i32
        %dma_wait3A_74 = tpu.memref_slice %arg5[%arg1, %add3A_66, %dma_wait3A_73] : memref<16x80x128xi32, #tpu.memory_space<hbm>> -> memref<1x1x128xi32, #tpu.memory_space<hbm>>
        %dma_wait3A_75 = tpu.memref_squeeze %dma_wait3A_74 : memref<1x1x128xi32, #tpu.memory_space<hbm>> -> memref<128xi32, #tpu.memory_space<hbm>>
        %dma_wait3A_76 = arith.constant 0 : i32
        %dma_wait3A_77 = tpu.memref_slice %arg5[%arg1, %add3A_66, %dma_wait3A_76] : memref<16x80x128xi32, #tpu.memory_space<hbm>> -> memref<1x1x128xi32, #tpu.memory_space<hbm>>
        %dma_wait3A_78 = tpu.memref_squeeze %dma_wait3A_77 : memref<1x1x128xi32, #tpu.memory_space<hbm>> -> memref<128xi32, #tpu.memory_space<hbm>>
        tpu.wait_dma2 semaphore(%arg21 : memref<!tpu.dma_semaphore, #tpu.memory_space<semaphore_mem>>) src(%dma_wait3A_78 : memref<128xi32, #tpu.memory_space<hbm>>) dst(%arg12 : memref<128xi32, #tpu.memory_space<vmem>>)
        %dma_start3A_79 = arith.constant 0 : i32
        %dma_start3A_80 = arith.constant 0 : i32
        %dma_start3A_81 = tpu.memref_slice %arg2[%dma_start3A_79, %dma_start3A_80] : memref<10240x128xf32, #tpu.memory_space<hbm>> -> memref<10240x128xf32, #tpu.memory_space<hbm>>
        tpu.enqueue_indirect_dma source(%dma_start3A_81 : memref<10240x128xf32, #tpu.memory_space<hbm>>) target(%arg14 : memref<128x128xf32, #tpu.memory_space<vmem>>) offsets(%arg10 : memref<128xi32, #tpu.memory_space<vmem>>) semaphore(%arg17 : memref<!tpu.dma_semaphore, #tpu.memory_space<semaphore_mem>>)
        %dma_start3A_82 = arith.constant 0 : i32
        %dma_start3A_83 = arith.constant 0 : i32
        %dma_start3A_84 = tpu.memref_slice %arg15[%dma_start3A_82, %dma_start3A_83] : memref<10240x128xf32, #tpu.memory_space<vmem_shared>> -> memref<10240x128xf32, #tpu.memory_space<vmem_shared>>
        tpu.enqueue_indirect_dma source(%arg13 : memref<128x128xf32, #tpu.memory_space<vmem>>) target(%dma_start3A_84 : memref<10240x128xf32, #tpu.memory_space<vmem_shared>>) offsets(%arg11 : memref<128xi32, #tpu.memory_space<vmem>>) semaphore(%arg18 : memref<!tpu.dma_semaphore, #tpu.memory_space<semaphore_mem>>) {add = true}
        %dma_wait3A_85 = arith.constant 0 : i32
        %dma_wait3A_86 = arith.constant 0 : i32
        %dma_wait3A_87 = tpu.memref_slice %arg2[%dma_wait3A_85, %dma_wait3A_86] : memref<10240x128xf32, #tpu.memory_space<hbm>> -> memref<10240x128xf32, #tpu.memory_space<hbm>>
        tpu.wait_indirect_dma semaphore(%arg17 : memref<!tpu.dma_semaphore, #tpu.memory_space<semaphore_mem>>) src(%dma_wait3A_87 : memref<10240x128xf32, #tpu.memory_space<hbm>>) dst(%arg14 : memref<128x128xf32, #tpu.memory_space<vmem>>)
        %dma_start3A_88 = arith.constant 0 : i32
        %dma_start3A_89 = arith.constant 0 : i32
        %dma_start3A_90 = tpu.memref_slice %arg15[%dma_start3A_88, %dma_start3A_89] : memref<10240x128xf32, #tpu.memory_space<vmem_shared>> -> memref<10240x128xf32, #tpu.memory_space<vmem_shared>>
        tpu.enqueue_indirect_dma source(%arg14 : memref<128x128xf32, #tpu.memory_space<vmem>>) target(%dma_start3A_90 : memref<10240x128xf32, #tpu.memory_space<vmem_shared>>) offsets(%arg12 : memref<128xi32, #tpu.memory_space<vmem>>) semaphore(%arg19 : memref<!tpu.dma_semaphore, #tpu.memory_space<semaphore_mem>>) {add = true}
        %dma_wait3A_91 = arith.constant 0 : i32
        %dma_wait3A_92 = arith.constant 0 : i32
        %dma_wait3A_93 = tpu.memref_slice %arg15[%dma_wait3A_91, %dma_wait3A_92] : memref<10240x128xf32, #tpu.memory_space<vmem_shared>> -> memref<10240x128xf32, #tpu.memory_space<vmem_shared>>
        tpu.wait_indirect_dma semaphore(%arg18 : memref<!tpu.dma_semaphore, #tpu.memory_space<semaphore_mem>>) src(%arg13 : memref<128x128xf32, #tpu.memory_space<vmem>>) dst(%dma_wait3A_93 : memref<10240x128xf32, #tpu.memory_space<vmem_shared>>)
        %lt3A = arith.constant 39 : i32
        %lt3A_94 = arith.cmpi slt, %scan3A_46, %lt3A : i32
        %convert_element_type3A_95 = arith.extui %lt3A_94 : i1 to i32
        %cond3A_96 = arith.constant 0 : i32
        %cond3A_97 = arith.cmpi ne, %convert_element_type3A_95, %cond3A_96 : i32
        scf.if %cond3A_97 {
          %add3A_101 = arith.constant 2 : i32
          %add3A_102 = arith.addi %mul3A_48, %add3A_101 : i32
          %dma_start3A_103 = arith.constant 0 : i32
          %dma_start3A_104 = tpu.memref_slice %arg4[%arg1, %add3A_102, %dma_start3A_103] : memref<16x80x128xi32, #tpu.memory_space<hbm>> -> memref<1x1x128xi32, #tpu.memory_space<hbm>>
          %dma_start3A_105 = tpu.memref_squeeze %dma_start3A_104 : memref<1x1x128xi32, #tpu.memory_space<hbm>> -> memref<128xi32, #tpu.memory_space<hbm>>
          %dma_start3A_106 = arith.constant 0 : i32
          %dma_start3A_107 = tpu.memref_slice %arg4[%arg1, %add3A_102, %dma_start3A_106] : memref<16x80x128xi32, #tpu.memory_space<hbm>> -> memref<1x1x128xi32, #tpu.memory_space<hbm>>
          %dma_start3A_108 = tpu.memref_squeeze %dma_start3A_107 : memref<1x1x128xi32, #tpu.memory_space<hbm>> -> memref<128xi32, #tpu.memory_space<hbm>>
          tpu.enqueue_dma source(%dma_start3A_108 : memref<128xi32, #tpu.memory_space<hbm>>) target(%arg9 : memref<128xi32, #tpu.memory_space<vmem>>) target_semaphore(%arg20 : memref<!tpu.dma_semaphore, #tpu.memory_space<semaphore_mem>>)
          %dma_start3A_109 = arith.constant 0 : i32
          %dma_start3A_110 = tpu.memref_slice %arg5[%arg1, %add3A_102, %dma_start3A_109] : memref<16x80x128xi32, #tpu.memory_space<hbm>> -> memref<1x1x128xi32, #tpu.memory_space<hbm>>
          %dma_start3A_111 = tpu.memref_squeeze %dma_start3A_110 : memref<1x1x128xi32, #tpu.memory_space<hbm>> -> memref<128xi32, #tpu.memory_space<hbm>>
          %dma_start3A_112 = arith.constant 0 : i32
          %dma_start3A_113 = tpu.memref_slice %arg5[%arg1, %add3A_102, %dma_start3A_112] : memref<16x80x128xi32, #tpu.memory_space<hbm>> -> memref<1x1x128xi32, #tpu.memory_space<hbm>>
          %dma_start3A_114 = tpu.memref_squeeze %dma_start3A_113 : memref<1x1x128xi32, #tpu.memory_space<hbm>> -> memref<128xi32, #tpu.memory_space<hbm>>
          tpu.enqueue_dma source(%dma_start3A_114 : memref<128xi32, #tpu.memory_space<hbm>>) target(%arg11 : memref<128xi32, #tpu.memory_space<vmem>>) target_semaphore(%arg20 : memref<!tpu.dma_semaphore, #tpu.memory_space<semaphore_mem>>)
          %add3A_115 = arith.constant 2 : i32
          %add3A_116 = arith.addi %mul3A_48, %add3A_115 : i32
          %dma_wait3A_117 = arith.constant 0 : i32
          %dma_wait3A_118 = tpu.memref_slice %arg4[%arg1, %add3A_116, %dma_wait3A_117] : memref<16x80x128xi32, #tpu.memory_space<hbm>> -> memref<1x1x128xi32, #tpu.memory_space<hbm>>
          %dma_wait3A_119 = tpu.memref_squeeze %dma_wait3A_118 : memref<1x1x128xi32, #tpu.memory_space<hbm>> -> memref<128xi32, #tpu.memory_space<hbm>>
          %dma_wait3A_120 = arith.constant 0 : i32
          %dma_wait3A_121 = tpu.memref_slice %arg4[%arg1, %add3A_116, %dma_wait3A_120] : memref<16x80x128xi32, #tpu.memory_space<hbm>> -> memref<1x1x128xi32, #tpu.memory_space<hbm>>
          %dma_wait3A_122 = tpu.memref_squeeze %dma_wait3A_121 : memref<1x1x128xi32, #tpu.memory_space<hbm>> -> memref<128xi32, #tpu.memory_space<hbm>>
          tpu.wait_dma2 semaphore(%arg20 : memref<!tpu.dma_semaphore, #tpu.memory_space<semaphore_mem>>) src(%dma_wait3A_122 : memref<128xi32, #tpu.memory_space<hbm>>) dst(%arg9 : memref<128xi32, #tpu.memory_space<vmem>>)
          %dma_wait3A_123 = arith.constant 0 : i32
          %dma_wait3A_124 = tpu.memref_slice %arg5[%arg1, %add3A_116, %dma_wait3A_123] : memref<16x80x128xi32, #tpu.memory_space<hbm>> -> memref<1x1x128xi32, #tpu.memory_space<hbm>>
          %dma_wait3A_125 = tpu.memref_squeeze %dma_wait3A_124 : memref<1x1x128xi32, #tpu.memory_space<hbm>> -> memref<128xi32, #tpu.memory_space<hbm>>
          %dma_wait3A_126 = arith.constant 0 : i32
          %dma_wait3A_127 = tpu.memref_slice %arg5[%arg1, %add3A_116, %dma_wait3A_126] : memref<16x80x128xi32, #tpu.memory_space<hbm>> -> memref<1x1x128xi32, #tpu.memory_space<hbm>>
          %dma_wait3A_128 = tpu.memref_squeeze %dma_wait3A_127 : memref<1x1x128xi32, #tpu.memory_space<hbm>> -> memref<128xi32, #tpu.memory_space<hbm>>
          tpu.wait_dma2 semaphore(%arg20 : memref<!tpu.dma_semaphore, #tpu.memory_space<semaphore_mem>>) src(%dma_wait3A_128 : memref<128xi32, #tpu.memory_space<hbm>>) dst(%arg11 : memref<128xi32, #tpu.memory_space<vmem>>)
          %dma_start3A_129 = arith.constant 0 : i32
          %dma_start3A_130 = arith.constant 0 : i32
          %dma_start3A_131 = tpu.memref_slice %arg2[%dma_start3A_129, %dma_start3A_130] : memref<10240x128xf32, #tpu.memory_space<hbm>> -> memref<10240x128xf32, #tpu.memory_space<hbm>>
          tpu.enqueue_indirect_dma source(%dma_start3A_131 : memref<10240x128xf32, #tpu.memory_space<hbm>>) target(%arg13 : memref<128x128xf32, #tpu.memory_space<vmem>>) offsets(%arg9 : memref<128xi32, #tpu.memory_space<vmem>>) semaphore(%arg16 : memref<!tpu.dma_semaphore, #tpu.memory_space<semaphore_mem>>)
        } else {
        }
        %dma_wait3A_98 = arith.constant 0 : i32
        %dma_wait3A_99 = arith.constant 0 : i32
        %dma_wait3A_100 = tpu.memref_slice %arg15[%dma_wait3A_98, %dma_wait3A_99] : memref<10240x128xf32, #tpu.memory_space<vmem_shared>> -> memref<10240x128xf32, #tpu.memory_space<vmem_shared>>
        tpu.wait_indirect_dma semaphore(%arg19 : memref<!tpu.dma_semaphore, #tpu.memory_space<semaphore_mem>>) src(%arg14 : memref<128x128xf32, #tpu.memory_space<vmem>>) dst(%dma_wait3A_100 : memref<10240x128xf32, #tpu.memory_space<vmem_shared>>)
      }
      %scan3A_24 = arith.constant 40 : i32
      %barrier3A_25 = arith.constant 0 : index
      tpu.barrier barrier_id(%barrier3A_25)
      %add3A_26 = arith.constant 0 : i32
      %add3A_27 = arith.addi %mul3A_0, %add3A_26 : i32
      "tpu.region"() ({
        %run_scoped3A_46 = tpu.sem_alloc : memref<!tpu.dma_semaphore, #tpu.memory_space<semaphore_mem>>
        %dma_start3A_47 = arith.constant 0 : i32
        %dma_start3A_48 = tpu.memref_slice %arg15[%add3A_27, %dma_start3A_47] : memref<10240x128xf32, #tpu.memory_space<vmem_shared>> -> memref<128x128xf32, #tpu.memory_space<vmem_shared>>
        %dma_start3A_49 = arith.constant 0 : i32
        %dma_start3A_50 = tpu.memref_slice %arg15[%add3A_27, %dma_start3A_49] : memref<10240x128xf32, #tpu.memory_space<vmem_shared>> -> memref<128x128xf32, #tpu.memory_space<vmem_shared>>
        tpu.enqueue_dma source(%dma_start3A_50 : memref<128x128xf32, #tpu.memory_space<vmem_shared>>) target(%arg13 : memref<128x128xf32, #tpu.memory_space<vmem>>) target_semaphore(%run_scoped3A_46 : memref<!tpu.dma_semaphore, #tpu.memory_space<semaphore_mem>>)
        %dma_wait3A = arith.constant 0 : i32
        %dma_wait3A_51 = tpu.memref_slice %arg15[%add3A_27, %dma_wait3A] : memref<10240x128xf32, #tpu.memory_space<vmem_shared>> -> memref<128x128xf32, #tpu.memory_space<vmem_shared>>
        %dma_wait3A_52 = arith.constant 0 : i32
        %dma_wait3A_53 = tpu.memref_slice %arg15[%add3A_27, %dma_wait3A_52] : memref<10240x128xf32, #tpu.memory_space<vmem_shared>> -> memref<128x128xf32, #tpu.memory_space<vmem_shared>>
        tpu.wait_dma2 semaphore(%run_scoped3A_46 : memref<!tpu.dma_semaphore, #tpu.memory_space<semaphore_mem>>) src(%dma_wait3A_53 : memref<128x128xf32, #tpu.memory_space<vmem_shared>>) dst(%arg13 : memref<128x128xf32, #tpu.memory_space<vmem>>)
        tpu.yield
      }) : () -> ()
      %add3A_28 = arith.constant 0 : i32
      %add3A_29 = arith.addi %mul3A_0, %add3A_28 : i32
      "tpu.region"() ({
        %run_scoped3A_46 = tpu.sem_alloc : memref<!tpu.dma_semaphore, #tpu.memory_space<semaphore_mem>>
        %dma_start3A_47 = arith.constant 0 : i32
        %dma_start3A_48 = tpu.memref_slice %arg7[%add3A_29, %dma_start3A_47] : memref<10240x128xf32, #tpu.memory_space<hbm>> -> memref<128x128xf32, #tpu.memory_space<hbm>>
        %dma_start3A_49 = arith.constant 0 : i32
        %dma_start3A_50 = tpu.memref_slice %arg7[%add3A_29, %dma_start3A_49] : memref<10240x128xf32, #tpu.memory_space<hbm>> -> memref<128x128xf32, #tpu.memory_space<hbm>>
        tpu.enqueue_dma source(%arg13 : memref<128x128xf32, #tpu.memory_space<vmem>>) target(%dma_start3A_50 : memref<128x128xf32, #tpu.memory_space<hbm>>) target_semaphore(%run_scoped3A_46 : memref<!tpu.dma_semaphore, #tpu.memory_space<semaphore_mem>>)
        %dma_wait3A = arith.constant 0 : i32
        %dma_wait3A_51 = tpu.memref_slice %arg7[%add3A_29, %dma_wait3A] : memref<10240x128xf32, #tpu.memory_space<hbm>> -> memref<128x128xf32, #tpu.memory_space<hbm>>
        %dma_wait3A_52 = arith.constant 0 : i32
        %dma_wait3A_53 = tpu.memref_slice %arg7[%add3A_29, %dma_wait3A_52] : memref<10240x128xf32, #tpu.memory_space<hbm>> -> memref<128x128xf32, #tpu.memory_space<hbm>>
        tpu.wait_dma2 semaphore(%run_scoped3A_46 : memref<!tpu.dma_semaphore, #tpu.memory_space<semaphore_mem>>) src(%arg13 : memref<128x128xf32, #tpu.memory_space<vmem>>) dst(%dma_wait3A_53 : memref<128x128xf32, #tpu.memory_space<hbm>>)
        tpu.yield
      }) : () -> ()
      %add3A_30 = arith.constant 128 : i32
      %add3A_31 = arith.addi %mul3A_0, %add3A_30 : i32
      "tpu.region"() ({
        %run_scoped3A_46 = tpu.sem_alloc : memref<!tpu.dma_semaphore, #tpu.memory_space<semaphore_mem>>
        %dma_start3A_47 = arith.constant 0 : i32
        %dma_start3A_48 = tpu.memref_slice %arg15[%add3A_31, %dma_start3A_47] : memref<10240x128xf32, #tpu.memory_space<vmem_shared>> -> memref<128x128xf32, #tpu.memory_space<vmem_shared>>
        %dma_start3A_49 = arith.constant 0 : i32
        %dma_start3A_50 = tpu.memref_slice %arg15[%add3A_31, %dma_start3A_49] : memref<10240x128xf32, #tpu.memory_space<vmem_shared>> -> memref<128x128xf32, #tpu.memory_space<vmem_shared>>
        tpu.enqueue_dma source(%dma_start3A_50 : memref<128x128xf32, #tpu.memory_space<vmem_shared>>) target(%arg13 : memref<128x128xf32, #tpu.memory_space<vmem>>) target_semaphore(%run_scoped3A_46 : memref<!tpu.dma_semaphore, #tpu.memory_space<semaphore_mem>>)
        %dma_wait3A = arith.constant 0 : i32
        %dma_wait3A_51 = tpu.memref_slice %arg15[%add3A_31, %dma_wait3A] : memref<10240x128xf32, #tpu.memory_space<vmem_shared>> -> memref<128x128xf32, #tpu.memory_space<vmem_shared>>
        %dma_wait3A_52 = arith.constant 0 : i32
        %dma_wait3A_53 = tpu.memref_slice %arg15[%add3A_31, %dma_wait3A_52] : memref<10240x128xf32, #tpu.memory_space<vmem_shared>> -> memref<128x128xf32, #tpu.memory_space<vmem_shared>>
        tpu.wait_dma2 semaphore(%run_scoped3A_46 : memref<!tpu.dma_semaphore, #tpu.memory_space<semaphore_mem>>) src(%dma_wait3A_53 : memref<128x128xf32, #tpu.memory_space<vmem_shared>>) dst(%arg13 : memref<128x128xf32, #tpu.memory_space<vmem>>)
        tpu.yield
      }) : () -> ()
      %add3A_32 = arith.constant 128 : i32
      %add3A_33 = arith.addi %mul3A_0, %add3A_32 : i32
      "tpu.region"() ({
        %run_scoped3A_46 = tpu.sem_alloc : memref<!tpu.dma_semaphore, #tpu.memory_space<semaphore_mem>>
        %dma_start3A_47 = arith.constant 0 : i32
        %dma_start3A_48 = tpu.memref_slice %arg7[%add3A_33, %dma_start3A_47] : memref<10240x128xf32, #tpu.memory_space<hbm>> -> memref<128x128xf32, #tpu.memory_space<hbm>>
        %dma_start3A_49 = arith.constant 0 : i32
        %dma_start3A_50 = tpu.memref_slice %arg7[%add3A_33, %dma_start3A_49] : memref<10240x128xf32, #tpu.memory_space<hbm>> -> memref<128x128xf32, #tpu.memory_space<hbm>>
        tpu.enqueue_dma source(%arg13 : memref<128x128xf32, #tpu.memory_space<vmem>>) target(%dma_start3A_50 : memref<128x128xf32, #tpu.memory_space<hbm>>) target_semaphore(%run_scoped3A_46 : memref<!tpu.dma_semaphore, #tpu.memory_space<semaphore_mem>>)
        %dma_wait3A = arith.constant 0 : i32
        %dma_wait3A_51 = tpu.memref_slice %arg7[%add3A_33, %dma_wait3A] : memref<10240x128xf32, #tpu.memory_space<hbm>> -> memref<128x128xf32, #tpu.memory_space<hbm>>
        %dma_wait3A_52 = arith.constant 0 : i32
        %dma_wait3A_53 = tpu.memref_slice %arg7[%add3A_33, %dma_wait3A_52] : memref<10240x128xf32, #tpu.memory_space<hbm>> -> memref<128x128xf32, #tpu.memory_space<hbm>>
        tpu.wait_dma2 semaphore(%run_scoped3A_46 : memref<!tpu.dma_semaphore, #tpu.memory_space<semaphore_mem>>) src(%arg13 : memref<128x128xf32, #tpu.memory_space<vmem>>) dst(%dma_wait3A_53 : memref<128x128xf32, #tpu.memory_space<hbm>>)
        tpu.yield
      }) : () -> ()
      %add3A_34 = arith.constant 256 : i32
      %add3A_35 = arith.addi %mul3A_0, %add3A_34 : i32
      "tpu.region"() ({
        %run_scoped3A_46 = tpu.sem_alloc : memref<!tpu.dma_semaphore, #tpu.memory_space<semaphore_mem>>
        %dma_start3A_47 = arith.constant 0 : i32
        %dma_start3A_48 = tpu.memref_slice %arg15[%add3A_35, %dma_start3A_47] : memref<10240x128xf32, #tpu.memory_space<vmem_shared>> -> memref<128x128xf32, #tpu.memory_space<vmem_shared>>
        %dma_start3A_49 = arith.constant 0 : i32
        %dma_start3A_50 = tpu.memref_slice %arg15[%add3A_35, %dma_start3A_49] : memref<10240x128xf32, #tpu.memory_space<vmem_shared>> -> memref<128x128xf32, #tpu.memory_space<vmem_shared>>
        tpu.enqueue_dma source(%dma_start3A_50 : memref<128x128xf32, #tpu.memory_space<vmem_shared>>) target(%arg13 : memref<128x128xf32, #tpu.memory_space<vmem>>) target_semaphore(%run_scoped3A_46 : memref<!tpu.dma_semaphore, #tpu.memory_space<semaphore_mem>>)
        %dma_wait3A = arith.constant 0 : i32
        %dma_wait3A_51 = tpu.memref_slice %arg15[%add3A_35, %dma_wait3A] : memref<10240x128xf32, #tpu.memory_space<vmem_shared>> -> memref<128x128xf32, #tpu.memory_space<vmem_shared>>
        %dma_wait3A_52 = arith.constant 0 : i32
        %dma_wait3A_53 = tpu.memref_slice %arg15[%add3A_35, %dma_wait3A_52] : memref<10240x128xf32, #tpu.memory_space<vmem_shared>> -> memref<128x128xf32, #tpu.memory_space<vmem_shared>>
        tpu.wait_dma2 semaphore(%run_scoped3A_46 : memref<!tpu.dma_semaphore, #tpu.memory_space<semaphore_mem>>) src(%dma_wait3A_53 : memref<128x128xf32, #tpu.memory_space<vmem_shared>>) dst(%arg13 : memref<128x128xf32, #tpu.memory_space<vmem>>)
        tpu.yield
      }) : () -> ()
      %add3A_36 = arith.constant 256 : i32
      %add3A_37 = arith.addi %mul3A_0, %add3A_36 : i32
      "tpu.region"() ({
        %run_scoped3A_46 = tpu.sem_alloc : memref<!tpu.dma_semaphore, #tpu.memory_space<semaphore_mem>>
        %dma_start3A_47 = arith.constant 0 : i32
        %dma_start3A_48 = tpu.memref_slice %arg7[%add3A_37, %dma_start3A_47] : memref<10240x128xf32, #tpu.memory_space<hbm>> -> memref<128x128xf32, #tpu.memory_space<hbm>>
        %dma_start3A_49 = arith.constant 0 : i32
        %dma_start3A_50 = tpu.memref_slice %arg7[%add3A_37, %dma_start3A_49] : memref<10240x128xf32, #tpu.memory_space<hbm>> -> memref<128x128xf32, #tpu.memory_space<hbm>>
        tpu.enqueue_dma source(%arg13 : memref<128x128xf32, #tpu.memory_space<vmem>>) target(%dma_start3A_50 : memref<128x128xf32, #tpu.memory_space<hbm>>) target_semaphore(%run_scoped3A_46 : memref<!tpu.dma_semaphore, #tpu.memory_space<semaphore_mem>>)
        %dma_wait3A = arith.constant 0 : i32
        %dma_wait3A_51 = tpu.memref_slice %arg7[%add3A_37, %dma_wait3A] : memref<10240x128xf32, #tpu.memory_space<hbm>> -> memref<128x128xf32, #tpu.memory_space<hbm>>
        %dma_wait3A_52 = arith.constant 0 : i32
        %dma_wait3A_53 = tpu.memref_slice %arg7[%add3A_37, %dma_wait3A_52] : memref<10240x128xf32, #tpu.memory_space<hbm>> -> memref<128x128xf32, #tpu.memory_space<hbm>>
        tpu.wait_dma2 semaphore(%run_scoped3A_46 : memref<!tpu.dma_semaphore, #tpu.memory_space<semaphore_mem>>) src(%arg13 : memref<128x128xf32, #tpu.memory_space<vmem>>) dst(%dma_wait3A_53 : memref<128x128xf32, #tpu.memory_space<hbm>>)
        tpu.yield
      }) : () -> ()
      %add3A_38 = arith.constant 384 : i32
      %add3A_39 = arith.addi %mul3A_0, %add3A_38 : i32
      "tpu.region"() ({
        %run_scoped3A_46 = tpu.sem_alloc : memref<!tpu.dma_semaphore, #tpu.memory_space<semaphore_mem>>
        %dma_start3A_47 = arith.constant 0 : i32
        %dma_start3A_48 = tpu.memref_slice %arg15[%add3A_39, %dma_start3A_47] : memref<10240x128xf32, #tpu.memory_space<vmem_shared>> -> memref<128x128xf32, #tpu.memory_space<vmem_shared>>
        %dma_start3A_49 = arith.constant 0 : i32
        %dma_start3A_50 = tpu.memref_slice %arg15[%add3A_39, %dma_start3A_49] : memref<10240x128xf32, #tpu.memory_space<vmem_shared>> -> memref<128x128xf32, #tpu.memory_space<vmem_shared>>
        tpu.enqueue_dma source(%dma_start3A_50 : memref<128x128xf32, #tpu.memory_space<vmem_shared>>) target(%arg13 : memref<128x128xf32, #tpu.memory_space<vmem>>) target_semaphore(%run_scoped3A_46 : memref<!tpu.dma_semaphore, #tpu.memory_space<semaphore_mem>>)
        %dma_wait3A = arith.constant 0 : i32
        %dma_wait3A_51 = tpu.memref_slice %arg15[%add3A_39, %dma_wait3A] : memref<10240x128xf32, #tpu.memory_space<vmem_shared>> -> memref<128x128xf32, #tpu.memory_space<vmem_shared>>
        %dma_wait3A_52 = arith.constant 0 : i32
        %dma_wait3A_53 = tpu.memref_slice %arg15[%add3A_39, %dma_wait3A_52] : memref<10240x128xf32, #tpu.memory_space<vmem_shared>> -> memref<128x128xf32, #tpu.memory_space<vmem_shared>>
        tpu.wait_dma2 semaphore(%run_scoped3A_46 : memref<!tpu.dma_semaphore, #tpu.memory_space<semaphore_mem>>) src(%dma_wait3A_53 : memref<128x128xf32, #tpu.memory_space<vmem_shared>>) dst(%arg13 : memref<128x128xf32, #tpu.memory_space<vmem>>)
        tpu.yield
      }) : () -> ()
      %add3A_40 = arith.constant 384 : i32
      %add3A_41 = arith.addi %mul3A_0, %add3A_40 : i32
      "tpu.region"() ({
        %run_scoped3A_46 = tpu.sem_alloc : memref<!tpu.dma_semaphore, #tpu.memory_space<semaphore_mem>>
        %dma_start3A_47 = arith.constant 0 : i32
        %dma_start3A_48 = tpu.memref_slice %arg7[%add3A_41, %dma_start3A_47] : memref<10240x128xf32, #tpu.memory_space<hbm>> -> memref<128x128xf32, #tpu.memory_space<hbm>>
        %dma_start3A_49 = arith.constant 0 : i32
        %dma_start3A_50 = tpu.memref_slice %arg7[%add3A_41, %dma_start3A_49] : memref<10240x128xf32, #tpu.memory_space<hbm>> -> memref<128x128xf32, #tpu.memory_space<hbm>>
        tpu.enqueue_dma source(%arg13 : memref<128x128xf32, #tpu.memory_space<vmem>>) target(%dma_start3A_50 : memref<128x128xf32, #tpu.memory_space<hbm>>) target_semaphore(%run_scoped3A_46 : memref<!tpu.dma_semaphore, #tpu.memory_space<semaphore_mem>>)
        %dma_wait3A = arith.constant 0 : i32
        %dma_wait3A_51 = tpu.memref_slice %arg7[%add3A_41, %dma_wait3A] : memref<10240x128xf32, #tpu.memory_space<hbm>> -> memref<128x128xf32, #tpu.memory_space<hbm>>
        %dma_wait3A_52 = arith.constant 0 : i32
        %dma_wait3A_53 = tpu.memref_slice %arg7[%add3A_41, %dma_wait3A_52] : memref<10240x128xf32, #tpu.memory_space<hbm>> -> memref<128x128xf32, #tpu.memory_space<hbm>>
        tpu.wait_dma2 semaphore(%run_scoped3A_46 : memref<!tpu.dma_semaphore, #tpu.memory_space<semaphore_mem>>) src(%arg13 : memref<128x128xf32, #tpu.memory_space<vmem>>) dst(%dma_wait3A_53 : memref<128x128xf32, #tpu.memory_space<hbm>>)
        tpu.yield
      }) : () -> ()
      %add3A_42 = arith.constant 512 : i32
      %add3A_43 = arith.addi %mul3A_0, %add3A_42 : i32
      "tpu.region"() ({
        %run_scoped3A_46 = tpu.sem_alloc : memref<!tpu.dma_semaphore, #tpu.memory_space<semaphore_mem>>
        %dma_start3A_47 = arith.constant 0 : i32
        %dma_start3A_48 = tpu.memref_slice %arg15[%add3A_43, %dma_start3A_47] : memref<10240x128xf32, #tpu.memory_space<vmem_shared>> -> memref<128x128xf32, #tpu.memory_space<vmem_shared>>
        %dma_start3A_49 = arith.constant 0 : i32
        %dma_start3A_50 = tpu.memref_slice %arg15[%add3A_43, %dma_start3A_49] : memref<10240x128xf32, #tpu.memory_space<vmem_shared>> -> memref<128x128xf32, #tpu.memory_space<vmem_shared>>
        tpu.enqueue_dma source(%dma_start3A_50 : memref<128x128xf32, #tpu.memory_space<vmem_shared>>) target(%arg13 : memref<128x128xf32, #tpu.memory_space<vmem>>) target_semaphore(%run_scoped3A_46 : memref<!tpu.dma_semaphore, #tpu.memory_space<semaphore_mem>>)
        %dma_wait3A = arith.constant 0 : i32
        %dma_wait3A_51 = tpu.memref_slice %arg15[%add3A_43, %dma_wait3A] : memref<10240x128xf32, #tpu.memory_space<vmem_shared>> -> memref<128x128xf32, #tpu.memory_space<vmem_shared>>
        %dma_wait3A_52 = arith.constant 0 : i32
        %dma_wait3A_53 = tpu.memref_slice %arg15[%add3A_43, %dma_wait3A_52] : memref<10240x128xf32, #tpu.memory_space<vmem_shared>> -> memref<128x128xf32, #tpu.memory_space<vmem_shared>>
        tpu.wait_dma2 semaphore(%run_scoped3A_46 : memref<!tpu.dma_semaphore, #tpu.memory_space<semaphore_mem>>) src(%dma_wait3A_53 : memref<128x128xf32, #tpu.memory_space<vmem_shared>>) dst(%arg13 : memref<128x128xf32, #tpu.memory_space<vmem>>)
        tpu.yield
      }) : () -> ()
      %add3A_44 = arith.constant 512 : i32
      %add3A_45 = arith.addi %mul3A_0, %add3A_44 : i32
      "tpu.region"() ({
        %run_scoped3A_46 = tpu.sem_alloc : memref<!tpu.dma_semaphore, #tpu.memory_space<semaphore_mem>>
        %dma_start3A_47 = arith.constant 0 : i32
        %dma_start3A_48 = tpu.memref_slice %arg7[%add3A_45, %dma_start3A_47] : memref<10240x128xf32, #tpu.memory_space<hbm>> -> memref<128x128xf32, #tpu.memory_space<hbm>>
        %dma_start3A_49 = arith.constant 0 : i32
        %dma_start3A_50 = tpu.memref_slice %arg7[%add3A_45, %dma_start3A_49] : memref<10240x128xf32, #tpu.memory_space<hbm>> -> memref<128x128xf32, #tpu.memory_space<hbm>>
        tpu.enqueue_dma source(%arg13 : memref<128x128xf32, #tpu.memory_space<vmem>>) target(%dma_start3A_50 : memref<128x128xf32, #tpu.memory_space<hbm>>) target_semaphore(%run_scoped3A_46 : memref<!tpu.dma_semaphore, #tpu.memory_space<semaphore_mem>>)
        %dma_wait3A = arith.constant 0 : i32
        %dma_wait3A_51 = tpu.memref_slice %arg7[%add3A_45, %dma_wait3A] : memref<10240x128xf32, #tpu.memory_space<hbm>> -> memref<128x128xf32, #tpu.memory_space<hbm>>
        %dma_wait3A_52 = arith.constant 0 : i32
        %dma_wait3A_53 = tpu.memref_slice %arg7[%add3A_45, %dma_wait3A_52] : memref<10240x128xf32, #tpu.memory_space<hbm>> -> memref<128x128xf32, #tpu.memory_space<hbm>>
        tpu.wait_dma2 semaphore(%run_scoped3A_46 : memref<!tpu.dma_semaphore, #tpu.memory_space<semaphore_mem>>) src(%arg13 : memref<128x128xf32, #tpu.memory_space<vmem>>) dst(%dma_wait3A_53 : memref<128x128xf32, #tpu.memory_space<hbm>>)
        tpu.yield
      }) : () -> ()
    } else {
    }
    %eq3A_12 = arith.constant 1 : i32
    %eq3A_13 = arith.cmpi eq, %arg0, %eq3A_12 : i32
    %convert_element_type3A_14 = arith.extui %eq3A_13 : i1 to i32
    %cond3A_15 = arith.constant 0 : i32
    %cond3A_16 = arith.cmpi ne, %convert_element_type3A_14, %cond3A_15 : i32
    scf.if %cond3A_16 {
      %run_scoped3A = arith.constant 0 : i32
      "tpu.region"() ({
        %run_scoped3A_46 = tpu.sem_alloc : memref<!tpu.dma_semaphore, #tpu.memory_space<semaphore_mem>>
        %dma_start3A_47 = arith.constant 0 : i32
        %dma_start3A_48 = tpu.memref_slice %arg4[%arg1, %run_scoped3A, %dma_start3A_47] : memref<16x80x128xi32, #tpu.memory_space<hbm>> -> memref<1x1x128xi32, #tpu.memory_space<hbm>>
        %dma_start3A_49 = tpu.memref_squeeze %dma_start3A_48 : memref<1x1x128xi32, #tpu.memory_space<hbm>> -> memref<128xi32, #tpu.memory_space<hbm>>
        %dma_start3A_50 = arith.constant 0 : i32
        %dma_start3A_51 = tpu.memref_slice %arg4[%arg1, %run_scoped3A, %dma_start3A_50] : memref<16x80x128xi32, #tpu.memory_space<hbm>> -> memref<1x1x128xi32, #tpu.memory_space<hbm>>
        %dma_start3A_52 = tpu.memref_squeeze %dma_start3A_51 : memref<1x1x128xi32, #tpu.memory_space<hbm>> -> memref<128xi32, #tpu.memory_space<hbm>>
        tpu.enqueue_dma source(%dma_start3A_52 : memref<128xi32, #tpu.memory_space<hbm>>) target(%arg9 : memref<128xi32, #tpu.memory_space<vmem>>) target_semaphore(%run_scoped3A_46 : memref<!tpu.dma_semaphore, #tpu.memory_space<semaphore_mem>>)
        %dma_wait3A = arith.constant 0 : i32
        %dma_wait3A_53 = tpu.memref_slice %arg4[%arg1, %run_scoped3A, %dma_wait3A] : memref<16x80x128xi32, #tpu.memory_space<hbm>> -> memref<1x1x128xi32, #tpu.memory_space<hbm>>
        %dma_wait3A_54 = tpu.memref_squeeze %dma_wait3A_53 : memref<1x1x128xi32, #tpu.memory_space<hbm>> -> memref<128xi32, #tpu.memory_space<hbm>>
        %dma_wait3A_55 = arith.constant 0 : i32
        %dma_wait3A_56 = tpu.memref_slice %arg4[%arg1, %run_scoped3A, %dma_wait3A_55] : memref<16x80x128xi32, #tpu.memory_space<hbm>> -> memref<1x1x128xi32, #tpu.memory_space<hbm>>
        %dma_wait3A_57 = tpu.memref_squeeze %dma_wait3A_56 : memref<1x1x128xi32, #tpu.memory_space<hbm>> -> memref<128xi32, #tpu.memory_space<hbm>>
        tpu.wait_dma2 semaphore(%run_scoped3A_46 : memref<!tpu.dma_semaphore, #tpu.memory_space<semaphore_mem>>) src(%dma_wait3A_57 : memref<128xi32, #tpu.memory_space<hbm>>) dst(%arg9 : memref<128xi32, #tpu.memory_space<vmem>>)
        tpu.yield
      }) : () -> ()
      %run_scoped3A_17 = arith.constant 0 : i32
      "tpu.region"() ({
        %run_scoped3A_46 = tpu.sem_alloc : memref<!tpu.dma_semaphore, #tpu.memory_space<semaphore_mem>>
        %dma_start3A_47 = arith.constant 0 : i32
        %dma_start3A_48 = tpu.memref_slice %arg5[%arg1, %run_scoped3A_17, %dma_start3A_47] : memref<16x80x128xi32, #tpu.memory_space<hbm>> -> memref<1x1x128xi32, #tpu.memory_space<hbm>>
        %dma_start3A_49 = tpu.memref_squeeze %dma_start3A_48 : memref<1x1x128xi32, #tpu.memory_space<hbm>> -> memref<128xi32, #tpu.memory_space<hbm>>
        %dma_start3A_50 = arith.constant 0 : i32
        %dma_start3A_51 = tpu.memref_slice %arg5[%arg1, %run_scoped3A_17, %dma_start3A_50] : memref<16x80x128xi32, #tpu.memory_space<hbm>> -> memref<1x1x128xi32, #tpu.memory_space<hbm>>
        %dma_start3A_52 = tpu.memref_squeeze %dma_start3A_51 : memref<1x1x128xi32, #tpu.memory_space<hbm>> -> memref<128xi32, #tpu.memory_space<hbm>>
        tpu.enqueue_dma source(%dma_start3A_52 : memref<128xi32, #tpu.memory_space<hbm>>) target(%arg11 : memref<128xi32, #tpu.memory_space<vmem>>) target_semaphore(%run_scoped3A_46 : memref<!tpu.dma_semaphore, #tpu.memory_space<semaphore_mem>>)
        %dma_wait3A = arith.constant 0 : i32
        %dma_wait3A_53 = tpu.memref_slice %arg5[%arg1, %run_scoped3A_17, %dma_wait3A] : memref<16x80x128xi32, #tpu.memory_space<hbm>> -> memref<1x1x128xi32, #tpu.memory_space<hbm>>
        %dma_wait3A_54 = tpu.memref_squeeze %dma_wait3A_53 : memref<1x1x128xi32, #tpu.memory_space<hbm>> -> memref<128xi32, #tpu.memory_space<hbm>>
        %dma_wait3A_55 = arith.constant 0 : i32
        %dma_wait3A_56 = tpu.memref_slice %arg5[%arg1, %run_scoped3A_17, %dma_wait3A_55] : memref<16x80x128xi32, #tpu.memory_space<hbm>> -> memref<1x1x128xi32, #tpu.memory_space<hbm>>
        %dma_wait3A_57 = tpu.memref_squeeze %dma_wait3A_56 : memref<1x1x128xi32, #tpu.memory_space<hbm>> -> memref<128xi32, #tpu.memory_space<hbm>>
        tpu.wait_dma2 semaphore(%run_scoped3A_46 : memref<!tpu.dma_semaphore, #tpu.memory_space<semaphore_mem>>) src(%dma_wait3A_57 : memref<128xi32, #tpu.memory_space<hbm>>) dst(%arg11 : memref<128xi32, #tpu.memory_space<vmem>>)
        tpu.yield
      }) : () -> ()
      %dma_start3A = arith.constant 0 : i32
      %dma_start3A_18 = arith.constant 0 : i32
      %dma_start3A_19 = tpu.memref_slice %arg3[%dma_start3A, %dma_start3A_18] : memref<10240x128xf32, #tpu.memory_space<hbm>> -> memref<10240x128xf32, #tpu.memory_space<hbm>>
      tpu.enqueue_indirect_dma source(%dma_start3A_19 : memref<10240x128xf32, #tpu.memory_space<hbm>>) target(%arg13 : memref<128x128xf32, #tpu.memory_space<vmem>>) offsets(%arg9 : memref<128xi32, #tpu.memory_space<vmem>>) semaphore(%arg16 : memref<!tpu.dma_semaphore, #tpu.memory_space<semaphore_mem>>)
      %scan3A = arith.constant 0 : i32
      %scan3A_20 = arith.constant 0 : i32
      %scan3A_21 = arith.constant 40 : i32
      %scan3A_22 = arith.addi %scan3A_20, %scan3A_21 : i32
      %scan3A_23 = arith.constant 1 : i32
      scf.for %scan3A_46 = %scan3A_20 to %scan3A_22 step %scan3A_23  : i32 {
        %mul3A_47 = arith.constant 2 : i32
        %mul3A_48 = arith.muli %mul3A_47, %scan3A_46 : i32
        %add3A_49 = arith.constant 1 : i32
        %add3A_50 = arith.addi %mul3A_48, %add3A_49 : i32
        %dma_start3A_51 = arith.constant 0 : i32
        %dma_start3A_52 = tpu.memref_slice %arg4[%arg1, %add3A_50, %dma_start3A_51] : memref<16x80x128xi32, #tpu.memory_space<hbm>> -> memref<1x1x128xi32, #tpu.memory_space<hbm>>
        %dma_start3A_53 = tpu.memref_squeeze %dma_start3A_52 : memref<1x1x128xi32, #tpu.memory_space<hbm>> -> memref<128xi32, #tpu.memory_space<hbm>>
        %dma_start3A_54 = arith.constant 0 : i32
        %dma_start3A_55 = tpu.memref_slice %arg4[%arg1, %add3A_50, %dma_start3A_54] : memref<16x80x128xi32, #tpu.memory_space<hbm>> -> memref<1x1x128xi32, #tpu.memory_space<hbm>>
        %dma_start3A_56 = tpu.memref_squeeze %dma_start3A_55 : memref<1x1x128xi32, #tpu.memory_space<hbm>> -> memref<128xi32, #tpu.memory_space<hbm>>
        tpu.enqueue_dma source(%dma_start3A_56 : memref<128xi32, #tpu.memory_space<hbm>>) target(%arg10 : memref<128xi32, #tpu.memory_space<vmem>>) target_semaphore(%arg21 : memref<!tpu.dma_semaphore, #tpu.memory_space<semaphore_mem>>)
        %dma_start3A_57 = arith.constant 0 : i32
        %dma_start3A_58 = tpu.memref_slice %arg5[%arg1, %add3A_50, %dma_start3A_57] : memref<16x80x128xi32, #tpu.memory_space<hbm>> -> memref<1x1x128xi32, #tpu.memory_space<hbm>>
        %dma_start3A_59 = tpu.memref_squeeze %dma_start3A_58 : memref<1x1x128xi32, #tpu.memory_space<hbm>> -> memref<128xi32, #tpu.memory_space<hbm>>
        %dma_start3A_60 = arith.constant 0 : i32
        %dma_start3A_61 = tpu.memref_slice %arg5[%arg1, %add3A_50, %dma_start3A_60] : memref<16x80x128xi32, #tpu.memory_space<hbm>> -> memref<1x1x128xi32, #tpu.memory_space<hbm>>
        %dma_start3A_62 = tpu.memref_squeeze %dma_start3A_61 : memref<1x1x128xi32, #tpu.memory_space<hbm>> -> memref<128xi32, #tpu.memory_space<hbm>>
        tpu.enqueue_dma source(%dma_start3A_62 : memref<128xi32, #tpu.memory_space<hbm>>) target(%arg12 : memref<128xi32, #tpu.memory_space<vmem>>) target_semaphore(%arg21 : memref<!tpu.dma_semaphore, #tpu.memory_space<semaphore_mem>>)
        %dma_wait3A = arith.constant 0 : i32
        %dma_wait3A_63 = arith.constant 0 : i32
        %dma_wait3A_64 = tpu.memref_slice %arg3[%dma_wait3A, %dma_wait3A_63] : memref<10240x128xf32, #tpu.memory_space<hbm>> -> memref<10240x128xf32, #tpu.memory_space<hbm>>
        tpu.wait_indirect_dma semaphore(%arg16 : memref<!tpu.dma_semaphore, #tpu.memory_space<semaphore_mem>>) src(%dma_wait3A_64 : memref<10240x128xf32, #tpu.memory_space<hbm>>) dst(%arg13 : memref<128x128xf32, #tpu.memory_space<vmem>>)
        %add3A_65 = arith.constant 1 : i32
        %add3A_66 = arith.addi %mul3A_48, %add3A_65 : i32
        %dma_wait3A_67 = arith.constant 0 : i32
        %dma_wait3A_68 = tpu.memref_slice %arg4[%arg1, %add3A_66, %dma_wait3A_67] : memref<16x80x128xi32, #tpu.memory_space<hbm>> -> memref<1x1x128xi32, #tpu.memory_space<hbm>>
        %dma_wait3A_69 = tpu.memref_squeeze %dma_wait3A_68 : memref<1x1x128xi32, #tpu.memory_space<hbm>> -> memref<128xi32, #tpu.memory_space<hbm>>
        %dma_wait3A_70 = arith.constant 0 : i32
        %dma_wait3A_71 = tpu.memref_slice %arg4[%arg1, %add3A_66, %dma_wait3A_70] : memref<16x80x128xi32, #tpu.memory_space<hbm>> -> memref<1x1x128xi32, #tpu.memory_space<hbm>>
        %dma_wait3A_72 = tpu.memref_squeeze %dma_wait3A_71 : memref<1x1x128xi32, #tpu.memory_space<hbm>> -> memref<128xi32, #tpu.memory_space<hbm>>
        tpu.wait_dma2 semaphore(%arg21 : memref<!tpu.dma_semaphore, #tpu.memory_space<semaphore_mem>>) src(%dma_wait3A_72 : memref<128xi32, #tpu.memory_space<hbm>>) dst(%arg10 : memref<128xi32, #tpu.memory_space<vmem>>)
        %dma_wait3A_73 = arith.constant 0 : i32
        %dma_wait3A_74 = tpu.memref_slice %arg5[%arg1, %add3A_66, %dma_wait3A_73] : memref<16x80x128xi32, #tpu.memory_space<hbm>> -> memref<1x1x128xi32, #tpu.memory_space<hbm>>
        %dma_wait3A_75 = tpu.memref_squeeze %dma_wait3A_74 : memref<1x1x128xi32, #tpu.memory_space<hbm>> -> memref<128xi32, #tpu.memory_space<hbm>>
        %dma_wait3A_76 = arith.constant 0 : i32
        %dma_wait3A_77 = tpu.memref_slice %arg5[%arg1, %add3A_66, %dma_wait3A_76] : memref<16x80x128xi32, #tpu.memory_space<hbm>> -> memref<1x1x128xi32, #tpu.memory_space<hbm>>
        %dma_wait3A_78 = tpu.memref_squeeze %dma_wait3A_77 : memref<1x1x128xi32, #tpu.memory_space<hbm>> -> memref<128xi32, #tpu.memory_space<hbm>>
        tpu.wait_dma2 semaphore(%arg21 : memref<!tpu.dma_semaphore, #tpu.memory_space<semaphore_mem>>) src(%dma_wait3A_78 : memref<128xi32, #tpu.memory_space<hbm>>) dst(%arg12 : memref<128xi32, #tpu.memory_space<vmem>>)
        %dma_start3A_79 = arith.constant 0 : i32
        %dma_start3A_80 = arith.constant 0 : i32
        %dma_start3A_81 = tpu.memref_slice %arg3[%dma_start3A_79, %dma_start3A_80] : memref<10240x128xf32, #tpu.memory_space<hbm>> -> memref<10240x128xf32, #tpu.memory_space<hbm>>
        tpu.enqueue_indirect_dma source(%dma_start3A_81 : memref<10240x128xf32, #tpu.memory_space<hbm>>) target(%arg14 : memref<128x128xf32, #tpu.memory_space<vmem>>) offsets(%arg10 : memref<128xi32, #tpu.memory_space<vmem>>) semaphore(%arg17 : memref<!tpu.dma_semaphore, #tpu.memory_space<semaphore_mem>>)
        %dma_start3A_82 = arith.constant 0 : i32
        %dma_start3A_83 = arith.constant 0 : i32
        %dma_start3A_84 = tpu.memref_slice %arg15[%dma_start3A_82, %dma_start3A_83] : memref<10240x128xf32, #tpu.memory_space<vmem_shared>> -> memref<10240x128xf32, #tpu.memory_space<vmem_shared>>
        tpu.enqueue_indirect_dma source(%arg13 : memref<128x128xf32, #tpu.memory_space<vmem>>) target(%dma_start3A_84 : memref<10240x128xf32, #tpu.memory_space<vmem_shared>>) offsets(%arg11 : memref<128xi32, #tpu.memory_space<vmem>>) semaphore(%arg18 : memref<!tpu.dma_semaphore, #tpu.memory_space<semaphore_mem>>) {add = true}
        %dma_wait3A_85 = arith.constant 0 : i32
        %dma_wait3A_86 = arith.constant 0 : i32
        %dma_wait3A_87 = tpu.memref_slice %arg3[%dma_wait3A_85, %dma_wait3A_86] : memref<10240x128xf32, #tpu.memory_space<hbm>> -> memref<10240x128xf32, #tpu.memory_space<hbm>>
        tpu.wait_indirect_dma semaphore(%arg17 : memref<!tpu.dma_semaphore, #tpu.memory_space<semaphore_mem>>) src(%dma_wait3A_87 : memref<10240x128xf32, #tpu.memory_space<hbm>>) dst(%arg14 : memref<128x128xf32, #tpu.memory_space<vmem>>)
        %dma_start3A_88 = arith.constant 0 : i32
        %dma_start3A_89 = arith.constant 0 : i32
        %dma_start3A_90 = tpu.memref_slice %arg15[%dma_start3A_88, %dma_start3A_89] : memref<10240x128xf32, #tpu.memory_space<vmem_shared>> -> memref<10240x128xf32, #tpu.memory_space<vmem_shared>>
        tpu.enqueue_indirect_dma source(%arg14 : memref<128x128xf32, #tpu.memory_space<vmem>>) target(%dma_start3A_90 : memref<10240x128xf32, #tpu.memory_space<vmem_shared>>) offsets(%arg12 : memref<128xi32, #tpu.memory_space<vmem>>) semaphore(%arg19 : memref<!tpu.dma_semaphore, #tpu.memory_space<semaphore_mem>>) {add = true}
        %dma_wait3A_91 = arith.constant 0 : i32
        %dma_wait3A_92 = arith.constant 0 : i32
        %dma_wait3A_93 = tpu.memref_slice %arg15[%dma_wait3A_91, %dma_wait3A_92] : memref<10240x128xf32, #tpu.memory_space<vmem_shared>> -> memref<10240x128xf32, #tpu.memory_space<vmem_shared>>
        tpu.wait_indirect_dma semaphore(%arg18 : memref<!tpu.dma_semaphore, #tpu.memory_space<semaphore_mem>>) src(%arg13 : memref<128x128xf32, #tpu.memory_space<vmem>>) dst(%dma_wait3A_93 : memref<10240x128xf32, #tpu.memory_space<vmem_shared>>)
        %lt3A = arith.constant 39 : i32
        %lt3A_94 = arith.cmpi slt, %scan3A_46, %lt3A : i32
        %convert_element_type3A_95 = arith.extui %lt3A_94 : i1 to i32
        %cond3A_96 = arith.constant 0 : i32
        %cond3A_97 = arith.cmpi ne, %convert_element_type3A_95, %cond3A_96 : i32
        scf.if %cond3A_97 {
          %add3A_101 = arith.constant 2 : i32
          %add3A_102 = arith.addi %mul3A_48, %add3A_101 : i32
          %dma_start3A_103 = arith.constant 0 : i32
          %dma_start3A_104 = tpu.memref_slice %arg4[%arg1, %add3A_102, %dma_start3A_103] : memref<16x80x128xi32, #tpu.memory_space<hbm>> -> memref<1x1x128xi32, #tpu.memory_space<hbm>>
          %dma_start3A_105 = tpu.memref_squeeze %dma_start3A_104 : memref<1x1x128xi32, #tpu.memory_space<hbm>> -> memref<128xi32, #tpu.memory_space<hbm>>
          %dma_start3A_106 = arith.constant 0 : i32
          %dma_start3A_107 = tpu.memref_slice %arg4[%arg1, %add3A_102, %dma_start3A_106] : memref<16x80x128xi32, #tpu.memory_space<hbm>> -> memref<1x1x128xi32, #tpu.memory_space<hbm>>
          %dma_start3A_108 = tpu.memref_squeeze %dma_start3A_107 : memref<1x1x128xi32, #tpu.memory_space<hbm>> -> memref<128xi32, #tpu.memory_space<hbm>>
          tpu.enqueue_dma source(%dma_start3A_108 : memref<128xi32, #tpu.memory_space<hbm>>) target(%arg9 : memref<128xi32, #tpu.memory_space<vmem>>) target_semaphore(%arg20 : memref<!tpu.dma_semaphore, #tpu.memory_space<semaphore_mem>>)
          %dma_start3A_109 = arith.constant 0 : i32
          %dma_start3A_110 = tpu.memref_slice %arg5[%arg1, %add3A_102, %dma_start3A_109] : memref<16x80x128xi32, #tpu.memory_space<hbm>> -> memref<1x1x128xi32, #tpu.memory_space<hbm>>
          %dma_start3A_111 = tpu.memref_squeeze %dma_start3A_110 : memref<1x1x128xi32, #tpu.memory_space<hbm>> -> memref<128xi32, #tpu.memory_space<hbm>>
          %dma_start3A_112 = arith.constant 0 : i32
          %dma_start3A_113 = tpu.memref_slice %arg5[%arg1, %add3A_102, %dma_start3A_112] : memref<16x80x128xi32, #tpu.memory_space<hbm>> -> memref<1x1x128xi32, #tpu.memory_space<hbm>>
          %dma_start3A_114 = tpu.memref_squeeze %dma_start3A_113 : memref<1x1x128xi32, #tpu.memory_space<hbm>> -> memref<128xi32, #tpu.memory_space<hbm>>
          tpu.enqueue_dma source(%dma_start3A_114 : memref<128xi32, #tpu.memory_space<hbm>>) target(%arg11 : memref<128xi32, #tpu.memory_space<vmem>>) target_semaphore(%arg20 : memref<!tpu.dma_semaphore, #tpu.memory_space<semaphore_mem>>)
          %add3A_115 = arith.constant 2 : i32
          %add3A_116 = arith.addi %mul3A_48, %add3A_115 : i32
          %dma_wait3A_117 = arith.constant 0 : i32
          %dma_wait3A_118 = tpu.memref_slice %arg4[%arg1, %add3A_116, %dma_wait3A_117] : memref<16x80x128xi32, #tpu.memory_space<hbm>> -> memref<1x1x128xi32, #tpu.memory_space<hbm>>
          %dma_wait3A_119 = tpu.memref_squeeze %dma_wait3A_118 : memref<1x1x128xi32, #tpu.memory_space<hbm>> -> memref<128xi32, #tpu.memory_space<hbm>>
          %dma_wait3A_120 = arith.constant 0 : i32
          %dma_wait3A_121 = tpu.memref_slice %arg4[%arg1, %add3A_116, %dma_wait3A_120] : memref<16x80x128xi32, #tpu.memory_space<hbm>> -> memref<1x1x128xi32, #tpu.memory_space<hbm>>
          %dma_wait3A_122 = tpu.memref_squeeze %dma_wait3A_121 : memref<1x1x128xi32, #tpu.memory_space<hbm>> -> memref<128xi32, #tpu.memory_space<hbm>>
          tpu.wait_dma2 semaphore(%arg20 : memref<!tpu.dma_semaphore, #tpu.memory_space<semaphore_mem>>) src(%dma_wait3A_122 : memref<128xi32, #tpu.memory_space<hbm>>) dst(%arg9 : memref<128xi32, #tpu.memory_space<vmem>>)
          %dma_wait3A_123 = arith.constant 0 : i32
          %dma_wait3A_124 = tpu.memref_slice %arg5[%arg1, %add3A_116, %dma_wait3A_123] : memref<16x80x128xi32, #tpu.memory_space<hbm>> -> memref<1x1x128xi32, #tpu.memory_space<hbm>>
          %dma_wait3A_125 = tpu.memref_squeeze %dma_wait3A_124 : memref<1x1x128xi32, #tpu.memory_space<hbm>> -> memref<128xi32, #tpu.memory_space<hbm>>
          %dma_wait3A_126 = arith.constant 0 : i32
          %dma_wait3A_127 = tpu.memref_slice %arg5[%arg1, %add3A_116, %dma_wait3A_126] : memref<16x80x128xi32, #tpu.memory_space<hbm>> -> memref<1x1x128xi32, #tpu.memory_space<hbm>>
          %dma_wait3A_128 = tpu.memref_squeeze %dma_wait3A_127 : memref<1x1x128xi32, #tpu.memory_space<hbm>> -> memref<128xi32, #tpu.memory_space<hbm>>
          tpu.wait_dma2 semaphore(%arg20 : memref<!tpu.dma_semaphore, #tpu.memory_space<semaphore_mem>>) src(%dma_wait3A_128 : memref<128xi32, #tpu.memory_space<hbm>>) dst(%arg11 : memref<128xi32, #tpu.memory_space<vmem>>)
          %dma_start3A_129 = arith.constant 0 : i32
          %dma_start3A_130 = arith.constant 0 : i32
          %dma_start3A_131 = tpu.memref_slice %arg3[%dma_start3A_129, %dma_start3A_130] : memref<10240x128xf32, #tpu.memory_space<hbm>> -> memref<10240x128xf32, #tpu.memory_space<hbm>>
          tpu.enqueue_indirect_dma source(%dma_start3A_131 : memref<10240x128xf32, #tpu.memory_space<hbm>>) target(%arg13 : memref<128x128xf32, #tpu.memory_space<vmem>>) offsets(%arg9 : memref<128xi32, #tpu.memory_space<vmem>>) semaphore(%arg16 : memref<!tpu.dma_semaphore, #tpu.memory_space<semaphore_mem>>)
        } else {
        }
        %dma_wait3A_98 = arith.constant 0 : i32
        %dma_wait3A_99 = arith.constant 0 : i32
        %dma_wait3A_100 = tpu.memref_slice %arg15[%dma_wait3A_98, %dma_wait3A_99] : memref<10240x128xf32, #tpu.memory_space<vmem_shared>> -> memref<10240x128xf32, #tpu.memory_space<vmem_shared>>
        tpu.wait_indirect_dma semaphore(%arg19 : memref<!tpu.dma_semaphore, #tpu.memory_space<semaphore_mem>>) src(%arg14 : memref<128x128xf32, #tpu.memory_space<vmem>>) dst(%dma_wait3A_100 : memref<10240x128xf32, #tpu.memory_space<vmem_shared>>)
      }
      %scan3A_24 = arith.constant 40 : i32
      %barrier3A_25 = arith.constant 0 : index
      tpu.barrier barrier_id(%barrier3A_25)
      %add3A_26 = arith.constant 0 : i32
      %add3A_27 = arith.addi %mul3A_0, %add3A_26 : i32
      "tpu.region"() ({
        %run_scoped3A_46 = tpu.sem_alloc : memref<!tpu.dma_semaphore, #tpu.memory_space<semaphore_mem>>
        %dma_start3A_47 = arith.constant 0 : i32
        %dma_start3A_48 = tpu.memref_slice %arg15[%add3A_27, %dma_start3A_47] : memref<10240x128xf32, #tpu.memory_space<vmem_shared>> -> memref<128x128xf32, #tpu.memory_space<vmem_shared>>
        %dma_start3A_49 = arith.constant 0 : i32
        %dma_start3A_50 = tpu.memref_slice %arg15[%add3A_27, %dma_start3A_49] : memref<10240x128xf32, #tpu.memory_space<vmem_shared>> -> memref<128x128xf32, #tpu.memory_space<vmem_shared>>
        tpu.enqueue_dma source(%dma_start3A_50 : memref<128x128xf32, #tpu.memory_space<vmem_shared>>) target(%arg13 : memref<128x128xf32, #tpu.memory_space<vmem>>) target_semaphore(%run_scoped3A_46 : memref<!tpu.dma_semaphore, #tpu.memory_space<semaphore_mem>>)
        %dma_wait3A = arith.constant 0 : i32
        %dma_wait3A_51 = tpu.memref_slice %arg15[%add3A_27, %dma_wait3A] : memref<10240x128xf32, #tpu.memory_space<vmem_shared>> -> memref<128x128xf32, #tpu.memory_space<vmem_shared>>
        %dma_wait3A_52 = arith.constant 0 : i32
        %dma_wait3A_53 = tpu.memref_slice %arg15[%add3A_27, %dma_wait3A_52] : memref<10240x128xf32, #tpu.memory_space<vmem_shared>> -> memref<128x128xf32, #tpu.memory_space<vmem_shared>>
        tpu.wait_dma2 semaphore(%run_scoped3A_46 : memref<!tpu.dma_semaphore, #tpu.memory_space<semaphore_mem>>) src(%dma_wait3A_53 : memref<128x128xf32, #tpu.memory_space<vmem_shared>>) dst(%arg13 : memref<128x128xf32, #tpu.memory_space<vmem>>)
        tpu.yield
      }) : () -> ()
      %add3A_28 = arith.constant 0 : i32
      %add3A_29 = arith.addi %mul3A_0, %add3A_28 : i32
      "tpu.region"() ({
        %run_scoped3A_46 = tpu.sem_alloc : memref<!tpu.dma_semaphore, #tpu.memory_space<semaphore_mem>>
        %dma_start3A_47 = arith.constant 0 : i32
        %dma_start3A_48 = tpu.memref_slice %arg8[%add3A_29, %dma_start3A_47] : memref<10240x128xf32, #tpu.memory_space<hbm>> -> memref<128x128xf32, #tpu.memory_space<hbm>>
        %dma_start3A_49 = arith.constant 0 : i32
        %dma_start3A_50 = tpu.memref_slice %arg8[%add3A_29, %dma_start3A_49] : memref<10240x128xf32, #tpu.memory_space<hbm>> -> memref<128x128xf32, #tpu.memory_space<hbm>>
        tpu.enqueue_dma source(%arg13 : memref<128x128xf32, #tpu.memory_space<vmem>>) target(%dma_start3A_50 : memref<128x128xf32, #tpu.memory_space<hbm>>) target_semaphore(%run_scoped3A_46 : memref<!tpu.dma_semaphore, #tpu.memory_space<semaphore_mem>>)
        %dma_wait3A = arith.constant 0 : i32
        %dma_wait3A_51 = tpu.memref_slice %arg8[%add3A_29, %dma_wait3A] : memref<10240x128xf32, #tpu.memory_space<hbm>> -> memref<128x128xf32, #tpu.memory_space<hbm>>
        %dma_wait3A_52 = arith.constant 0 : i32
        %dma_wait3A_53 = tpu.memref_slice %arg8[%add3A_29, %dma_wait3A_52] : memref<10240x128xf32, #tpu.memory_space<hbm>> -> memref<128x128xf32, #tpu.memory_space<hbm>>
        tpu.wait_dma2 semaphore(%run_scoped3A_46 : memref<!tpu.dma_semaphore, #tpu.memory_space<semaphore_mem>>) src(%arg13 : memref<128x128xf32, #tpu.memory_space<vmem>>) dst(%dma_wait3A_53 : memref<128x128xf32, #tpu.memory_space<hbm>>)
        tpu.yield
      }) : () -> ()
      %add3A_30 = arith.constant 128 : i32
      %add3A_31 = arith.addi %mul3A_0, %add3A_30 : i32
      "tpu.region"() ({
        %run_scoped3A_46 = tpu.sem_alloc : memref<!tpu.dma_semaphore, #tpu.memory_space<semaphore_mem>>
        %dma_start3A_47 = arith.constant 0 : i32
        %dma_start3A_48 = tpu.memref_slice %arg15[%add3A_31, %dma_start3A_47] : memref<10240x128xf32, #tpu.memory_space<vmem_shared>> -> memref<128x128xf32, #tpu.memory_space<vmem_shared>>
        %dma_start3A_49 = arith.constant 0 : i32
        %dma_start3A_50 = tpu.memref_slice %arg15[%add3A_31, %dma_start3A_49] : memref<10240x128xf32, #tpu.memory_space<vmem_shared>> -> memref<128x128xf32, #tpu.memory_space<vmem_shared>>
        tpu.enqueue_dma source(%dma_start3A_50 : memref<128x128xf32, #tpu.memory_space<vmem_shared>>) target(%arg13 : memref<128x128xf32, #tpu.memory_space<vmem>>) target_semaphore(%run_scoped3A_46 : memref<!tpu.dma_semaphore, #tpu.memory_space<semaphore_mem>>)
        %dma_wait3A = arith.constant 0 : i32
        %dma_wait3A_51 = tpu.memref_slice %arg15[%add3A_31, %dma_wait3A] : memref<10240x128xf32, #tpu.memory_space<vmem_shared>> -> memref<128x128xf32, #tpu.memory_space<vmem_shared>>
        %dma_wait3A_52 = arith.constant 0 : i32
        %dma_wait3A_53 = tpu.memref_slice %arg15[%add3A_31, %dma_wait3A_52] : memref<10240x128xf32, #tpu.memory_space<vmem_shared>> -> memref<128x128xf32, #tpu.memory_space<vmem_shared>>
        tpu.wait_dma2 semaphore(%run_scoped3A_46 : memref<!tpu.dma_semaphore, #tpu.memory_space<semaphore_mem>>) src(%dma_wait3A_53 : memref<128x128xf32, #tpu.memory_space<vmem_shared>>) dst(%arg13 : memref<128x128xf32, #tpu.memory_space<vmem>>)
        tpu.yield
      }) : () -> ()
      %add3A_32 = arith.constant 128 : i32
      %add3A_33 = arith.addi %mul3A_0, %add3A_32 : i32
      "tpu.region"() ({
        %run_scoped3A_46 = tpu.sem_alloc : memref<!tpu.dma_semaphore, #tpu.memory_space<semaphore_mem>>
        %dma_start3A_47 = arith.constant 0 : i32
        %dma_start3A_48 = tpu.memref_slice %arg8[%add3A_33, %dma_start3A_47] : memref<10240x128xf32, #tpu.memory_space<hbm>> -> memref<128x128xf32, #tpu.memory_space<hbm>>
        %dma_start3A_49 = arith.constant 0 : i32
        %dma_start3A_50 = tpu.memref_slice %arg8[%add3A_33, %dma_start3A_49] : memref<10240x128xf32, #tpu.memory_space<hbm>> -> memref<128x128xf32, #tpu.memory_space<hbm>>
        tpu.enqueue_dma source(%arg13 : memref<128x128xf32, #tpu.memory_space<vmem>>) target(%dma_start3A_50 : memref<128x128xf32, #tpu.memory_space<hbm>>) target_semaphore(%run_scoped3A_46 : memref<!tpu.dma_semaphore, #tpu.memory_space<semaphore_mem>>)
        %dma_wait3A = arith.constant 0 : i32
        %dma_wait3A_51 = tpu.memref_slice %arg8[%add3A_33, %dma_wait3A] : memref<10240x128xf32, #tpu.memory_space<hbm>> -> memref<128x128xf32, #tpu.memory_space<hbm>>
        %dma_wait3A_52 = arith.constant 0 : i32
        %dma_wait3A_53 = tpu.memref_slice %arg8[%add3A_33, %dma_wait3A_52] : memref<10240x128xf32, #tpu.memory_space<hbm>> -> memref<128x128xf32, #tpu.memory_space<hbm>>
        tpu.wait_dma2 semaphore(%run_scoped3A_46 : memref<!tpu.dma_semaphore, #tpu.memory_space<semaphore_mem>>) src(%arg13 : memref<128x128xf32, #tpu.memory_space<vmem>>) dst(%dma_wait3A_53 : memref<128x128xf32, #tpu.memory_space<hbm>>)
        tpu.yield
      }) : () -> ()
      %add3A_34 = arith.constant 256 : i32
      %add3A_35 = arith.addi %mul3A_0, %add3A_34 : i32
      "tpu.region"() ({
        %run_scoped3A_46 = tpu.sem_alloc : memref<!tpu.dma_semaphore, #tpu.memory_space<semaphore_mem>>
        %dma_start3A_47 = arith.constant 0 : i32
        %dma_start3A_48 = tpu.memref_slice %arg15[%add3A_35, %dma_start3A_47] : memref<10240x128xf32, #tpu.memory_space<vmem_shared>> -> memref<128x128xf32, #tpu.memory_space<vmem_shared>>
        %dma_start3A_49 = arith.constant 0 : i32
        %dma_start3A_50 = tpu.memref_slice %arg15[%add3A_35, %dma_start3A_49] : memref<10240x128xf32, #tpu.memory_space<vmem_shared>> -> memref<128x128xf32, #tpu.memory_space<vmem_shared>>
        tpu.enqueue_dma source(%dma_start3A_50 : memref<128x128xf32, #tpu.memory_space<vmem_shared>>) target(%arg13 : memref<128x128xf32, #tpu.memory_space<vmem>>) target_semaphore(%run_scoped3A_46 : memref<!tpu.dma_semaphore, #tpu.memory_space<semaphore_mem>>)
        %dma_wait3A = arith.constant 0 : i32
        %dma_wait3A_51 = tpu.memref_slice %arg15[%add3A_35, %dma_wait3A] : memref<10240x128xf32, #tpu.memory_space<vmem_shared>> -> memref<128x128xf32, #tpu.memory_space<vmem_shared>>
        %dma_wait3A_52 = arith.constant 0 : i32
        %dma_wait3A_53 = tpu.memref_slice %arg15[%add3A_35, %dma_wait3A_52] : memref<10240x128xf32, #tpu.memory_space<vmem_shared>> -> memref<128x128xf32, #tpu.memory_space<vmem_shared>>
        tpu.wait_dma2 semaphore(%run_scoped3A_46 : memref<!tpu.dma_semaphore, #tpu.memory_space<semaphore_mem>>) src(%dma_wait3A_53 : memref<128x128xf32, #tpu.memory_space<vmem_shared>>) dst(%arg13 : memref<128x128xf32, #tpu.memory_space<vmem>>)
        tpu.yield
      }) : () -> ()
      %add3A_36 = arith.constant 256 : i32
      %add3A_37 = arith.addi %mul3A_0, %add3A_36 : i32
      "tpu.region"() ({
        %run_scoped3A_46 = tpu.sem_alloc : memref<!tpu.dma_semaphore, #tpu.memory_space<semaphore_mem>>
        %dma_start3A_47 = arith.constant 0 : i32
        %dma_start3A_48 = tpu.memref_slice %arg8[%add3A_37, %dma_start3A_47] : memref<10240x128xf32, #tpu.memory_space<hbm>> -> memref<128x128xf32, #tpu.memory_space<hbm>>
        %dma_start3A_49 = arith.constant 0 : i32
        %dma_start3A_50 = tpu.memref_slice %arg8[%add3A_37, %dma_start3A_49] : memref<10240x128xf32, #tpu.memory_space<hbm>> -> memref<128x128xf32, #tpu.memory_space<hbm>>
        tpu.enqueue_dma source(%arg13 : memref<128x128xf32, #tpu.memory_space<vmem>>) target(%dma_start3A_50 : memref<128x128xf32, #tpu.memory_space<hbm>>) target_semaphore(%run_scoped3A_46 : memref<!tpu.dma_semaphore, #tpu.memory_space<semaphore_mem>>)
        %dma_wait3A = arith.constant 0 : i32
        %dma_wait3A_51 = tpu.memref_slice %arg8[%add3A_37, %dma_wait3A] : memref<10240x128xf32, #tpu.memory_space<hbm>> -> memref<128x128xf32, #tpu.memory_space<hbm>>
        %dma_wait3A_52 = arith.constant 0 : i32
        %dma_wait3A_53 = tpu.memref_slice %arg8[%add3A_37, %dma_wait3A_52] : memref<10240x128xf32, #tpu.memory_space<hbm>> -> memref<128x128xf32, #tpu.memory_space<hbm>>
        tpu.wait_dma2 semaphore(%run_scoped3A_46 : memref<!tpu.dma_semaphore, #tpu.memory_space<semaphore_mem>>) src(%arg13 : memref<128x128xf32, #tpu.memory_space<vmem>>) dst(%dma_wait3A_53 : memref<128x128xf32, #tpu.memory_space<hbm>>)
        tpu.yield
      }) : () -> ()
      %add3A_38 = arith.constant 384 : i32
      %add3A_39 = arith.addi %mul3A_0, %add3A_38 : i32
      "tpu.region"() ({
        %run_scoped3A_46 = tpu.sem_alloc : memref<!tpu.dma_semaphore, #tpu.memory_space<semaphore_mem>>
        %dma_start3A_47 = arith.constant 0 : i32
        %dma_start3A_48 = tpu.memref_slice %arg15[%add3A_39, %dma_start3A_47] : memref<10240x128xf32, #tpu.memory_space<vmem_shared>> -> memref<128x128xf32, #tpu.memory_space<vmem_shared>>
        %dma_start3A_49 = arith.constant 0 : i32
        %dma_start3A_50 = tpu.memref_slice %arg15[%add3A_39, %dma_start3A_49] : memref<10240x128xf32, #tpu.memory_space<vmem_shared>> -> memref<128x128xf32, #tpu.memory_space<vmem_shared>>
        tpu.enqueue_dma source(%dma_start3A_50 : memref<128x128xf32, #tpu.memory_space<vmem_shared>>) target(%arg13 : memref<128x128xf32, #tpu.memory_space<vmem>>) target_semaphore(%run_scoped3A_46 : memref<!tpu.dma_semaphore, #tpu.memory_space<semaphore_mem>>)
        %dma_wait3A = arith.constant 0 : i32
        %dma_wait3A_51 = tpu.memref_slice %arg15[%add3A_39, %dma_wait3A] : memref<10240x128xf32, #tpu.memory_space<vmem_shared>> -> memref<128x128xf32, #tpu.memory_space<vmem_shared>>
        %dma_wait3A_52 = arith.constant 0 : i32
        %dma_wait3A_53 = tpu.memref_slice %arg15[%add3A_39, %dma_wait3A_52] : memref<10240x128xf32, #tpu.memory_space<vmem_shared>> -> memref<128x128xf32, #tpu.memory_space<vmem_shared>>
        tpu.wait_dma2 semaphore(%run_scoped3A_46 : memref<!tpu.dma_semaphore, #tpu.memory_space<semaphore_mem>>) src(%dma_wait3A_53 : memref<128x128xf32, #tpu.memory_space<vmem_shared>>) dst(%arg13 : memref<128x128xf32, #tpu.memory_space<vmem>>)
        tpu.yield
      }) : () -> ()
      %add3A_40 = arith.constant 384 : i32
      %add3A_41 = arith.addi %mul3A_0, %add3A_40 : i32
      "tpu.region"() ({
        %run_scoped3A_46 = tpu.sem_alloc : memref<!tpu.dma_semaphore, #tpu.memory_space<semaphore_mem>>
        %dma_start3A_47 = arith.constant 0 : i32
        %dma_start3A_48 = tpu.memref_slice %arg8[%add3A_41, %dma_start3A_47] : memref<10240x128xf32, #tpu.memory_space<hbm>> -> memref<128x128xf32, #tpu.memory_space<hbm>>
        %dma_start3A_49 = arith.constant 0 : i32
        %dma_start3A_50 = tpu.memref_slice %arg8[%add3A_41, %dma_start3A_49] : memref<10240x128xf32, #tpu.memory_space<hbm>> -> memref<128x128xf32, #tpu.memory_space<hbm>>
        tpu.enqueue_dma source(%arg13 : memref<128x128xf32, #tpu.memory_space<vmem>>) target(%dma_start3A_50 : memref<128x128xf32, #tpu.memory_space<hbm>>) target_semaphore(%run_scoped3A_46 : memref<!tpu.dma_semaphore, #tpu.memory_space<semaphore_mem>>)
        %dma_wait3A = arith.constant 0 : i32
        %dma_wait3A_51 = tpu.memref_slice %arg8[%add3A_41, %dma_wait3A] : memref<10240x128xf32, #tpu.memory_space<hbm>> -> memref<128x128xf32, #tpu.memory_space<hbm>>
        %dma_wait3A_52 = arith.constant 0 : i32
        %dma_wait3A_53 = tpu.memref_slice %arg8[%add3A_41, %dma_wait3A_52] : memref<10240x128xf32, #tpu.memory_space<hbm>> -> memref<128x128xf32, #tpu.memory_space<hbm>>
        tpu.wait_dma2 semaphore(%run_scoped3A_46 : memref<!tpu.dma_semaphore, #tpu.memory_space<semaphore_mem>>) src(%arg13 : memref<128x128xf32, #tpu.memory_space<vmem>>) dst(%dma_wait3A_53 : memref<128x128xf32, #tpu.memory_space<hbm>>)
        tpu.yield
      }) : () -> ()
      %add3A_42 = arith.constant 512 : i32
      %add3A_43 = arith.addi %mul3A_0, %add3A_42 : i32
      "tpu.region"() ({
        %run_scoped3A_46 = tpu.sem_alloc : memref<!tpu.dma_semaphore, #tpu.memory_space<semaphore_mem>>
        %dma_start3A_47 = arith.constant 0 : i32
        %dma_start3A_48 = tpu.memref_slice %arg15[%add3A_43, %dma_start3A_47] : memref<10240x128xf32, #tpu.memory_space<vmem_shared>> -> memref<128x128xf32, #tpu.memory_space<vmem_shared>>
        %dma_start3A_49 = arith.constant 0 : i32
        %dma_start3A_50 = tpu.memref_slice %arg15[%add3A_43, %dma_start3A_49] : memref<10240x128xf32, #tpu.memory_space<vmem_shared>> -> memref<128x128xf32, #tpu.memory_space<vmem_shared>>
        tpu.enqueue_dma source(%dma_start3A_50 : memref<128x128xf32, #tpu.memory_space<vmem_shared>>) target(%arg13 : memref<128x128xf32, #tpu.memory_space<vmem>>) target_semaphore(%run_scoped3A_46 : memref<!tpu.dma_semaphore, #tpu.memory_space<semaphore_mem>>)
        %dma_wait3A = arith.constant 0 : i32
        %dma_wait3A_51 = tpu.memref_slice %arg15[%add3A_43, %dma_wait3A] : memref<10240x128xf32, #tpu.memory_space<vmem_shared>> -> memref<128x128xf32, #tpu.memory_space<vmem_shared>>
        %dma_wait3A_52 = arith.constant 0 : i32
        %dma_wait3A_53 = tpu.memref_slice %arg15[%add3A_43, %dma_wait3A_52] : memref<10240x128xf32, #tpu.memory_space<vmem_shared>> -> memref<128x128xf32, #tpu.memory_space<vmem_shared>>
        tpu.wait_dma2 semaphore(%run_scoped3A_46 : memref<!tpu.dma_semaphore, #tpu.memory_space<semaphore_mem>>) src(%dma_wait3A_53 : memref<128x128xf32, #tpu.memory_space<vmem_shared>>) dst(%arg13 : memref<128x128xf32, #tpu.memory_space<vmem>>)
        tpu.yield
      }) : () -> ()
      %add3A_44 = arith.constant 512 : i32
      %add3A_45 = arith.addi %mul3A_0, %add3A_44 : i32
      "tpu.region"() ({
        %run_scoped3A_46 = tpu.sem_alloc : memref<!tpu.dma_semaphore, #tpu.memory_space<semaphore_mem>>
        %dma_start3A_47 = arith.constant 0 : i32
        %dma_start3A_48 = tpu.memref_slice %arg8[%add3A_45, %dma_start3A_47] : memref<10240x128xf32, #tpu.memory_space<hbm>> -> memref<128x128xf32, #tpu.memory_space<hbm>>
        %dma_start3A_49 = arith.constant 0 : i32
        %dma_start3A_50 = tpu.memref_slice %arg8[%add3A_45, %dma_start3A_49] : memref<10240x128xf32, #tpu.memory_space<hbm>> -> memref<128x128xf32, #tpu.memory_space<hbm>>
        tpu.enqueue_dma source(%arg13 : memref<128x128xf32, #tpu.memory_space<vmem>>) target(%dma_start3A_50 : memref<128x128xf32, #tpu.memory_space<hbm>>) target_semaphore(%run_scoped3A_46 : memref<!tpu.dma_semaphore, #tpu.memory_space<semaphore_mem>>)
        %dma_wait3A = arith.constant 0 : i32
        %dma_wait3A_51 = tpu.memref_slice %arg8[%add3A_45, %dma_wait3A] : memref<10240x128xf32, #tpu.memory_space<hbm>> -> memref<128x128xf32, #tpu.memory_space<hbm>>
        %dma_wait3A_52 = arith.constant 0 : i32
        %dma_wait3A_53 = tpu.memref_slice %arg8[%add3A_45, %dma_wait3A_52] : memref<10240x128xf32, #tpu.memory_space<hbm>> -> memref<128x128xf32, #tpu.memory_space<hbm>>
        tpu.wait_dma2 semaphore(%run_scoped3A_46 : memref<!tpu.dma_semaphore, #tpu.memory_space<semaphore_mem>>) src(%arg13 : memref<128x128xf32, #tpu.memory_space<vmem>>) dst(%dma_wait3A_53 : memref<128x128xf32, #tpu.memory_space<hbm>>)
        tpu.yield
      }) : () -> ()
    } else {
    }
    return
  }
}

module attributes {stable_mosaic.version = 14 : i64} {
  func.func @_tc1_body(%arg0: i32, %arg1: memref<2x16x1024xf32, #tpu.memory_space<vmem>>, %arg2: memref<1024x256xf32, #tpu.memory_space<vmem>>, %arg3: memref<256x256xf32, #tpu.memory_space<vmem>>, %arg4: memref<1024x128xf32, #tpu.memory_space<vmem>>, %arg5: memref<1024x128xf32, #tpu.memory_space<vmem>>) attributes {dimension_semantics = [#tpu.dimension_semantics<arbitrary>], iteration_bounds = array<i64: 10>, scalar_prefetch = 0 : i64, scratch_operands = 0 : i64, tpu.core_type = #tpu.core_type<tc>, window_params = [{transform_indices = @transform_0, window_bounds = array<i64: 2, 16, 1024>}, {transform_indices = @transform_1, window_bounds = array<i64: 1024, 256>}, {pipeline_mode = #tpu.pipeline_mode<synchronous>, transform_indices = @transform_2, window_bounds = array<i64: 256, 256>}, {transform_indices = @transform_3, window_bounds = array<i64: 1024, 128>}, {transform_indices = @transform_4, window_bounds = array<i64: 1024, 128>}]} {
    %get3A = arith.constant 0 : index
    %get3A_0 = arith.constant 0 : index
    %get3A_1 = arith.constant 0 : index
    %get3A_2 = vector.load %arg1[%get3A, %get3A_0, %get3A_1] : memref<2x16x1024xf32, #tpu.memory_space<vmem>>, vector<2x16x1024xf32>
    %reduce_sum3A = arith.constant dense<0.000000e+00> : vector<1024xf32>
    %reduce_sum3A_3 = vector.multi_reduction <add>, %get3A_2, %reduce_sum3A [0, 1] : vector<2x16x1024xf32> to vector<1024xf32>
    %add3A = arith.constant 1.000000e+00 : f32
    %add3A_4 = vector.broadcast %add3A : f32 to vector<1024xf32>
    %add3A_5 = arith.addf %reduce_sum3A_3, %add3A_4 : vector<1024xf32>
    %rsqrt3A = math.rsqrt %add3A_5 : vector<1024xf32>
    %get3A_6 = arith.constant 0 : index
    %get3A_7 = arith.constant 0 : index
    %get3A_8 = vector.load %arg2[%get3A_6, %get3A_7] : memref<1024x256xf32, #tpu.memory_space<vmem>>, vector<1024x256xf32>
    %get3A_9 = arith.constant 0 : index
    %get3A_10 = arith.constant 0 : index
    %get3A_11 = vector.load %arg3[%get3A_9, %get3A_10] : memref<256x256xf32, #tpu.memory_space<vmem>>, vector<256x256xf32>
    %dot_general3A = arith.constant dense<0.000000e+00> : vector<1024x256xf32>
    %dot_general3A_12 = tpu.matmul %get3A_8, %get3A_11, %dot_general3A {dimension_numbers = #tpu.dot_dimension_numbers<[1], [0], [0], [1], [0, 0, 1, 1], [], []>, transpose_lhs_hint = false} : vector<1024x256xf32>, vector<256x256xf32>, vector<1024x256xf32> -> vector<1024x256xf32>
    %broadcast_in_dim3A = vector.shape_cast %rsqrt3A : vector<1024xf32> to vector<1024x1xf32>
    %mul3A = vector.broadcast %broadcast_in_dim3A : vector<1024x1xf32> to vector<1024x256xf32>
    %mul3A_13 = arith.mulf %dot_general3A_12, %mul3A : vector<1024x256xf32>
    %slice3A = vector.extract_strided_slice %mul3A_13 {offsets = [0, 0], sizes = [1024, 128], strides = [1, 1]} : vector<1024x256xf32> to vector<1024x128xf32>
    %swap3A = arith.constant 0 : index
    %swap3A_14 = arith.constant 0 : index
    %swap3A_15 = vector.load %arg4[%swap3A, %swap3A_14] : memref<1024x128xf32, #tpu.memory_space<vmem>>, vector<1024x128xf32>
    tpu.vector_store %arg4[%swap3A, %swap3A_14], %slice3A {strides = array<i32>} : memref<1024x128xf32, #tpu.memory_space<vmem>>, vector<1024x128xf32>,
    %slice3A_16 = vector.extract_strided_slice %mul3A_13 {offsets = [0, 128], sizes = [1024, 128], strides = [1, 1]} : vector<1024x256xf32> to vector<1024x128xf32>
    %swap3A_17 = arith.constant 0 : index
    %swap3A_18 = arith.constant 0 : index
    %swap3A_19 = vector.load %arg5[%swap3A_17, %swap3A_18] : memref<1024x128xf32, #tpu.memory_space<vmem>>, vector<1024x128xf32>
    tpu.vector_store %arg5[%swap3A_17, %swap3A_18], %slice3A_16 {strides = array<i32>} : memref<1024x128xf32, #tpu.memory_space<vmem>>, vector<1024x128xf32>,
    return
  }
  func.func @transform_0(%arg0: i32) -> (i32, i32, i32) {
    %c0_i32 = arith.constant 0 : i32
    %c0_i32_0 = arith.constant 0 : i32
    %c0_i32_1 = arith.constant 0 : i32
    return %c0_i32, %c0_i32_0, %arg0 : i32, i32, i32
  }
  func.func @transform_1(%arg0: i32) -> (i32, i32) {
    %c0_i32 = arith.constant 0 : i32
    %c0_i32_0 = arith.constant 0 : i32
    return %arg0, %c0_i32 : i32, i32
  }
  func.func @transform_2(%arg0: i32) -> (i32, i32) {
    %c0_i32 = arith.constant 0 : i32
    %c0_i32_0 = arith.constant 0 : i32
    %c0_i32_1 = arith.constant 0 : i32
    return %c0_i32, %c0_i32_0 : i32, i32
  }
  func.func @transform_3(%arg0: i32) -> (i32, i32) {
    %c0_i32 = arith.constant 0 : i32
    %c0_i32_0 = arith.constant 0 : i32
    return %arg0, %c0_i32 : i32, i32
  }
  func.func @transform_4(%arg0: i32) -> (i32, i32) {
    %c0_i32 = arith.constant 0 : i32
    %c0_i32_0 = arith.constant 0 : i32
    return %arg0, %c0_i32 : i32, i32
  }
}

module attributes {stable_mosaic.version = 14 : i64} {
  func.func @_tc3_body(%arg0: i32, %arg1: memref<2x16x1024xf32, #tpu.memory_space<vmem>>, %arg2: memref<1024x128xf32, #tpu.memory_space<vmem>>, %arg3: memref<1024x128xf32, #tpu.memory_space<vmem>>, %arg4: memref<1024x128xf32, #tpu.memory_space<vmem>>, %arg5: memref<1024x128xf32, #tpu.memory_space<vmem>>, %arg6: memref<256xf32, #tpu.memory_space<vmem>>, %arg7: memref<256x256xf32, #tpu.memory_space<vmem>>, %arg8: memref<1024x128xf32, #tpu.memory_space<vmem>>, %arg9: memref<1024x128xf32, #tpu.memory_space<vmem>>) attributes {dimension_semantics = [#tpu.dimension_semantics<arbitrary>], iteration_bounds = array<i64: 10>, scalar_prefetch = 0 : i64, scratch_operands = 0 : i64, tpu.core_type = #tpu.core_type<tc>, window_params = [{transform_indices = @transform_0, window_bounds = array<i64: 2, 16, 1024>}, {transform_indices = @transform_1, window_bounds = array<i64: 1024, 128>}, {transform_indices = @transform_2, window_bounds = array<i64: 1024, 128>}, {transform_indices = @transform_3, window_bounds = array<i64: 1024, 128>}, {transform_indices = @transform_4, window_bounds = array<i64: 1024, 128>}, {pipeline_mode = #tpu.pipeline_mode<synchronous>, transform_indices = @transform_5, window_bounds = array<i64: 256>}, {pipeline_mode = #tpu.pipeline_mode<synchronous>, transform_indices = @transform_6, window_bounds = array<i64: 256, 256>}, {transform_indices = @transform_7, window_bounds = array<i64: 1024, 128>}, {transform_indices = @transform_8, window_bounds = array<i64: 1024, 128>}]} {
    %get3A = arith.constant 0 : index
    %get3A_0 = arith.constant 0 : index
    %get3A_1 = arith.constant 0 : index
    %get3A_2 = vector.load %arg1[%get3A, %get3A_0, %get3A_1] : memref<2x16x1024xf32, #tpu.memory_space<vmem>>, vector<2x16x1024xf32>
    %reduce_sum3A = arith.constant dense<0.000000e+00> : vector<1024xf32>
    %reduce_sum3A_3 = vector.multi_reduction <add>, %get3A_2, %reduce_sum3A [0, 1] : vector<2x16x1024xf32> to vector<1024xf32>
    %add3A = arith.constant 1.000000e+00 : f32
    %add3A_4 = vector.broadcast %add3A : f32 to vector<1024xf32>
    %add3A_5 = arith.addf %reduce_sum3A_3, %add3A_4 : vector<1024xf32>
    %rsqrt3A = math.rsqrt %add3A_5 : vector<1024xf32>
    %get3A_6 = arith.constant 0 : index
    %get3A_7 = arith.constant 0 : index
    %get3A_8 = vector.load %arg2[%get3A_6, %get3A_7] : memref<1024x128xf32, #tpu.memory_space<vmem>>, vector<1024x128xf32>
    %get3A_9 = arith.constant 0 : index
    %get3A_10 = arith.constant 0 : index
    %get3A_11 = vector.load %arg3[%get3A_9, %get3A_10] : memref<1024x128xf32, #tpu.memory_space<vmem>>, vector<1024x128xf32>
    %concatenate3A = tpu.concatenate %get3A_8, %get3A_11 in 1 : vector<1024x128xf32>, vector<1024x128xf32> -> vector<1024x256xf32>
    %get3A_12 = arith.constant 0 : index
    %get3A_13 = arith.constant 0 : index
    %get3A_14 = vector.load %arg4[%get3A_12, %get3A_13] : memref<1024x128xf32, #tpu.memory_space<vmem>>, vector<1024x128xf32>
    %get3A_15 = arith.constant 0 : index
    %get3A_16 = arith.constant 0 : index
    %get3A_17 = vector.load %arg5[%get3A_15, %get3A_16] : memref<1024x128xf32, #tpu.memory_space<vmem>>, vector<1024x128xf32>
    %concatenate3A_18 = tpu.concatenate %get3A_14, %get3A_17 in 1 : vector<1024x128xf32>, vector<1024x128xf32> -> vector<1024x256xf32>
    %add3A_19 = arith.addf %concatenate3A, %concatenate3A_18 : vector<1024x256xf32>
    %broadcast_in_dim3A = vector.shape_cast %rsqrt3A : vector<1024xf32> to vector<1024x1xf32>
    %mul3A = vector.broadcast %broadcast_in_dim3A : vector<1024x1xf32> to vector<1024x256xf32>
    %mul3A_20 = arith.mulf %add3A_19, %mul3A : vector<1024x256xf32>
    %get3A_21 = arith.constant 0 : index
    %get3A_22 = vector.load %arg6[%get3A_21] : memref<256xf32, #tpu.memory_space<vmem>>, vector<256xf32>
    %broadcast_in_dim3A_23 = vector.shape_cast %get3A_22 : vector<256xf32> to vector<1x256xf32>
    %add3A_24 = vector.broadcast %broadcast_in_dim3A_23 : vector<1x256xf32> to vector<1024x256xf32>
    %add3A_25 = arith.addf %mul3A_20, %add3A_24 : vector<1024x256xf32>
    %max3A = arith.constant 0.000000e+00 : f32
    %max3A_26 = vector.broadcast %max3A : f32 to vector<1024x256xf32>
    %max3A_27 = arith.maximumf %add3A_25, %max3A_26 : vector<1024x256xf32>
    %get3A_28 = arith.constant 0 : index
    %get3A_29 = arith.constant 0 : index
    %get3A_30 = vector.load %arg7[%get3A_28, %get3A_29] : memref<256x256xf32, #tpu.memory_space<vmem>>, vector<256x256xf32>
    %dot_general3A = arith.constant dense<0.000000e+00> : vector<1024x256xf32>
    %dot_general3A_31 = tpu.matmul %max3A_27, %get3A_30, %dot_general3A {dimension_numbers = #tpu.dot_dimension_numbers<[1], [0], [0], [1], [0, 0, 1, 1], [], []>, transpose_lhs_hint = false} : vector<1024x256xf32>, vector<256x256xf32>, vector<1024x256xf32> -> vector<1024x256xf32>
    %broadcast_in_dim3A_32 = vector.shape_cast %rsqrt3A : vector<1024xf32> to vector<1024x1xf32>
    %mul3A_33 = vector.broadcast %broadcast_in_dim3A_32 : vector<1024x1xf32> to vector<1024x256xf32>
    %mul3A_34 = arith.mulf %dot_general3A_31, %mul3A_33 : vector<1024x256xf32>
    %slice3A = vector.extract_strided_slice %mul3A_34 {offsets = [0, 0], sizes = [1024, 128], strides = [1, 1]} : vector<1024x256xf32> to vector<1024x128xf32>
    %swap3A = arith.constant 0 : index
    %swap3A_35 = arith.constant 0 : index
    %swap3A_36 = vector.load %arg8[%swap3A, %swap3A_35] : memref<1024x128xf32, #tpu.memory_space<vmem>>, vector<1024x128xf32>
    tpu.vector_store %arg8[%swap3A, %swap3A_35], %slice3A {strides = array<i32>} : memref<1024x128xf32, #tpu.memory_space<vmem>>, vector<1024x128xf32>,
    %slice3A_37 = vector.extract_strided_slice %mul3A_34 {offsets = [0, 128], sizes = [1024, 128], strides = [1, 1]} : vector<1024x256xf32> to vector<1024x128xf32>
    %swap3A_38 = arith.constant 0 : index
    %swap3A_39 = arith.constant 0 : index
    %swap3A_40 = vector.load %arg9[%swap3A_38, %swap3A_39] : memref<1024x128xf32, #tpu.memory_space<vmem>>, vector<1024x128xf32>
    tpu.vector_store %arg9[%swap3A_38, %swap3A_39], %slice3A_37 {strides = array<i32>} : memref<1024x128xf32, #tpu.memory_space<vmem>>, vector<1024x128xf32>,
    return
  }
  func.func @transform_0(%arg0: i32) -> (i32, i32, i32) {
    %c0_i32 = arith.constant 0 : i32
    %c0_i32_0 = arith.constant 0 : i32
    %c0_i32_1 = arith.constant 0 : i32
    return %c0_i32, %c0_i32_0, %arg0 : i32, i32, i32
  }
  func.func @transform_1(%arg0: i32) -> (i32, i32) {
    %c0_i32 = arith.constant 0 : i32
    %c0_i32_0 = arith.constant 0 : i32
    return %arg0, %c0_i32 : i32, i32
  }
  func.func @transform_2(%arg0: i32) -> (i32, i32) {
    %c0_i32 = arith.constant 0 : i32
    %c0_i32_0 = arith.constant 0 : i32
    return %arg0, %c0_i32 : i32, i32
  }
  func.func @transform_3(%arg0: i32) -> (i32, i32) {
    %c0_i32 = arith.constant 0 : i32
    %c0_i32_0 = arith.constant 0 : i32
    return %arg0, %c0_i32 : i32, i32
  }
  func.func @transform_4(%arg0: i32) -> (i32, i32) {
    %c0_i32 = arith.constant 0 : i32
    %c0_i32_0 = arith.constant 0 : i32
    return %arg0, %c0_i32 : i32, i32
  }
  func.func @transform_5(%arg0: i32) -> i32 {
    %c0_i32 = arith.constant 0 : i32
    %c0_i32_0 = arith.constant 0 : i32
    return %c0_i32 : i32
  }
  func.func @transform_6(%arg0: i32) -> (i32, i32) {
    %c0_i32 = arith.constant 0 : i32
    %c0_i32_0 = arith.constant 0 : i32
    %c0_i32_1 = arith.constant 0 : i32
    return %c0_i32, %c0_i32_0 : i32, i32
  }
  func.func @transform_7(%arg0: i32) -> (i32, i32) {
    %c0_i32 = arith.constant 0 : i32
    %c0_i32_0 = arith.constant 0 : i32
    return %arg0, %c0_i32 : i32, i32
  }
  func.func @transform_8(%arg0: i32) -> (i32, i32) {
    %c0_i32 = arith.constant 0 : i32
    %c0_i32_0 = arith.constant 0 : i32
    return %arg0, %c0_i32 : i32, i32
  }
}

module attributes {stable_mosaic.version = 14 : i64} {
  func.func @_tc5_body(%arg0: i32, %arg1: memref<2x16x1024xf32, #tpu.memory_space<vmem>>, %arg2: memref<1024x128xf32, #tpu.memory_space<vmem>>, %arg3: memref<1024x128xf32, #tpu.memory_space<vmem>>, %arg4: memref<1024x128xf32, #tpu.memory_space<vmem>>, %arg5: memref<1024x128xf32, #tpu.memory_space<vmem>>, %arg6: memref<256xf32, #tpu.memory_space<vmem>>, %arg7: memref<1024x256xf32, #tpu.memory_space<vmem>>) attributes {dimension_semantics = [#tpu.dimension_semantics<arbitrary>], iteration_bounds = array<i64: 10>, scalar_prefetch = 0 : i64, scratch_operands = 0 : i64, tpu.core_type = #tpu.core_type<tc>, window_params = [{transform_indices = @transform_0, window_bounds = array<i64: 2, 16, 1024>}, {transform_indices = @transform_1, window_bounds = array<i64: 1024, 128>}, {transform_indices = @transform_2, window_bounds = array<i64: 1024, 128>}, {transform_indices = @transform_3, window_bounds = array<i64: 1024, 128>}, {transform_indices = @transform_4, window_bounds = array<i64: 1024, 128>}, {pipeline_mode = #tpu.pipeline_mode<synchronous>, transform_indices = @transform_5, window_bounds = array<i64: 256>}, {transform_indices = @transform_6, window_bounds = array<i64: 1024, 256>}]} {
    %get3A = arith.constant 0 : index
    %get3A_0 = arith.constant 0 : index
    %get3A_1 = arith.constant 0 : index
    %get3A_2 = vector.load %arg1[%get3A, %get3A_0, %get3A_1] : memref<2x16x1024xf32, #tpu.memory_space<vmem>>, vector<2x16x1024xf32>
    %reduce_sum3A = arith.constant dense<0.000000e+00> : vector<1024xf32>
    %reduce_sum3A_3 = vector.multi_reduction <add>, %get3A_2, %reduce_sum3A [0, 1] : vector<2x16x1024xf32> to vector<1024xf32>
    %add3A = arith.constant 1.000000e+00 : f32
    %add3A_4 = vector.broadcast %add3A : f32 to vector<1024xf32>
    %add3A_5 = arith.addf %reduce_sum3A_3, %add3A_4 : vector<1024xf32>
    %rsqrt3A = math.rsqrt %add3A_5 : vector<1024xf32>
    %get3A_6 = arith.constant 0 : index
    %get3A_7 = arith.constant 0 : index
    %get3A_8 = vector.load %arg2[%get3A_6, %get3A_7] : memref<1024x128xf32, #tpu.memory_space<vmem>>, vector<1024x128xf32>
    %get3A_9 = arith.constant 0 : index
    %get3A_10 = arith.constant 0 : index
    %get3A_11 = vector.load %arg3[%get3A_9, %get3A_10] : memref<1024x128xf32, #tpu.memory_space<vmem>>, vector<1024x128xf32>
    %concatenate3A = tpu.concatenate %get3A_8, %get3A_11 in 1 : vector<1024x128xf32>, vector<1024x128xf32> -> vector<1024x256xf32>
    %get3A_12 = arith.constant 0 : index
    %get3A_13 = arith.constant 0 : index
    %get3A_14 = vector.load %arg4[%get3A_12, %get3A_13] : memref<1024x128xf32, #tpu.memory_space<vmem>>, vector<1024x128xf32>
    %get3A_15 = arith.constant 0 : index
    %get3A_16 = arith.constant 0 : index
    %get3A_17 = vector.load %arg5[%get3A_15, %get3A_16] : memref<1024x128xf32, #tpu.memory_space<vmem>>, vector<1024x128xf32>
    %concatenate3A_18 = tpu.concatenate %get3A_14, %get3A_17 in 1 : vector<1024x128xf32>, vector<1024x128xf32> -> vector<1024x256xf32>
    %add3A_19 = arith.addf %concatenate3A, %concatenate3A_18 : vector<1024x256xf32>
    %broadcast_in_dim3A = vector.shape_cast %rsqrt3A : vector<1024xf32> to vector<1024x1xf32>
    %mul3A = vector.broadcast %broadcast_in_dim3A : vector<1024x1xf32> to vector<1024x256xf32>
    %mul3A_20 = arith.mulf %add3A_19, %mul3A : vector<1024x256xf32>
    %get3A_21 = arith.constant 0 : index
    %get3A_22 = vector.load %arg6[%get3A_21] : memref<256xf32, #tpu.memory_space<vmem>>, vector<256xf32>
    %broadcast_in_dim3A_23 = vector.shape_cast %get3A_22 : vector<256xf32> to vector<1x256xf32>
    %add3A_24 = vector.broadcast %broadcast_in_dim3A_23 : vector<1x256xf32> to vector<1024x256xf32>
    %add3A_25 = arith.addf %mul3A_20, %add3A_24 : vector<1024x256xf32>
    %swap3A = arith.constant 0 : index
    %swap3A_26 = arith.constant 0 : index
    %swap3A_27 = vector.load %arg7[%swap3A, %swap3A_26] : memref<1024x256xf32, #tpu.memory_space<vmem>>, vector<1024x256xf32>
    tpu.vector_store %arg7[%swap3A, %swap3A_26], %add3A_25 {strides = array<i32>} : memref<1024x256xf32, #tpu.memory_space<vmem>>, vector<1024x256xf32>,
    return
  }
  func.func @transform_0(%arg0: i32) -> (i32, i32, i32) {
    %c0_i32 = arith.constant 0 : i32
    %c0_i32_0 = arith.constant 0 : i32
    %c0_i32_1 = arith.constant 0 : i32
    return %c0_i32, %c0_i32_0, %arg0 : i32, i32, i32
  }
  func.func @transform_1(%arg0: i32) -> (i32, i32) {
    %c0_i32 = arith.constant 0 : i32
    %c0_i32_0 = arith.constant 0 : i32
    return %arg0, %c0_i32 : i32, i32
  }
  func.func @transform_2(%arg0: i32) -> (i32, i32) {
    %c0_i32 = arith.constant 0 : i32
    %c0_i32_0 = arith.constant 0 : i32
    return %arg0, %c0_i32 : i32, i32
  }
  func.func @transform_3(%arg0: i32) -> (i32, i32) {
    %c0_i32 = arith.constant 0 : i32
    %c0_i32_0 = arith.constant 0 : i32
    return %arg0, %c0_i32 : i32, i32
  }
  func.func @transform_4(%arg0: i32) -> (i32, i32) {
    %c0_i32 = arith.constant 0 : i32
    %c0_i32_0 = arith.constant 0 : i32
    return %arg0, %c0_i32 : i32, i32
  }
  func.func @transform_5(%arg0: i32) -> i32 {
    %c0_i32 = arith.constant 0 : i32
    %c0_i32_0 = arith.constant 0 : i32
    return %c0_i32 : i32
  }
  func.func @transform_6(%arg0: i32) -> (i32, i32) {
    %c0_i32 = arith.constant 0 : i32
    %c0_i32_0 = arith.constant 0 : i32
    return %arg0, %c0_i32 : i32, i32
  }
}

</mosaic_0001>

<sc_bundles>
// kernel: kernel.11.cloned.1.call-start
scs
__scs_entry_jumppad:
0x0: {  	(pc) =	sbr.rel $0x88, $3  }
0x1: {  	(tag) =	ssettag $0x0;
	lr =	simm.s32 $0x1  }
0x2: {  	[smem:$0x3F9B] =	sst lr;
	_ =	strace $0xD0000000  }
0x3: {  	_ = 	snop  }
0x4: {  	_ = 	snop  }
0x5: {  	_ = 	snop  }
0x6: {  	_ = 	snop  }
0x7: {  	_ = 	snop  }
__scs_overlays_trampoline_lowered:
0x8: {  	[smem:$0x3FAA] =	sst s0  }
0x9: {  	[smem:$0x3FAB] =	sst s1  }
0xa: {  	[smem:$0x3FAC] =	sst s2  }
0xb: {  	[smem:$0x3FAD] =	sst s3  }
0xc: {  	[smem:$0x3FAE] =	sst s4  }
0xd: {  	[smem:$0x3FAF] =	sst s5  }
0xe: {  	[smem:$0x3FB0] =	sst s6  }
0xf: {  	[smem:$0x3FB1] =	sst s7  }
0x10: {  	[smem:$0x3FB2] =	sst s8  }
0x11: {  	[smem:$0x3FB3] =	sst s9;
	s0 =	simm.s32 @!p0 $0x0  }
0x12: {  	s1 =	sld [smem:$0x3F99];
	s0 =	simm.s32 @p0 $0x1  }
0x13: {  	[smem:$0x3FB4] =	sst s0;
	s0 =	simm.s32 @!p1 $0x0  }
0x14: {  	s2 =	sld [smem:$0x3F98];
	s0 =	simm.s32 @p1 $0x1  }
0x15: {  	[smem:$0x3FB5] =	sst s0;
	s0 =	simm.s32 @!p2 $0x0  }
0x16: {  	s3 =	sld [smem:$0x3FDB];
	s0 =	simm.s32 @p2 $0x1  }
0x17: {  	s4 =	simm.s32 $0x1BF5;
	[smem:$0x3FB7] =	sst s0  }
0x18: {  	s0 =	sld [smem:$0x3F9A];
	_ =	swait.ge [sflag:s4], $0x0  }
0x19: {  	s7 =	sld [smem:$0x3F9B]  }
0x1a: {  	s8 =	sadd.s32 $0xFFFFE003, lr  }
0x1b: {  	s9 =	sadd.s32 $0xFFFFFEF7, lr;
	s5 =	simm.s32 $0xFFFFFFFF;
	p2 =	slt.u32 s8, $0xFFFFF086  }
0x1c: {  	p1 =	slt.u32 s9, $0xF7A;
	s5 =	simm.s32 @!p2 $0x0  }
0x1d: {  	s5 =	simm.s32 @p1 $0x1;
	p0 =	seq.s32 s7, s2  }
0x1e: {  	s7 =	smul.u32 @!p0 $0xF7A, s2;
	p2 =	seq.s32 @!p0 s5, $0x0  }
0x1f: {  	s9 =	smul.u32 $0xF7A, s1;
	s8 =	simm.s32 @!p0 $0x1BF5;
	p2 =	por !p2, p0  }
0x20: {  	[sflag:s8] =	ssyncset.s32 @!p0 $0xFFFFF086;
	s6 =	sadd.s32 @!p0 s3, s7;
	s7 =	simm.s32 @!p0 $0x108  }
0x21: {  	s3 =	sadd.s32 s3, s9;
	s6 =	sadd.s32 @!p0 $0x88, s6;
	s7 =	simm.s32 @p2 $0x1082  }
0x22: {  	[simem:s7], [sflag:s8] =	dma.local @!p0 [hbm:s6], $0xF7A  }
0x23: {  	s9 =	sor.u32 $0xD0000000, s2;
	s6 =	simm.s32 $0x108;
	_ =	swait.ge @!p0 [sflag:s8], $0x0  }
0x24: {  	s3 =	sadd.s32 $0x88, s3;
	s6 =	simm.s32 @!p1 $0x1082;
	[sflag:s4] =	ssyncset.s32 $0xFFFFF086  }
0x25: {  	[simem:s6], [sflag:s4] =	dma.local [hbm:s3], $0xF7A  }
0x26: {  	[smem:$0x3F9B] =	sst s1;
	(tag) =	ssettag s2;
	_ =	strace s9  }
0x27: {  	s1 =	sld [smem:$0x3FAB]  }
0x28: {  	s2 =	sld [smem:$0x3FAC]  }
0x29: {  	s4 =	sld [smem:$0x3FAE]  }
0x2a: {  	p0 =	seq.s32 s5, $0x0;
	s5 =	sld [smem:$0x3FAF]  }
0x2b: {  	s6 =	sld [smem:$0x3FB0]  }
0x2c: {  	s7 =	sld [smem:$0x3FB1]  }
0x2d: {  	s3 =	simm.s32 $0x108;
	s8 =	sld [smem:$0x3FB2]  }
0x2e: {  	s3 =	simm.s32 @!p0 $0x1082;
	s9 =	sld [smem:$0x3FB3]  }
0x2f: {  	lr =	sadd.s32 s0, s3;
	s0 =	sld [smem:$0x3FAA]  }
0x30: {  	s3 =	sld [smem:$0x3FAD]  }
0x31: {  	[smem:$0x3FB6] =	sst s10  }
0x32: {  	s10 =	sld [smem:$0x3FB4];
	_ =	sdelay $0x3  }
0x33: {  	p0 =	seq.s32 s10, $0x1;
	s10 =	sld [smem:$0x3FB6];
	_ =	sdelay $0x3  }
0x34: {  	[smem:$0x3FB6] =	sst s10  }
0x35: {  	s10 =	sld [smem:$0x3FB5];
	_ =	sdelay $0x3  }
0x36: {  	p1 =	seq.s32 s10, $0x1;
	s10 =	sld [smem:$0x3FB6];
	_ =	sdelay $0x3  }
0x37: {  	[smem:$0x3FB6] =	sst s10  }
0x38: {  	s10 =	sld [smem:$0x3FB7]  }
0x39: {  	_ = 	snop;
	(pc) =	sbr.ind lr, $3  }
0x3a: {  	_ = 	snop  }
0x3b: {  	_ = 	snop  }
0x3c: {  	p2 =	seq.s32 s10, $0x1;
	s10 =	sld [smem:$0x3FB6]  }
0x3d: {  	_ =	shalt  }
0x3e: {  	_ =	shalt  }
0x3f: {  	_ =	shalt  }
0x40: {  	_ =	shalt  }
0x41: {  	_ =	shalt  }
0x42: {  	_ =	shalt  }
0x43: {  	_ =	shalt  }
0x44: {  	_ =	shalt  }
0x45: {  	_ =	shalt  }
0x46: {  	_ =	shalt  }
0x47: {  	_ =	shalt  }
0x48: {  	_ =	shalt  }
0x49: {  	_ =	shalt  }
0x4a: {  	_ =	shalt  }
0x4b: {  	_ =	shalt  }
0x4c: {  	_ =	shalt  }
0x4d: {  	_ =	shalt  }
0x4e: {  	_ =	shalt  }
0x4f: {  	_ =	shalt  }
0x50: {  	_ =	shalt  }
0x51: {  	_ =	shalt  }
0x52: {  	_ =	shalt  }
0x53: {  	_ =	shalt  }
0x54: {  	_ =	shalt  }
0x55: {  	_ =	shalt  }
0x56: {  	_ =	shalt  }
0x57: {  	_ =	shalt  }
0x58: {  	_ =	shalt  }
0x59: {  	_ =	shalt  }
0x5a: {  	_ =	shalt  }
0x5b: {  	_ =	shalt  }
0x5c: {  	_ =	shalt  }
0x5d: {  	_ =	shalt  }
0x5e: {  	_ =	shalt  }
0x5f: {  	_ =	shalt  }
0x60: {  	_ =	shalt  }
0x61: {  	_ =	shalt  }
0x62: {  	_ =	shalt  }
0x63: {  	_ =	shalt  }
0x64: {  	_ =	shalt  }
0x65: {  	_ =	shalt  }
0x66: {  	_ =	shalt  }
0x67: {  	_ =	shalt  }
0x68: {  	_ =	shalt  }
0x69: {  	_ =	shalt  }
0x6a: {  	_ =	shalt  }
0x6b: {  	_ =	shalt  }
0x6c: {  	_ =	shalt  }
0x6d: {  	_ =	shalt  }
0x6e: {  	_ =	shalt  }
0x6f: {  	_ =	shalt  }
0x70: {  	_ =	shalt  }
0x71: {  	_ =	shalt  }
0x72: {  	_ =	shalt  }
0x73: {  	_ =	shalt  }
0x74: {  	_ =	shalt  }
0x75: {  	_ =	shalt  }
0x76: {  	_ =	shalt  }
0x77: {  	_ =	shalt  }
0x78: {  	_ =	shalt  }
0x79: {  	_ =	shalt  }
0x7a: {  	_ =	shalt  }
0x7b: {  	_ =	shalt  }
0x7c: {  	_ =	shalt  }
0x7d: {  	_ =	shalt  }
0x7e: {  	_ =	shalt  }
0x7f: {  	_ =	shalt  }
0x80: {  	_ =	shalt  }
0x81: {  	_ =	shalt  }
0x82: {  	_ =	shalt  }
0x83: {  	_ =	shalt  }
0x84: {  	_ =	shalt  }
0x85: {  	_ =	shalt  }
0x86: {  	_ =	shalt  }
0x87: {  	_ =	shalt  }
.Lfunc_end0:
.L_simem_size_0:
called_computation.1_lowered:
.L_overlay_start_0:
0x88: {  	s2 =	sld [smem:$0x3FD9]  }
0x89: {  	s3 =	sld [smem:$0x3FFE];
	_ =	sdelay $0x1  }
0x8a: {  	s1 =	srdreg.scid  }
0x8b: {  	s0 =	sand.u32 $0x1, s1  }
0x8c: {  	s17 =	sshll.u32 s0, $0xA;
	s2 =	sadd.s32 s3, s2  }
0x8d: {  	s2 =	sadd.s32 s2, s17  }
0x8e: {  	[smem:$0x3FC2] =	sst s2  }
0x8f: {  	_ = 	snop  }
0x90: {  	s2 =	sld [smem:$0x3FD0];
	(tm) =	ssettm $0x1  }
0x91: {  	s18 =	sld [smem:$0x3FFB];
	_ =	sdelay $0x3  }
0x92: {  	_ =	strace s18  }
0x93: {  	s3 =	sld [smem:$0x3FFC];
	_ =	sdelay $0x3  }
0x94: {  	_ =	strace s3  }
0x95: {  	s3 =	sld [smem:$0x3FFD];
	_ =	sdelay $0x3  }
0x96: {  	_ =	strace s3  }
0x97: {  	_ =	strace $0x8FFFFFFF  }
0x98: {  	s19 =	sld [smem:$0x3FDB];
	_ =	sdelay $0x1  }
0x99: {  	s4 =	simm.s32 $_scs_section_size  }
0x9a: {  	s5 =	simm.s32 $_size__tile_overlayer_lowered;
	s6 =	simm.s32 $_tile_overlayer_lowered  }
0x9b: {  	s22 =	simm.s32 $0x1BFF;
	s21 =	sshll.u32 s6, $0x1;
	s3 =	sadd.s32 s4, s19  }
0x9c: {  	s7 =	simm.s32 $0x0;
	s20 =	sshll.u32 s5, $0x1;
	s5 =	sadd.s32 s21, s3  }
0x9d: {  	[timem:s7], [sflag:s22] =	dma.local [hbm:s5], s20  }
0x9e: {  	_ =	swait.ge [sflag:s22], s20  }
0x9f: {  	s4 =	ssub.s32 $0x0, s20;
	[sflag:s22] =	ssyncset.done $0x0  }
0xa0: {  	[sflag:s22] =	ssyncadd.s32 s4;
	_ =	sdelay $0x1  }
0xa1: {  	s23 =	simm.s32 $0x1B8B  }
0xa2: {  	_ =	swait.ge [sflag:s23], $0x1  }
0xa3: {  	[sflag:s23] =	ssyncset.done $0x0  }
0xa4: {  	s25 =	simm.s32 $0x1B8E;
	s24 =	sld [smem:$0x3FFE];
	[sflag:s23] =	ssyncadd.s32 $0xFFFFFFFF  }
0xa5: {  	s26 =	simm.s32 $execute0_lowered;
	[smem:$0x3FD2] =	sst s25  }
0xa6: {  	s5 =	sshll.u32 s26, $0x1;
	_ =	strace $0x80000049;
	[dreg:$0x1] =	wrdreg $0xFFFFFFFF  }
0xa7: {  	s28 =	simm.s32 $_size_execute0_lowered;
	s3 =	sadd.s32 s3, s5;
	[dreg:$0x0] =	wrdreg $0x0  }
0xa8: {  	s5 =	sshll.u32 s28, $0x1;
	[dreg:$0x2] =	wrdreg s3  }
0xa9: {  	[dreg:$0x3] =	wrdreg s5  }
0xaa: {  	[dreg:$0x4] =	wrdreg $0xC0  }
0xab: {  	_ =	task [dreg:s7], $0x5FFFF  }
0xac: {  	[dreg:$0x1] =	wrdreg $0xFFFFFFFF  }
0xad: {  	[dreg:$0x0] =	wrdreg $0x60  }
0xae: {  	[dreg:$0x2] =	wrdreg s2  }
0xaf: {  	[dreg:$0x3] =	wrdreg s24  }
0xb0: {  	[dreg:$0x4] =	wrdreg $0x82000  }
0xb1: {  	[dreg:$0x5] =	wrdreg $0x9  }
0xb2: {  	_ =	task.clear_ibuf [dreg:s7], $0x6FFFF;
	_ =	strace $0x90000049  }
0xb3: {  	s29 =	simm.s32 $0x9;
	_ =	strace $0x8000004B  }
0xb4: {  	_ =	swait.ge [sflag:s29], $0x1  }
0xb5: {  	[sflag:s29] =	ssyncadd.s32 $0xFFFFFFFF  }
0xb6: {  	_ =	strace $0x9000004B  }
0xb7: {  	_ =	sfence  }
0xb8: {  	s30 =	sld [smem:$0x0];
	_ =	sdelay $0x2  }
0xb9: {  	s31 =	sshll.u32 s1, $0xD;
	s1 =	sshrl.u32 s1, $0x2  }
0xba: {  	s3 =	sand.u32 $0x4000, s31;
	s1 =	sadd.s32 s1, s30  }
0xbb: {  	s0 =	sor.u32 s3, s0;
	s1 =	sshll.u32 s1, $0x11  }
0xbc: {  	s0 =	sor.u32 s1, s0  }
0xbd: {  	s0 =	sadd.s32 $0x8F2B, s0  }
0xbe: {  	[sflag:s0] =	ssyncadd.remote.s32 $0x1  }
0xbf: {  	_ =	sfence.sel $0xFFFF  }
0xc0: {  	[dreg:$0x0] =	wrdreg $0xFFFFFFFF;
	(pc) =	sbr.abs _section_cstart, $3  }
0xc1: {  	[dreg:$0x1] =	wrdreg $0xFFFFFFFF  }
0xc2: {  	_ =	task.clear_ibuf [dreg:s7], $0x2FFFF;
	_ =	strace $0x9FFFFFFF  }
0xc3: {  	(tm) =	ssettm $0x7FFFFFFF  }
tec
execute0_lowered:
.L_overlay_start_1:
0x0: {  	(tag) =	ssettag $0x1  }
0x1: {  	s1 =	rddreg [dreg:$0x0]  }
0x2: {  	s0 =	rddreg [dreg:$0x1]  }
0x3: {  	s2 =	rddreg [dreg:$0x2]  }
0x4: {  	s3 =	simm.s32 $0x0;
	s4 =	srdreg.scid;
	s13 =	stileid.u32  }
0x5: {  	s28 =	simm.s32 $0x7;
	s29 =	simm.s32 $0x100;
	s30 =	simm.s32 $0x80  }
0x6: {  	s31 =	simm.s32 $0x180;
	[smem:$0x7FF] =	sst s3;
	s5 =	sadd.s32 $0xD200, s0  }
0x7: {  	s6 =	sadd.s32 $0x3200, s0;
	s7 =	sadd.s32 $0x8200, s0;
	s4 =	sand.u32 $0x1, s4  }
0x8: {  	s8 =	sadd.s32 $0x35200, s0;
	s9 =	smul.u32 $0x280, s13;
	s10 =	sadd.s32 $0x35A00, s0  }
0x9: {  	s11 =	smul.u32 $0x50000, s13;
	_ =	strace $0x8000004A;
	[dreg:$0x4] =	wrdreg s8  }
0xa: {  	s0 =	sadd.s32 $0x5DA00, s0;
	s13 =	smul.u32 $0x2800, s13;
	[dreg:$0x5] =	wrdreg s10  }
0xb: {  	s20 =	ssub.s32 $0x2, s4;
	[dreg:$0x6] =	wrdreg s0;
	p0 =	seq.s32 s4, $0x1  }
0xc: {  	s4 =	simm.s32 $0x6;
	s10 =	simm.s32 $0x2;
	s8 =	simm.s32 $0x3  }
0xd: {  	s21 =	sshrl.u32 s20, $0x1;
	s22 =	sadd.s32 $0x80, s9;
	s23 =	sshrl.u32 s11, $0x2  }
0xe: {  	s17 =	sadd.s32 $0x100, s9;
	s18 =	sadd.s32 $0x180, s9;
	s9 =	sadd.s32 $0x200, s9  }
0xf: {  	s26 =	sshrl.u32 s13, $0x3;
	s0 =	ssub.s32 s20, s21;
	s12 =	sshll.u32 s22, $0x7  }
0x10: {  	s11 =	sadd.s32 s23, s2;
	s24 =	sshll.u32 s17, $0x7;
	s25 =	sshll.u32 s18, $0x7  }
0x11: {  	s16 =	sshll.u32 s9, $0x7;
	s19 =	sadd.s32 s6, s26;
	s20 =	sadd.s32 s7, s26  }
0x12: {  	s21 =	sshll.u32 s22, $0x4;
	s22 =	sshll.u32 s17, $0x4;
	[dreg:$0x7] =	wrdreg s19  }
0x13: {  	s23 =	sshll.u32 s18, $0x4;
	s17 =	simm.s32 $0x5;
	[dreg:$0x8] =	wrdreg s20  }
0x14: {  	s18 =	simm.s32 $0x4;
	s12 =	sadd.s32 s12, s2;
	[dreg:$0x9] =	wrdreg s21  }
0x15: {  	s14 =	sadd.s32 s24, s2;
	s15 =	sadd.s32 s25, s2;
	[dreg:$0xa] =	wrdreg s22  }
.Ltmp0:
0x16: {  	s16 =	sadd.s32 s16, s2;
	[dreg:$0xb] =	wrdreg s23;
	(pc) =	sbr.rel .LBB2_1-.Ltmp0, $4  }
0x17: {  	s24 =	sshll.u32 s9, $0x4;
	s0 =	smax.u32 s0, $0x1;
	s25 =	sadd.s32 $0x4F0, s26  }
0x18: {  	s9 =	simm.s32 $0x4200;
	s19 =	simm.s32 $0x0;
	[dreg:$0xc] =	wrdreg s24  }
0x19: {  	[dreg:$0xd] =	wrdreg s0;
	s26 =	sadd.s32 s7, s25;
	s25 =	sadd.s32 s6, s25  }
0x1a: {  	s0 =	simm.s32 $0x1;
	[dreg:$0xe] =	wrdreg s26;
	s26 =	simm.s32 $0x200  }
.LBB2_7:
0x1b: {  	[sflag:s17] =	ssyncadd.s32 $0xFFFFFF80  }
0x1c: {  	[tilespmem:s26], [sflag:$0x1] =	stream.indirect.gather [hbm4b:s5+s30], $0x80, s3, s30, $0xb8;
	[tilespmem:$0x1C200] =	vst v63  }
0x1d: {  	_ =	swait.ge [sflag:s18], $0x4000  }
0x1e: {  	[sflag:s18] =	ssyncset.done $0x0  }
0x1f: {  	s21 =	sadd.s32 s6, s22;
	[sflag:s18] =	ssyncadd.s32 $0xFFFFC000  }
0x20: {  	[tilespmem:s30], [sflag:$0x6] =	stream.linear.gather [hbm4b:s21+s3], $0x80, $0x38;
	[tilespmem:$0x1C200] =	vst v63  }
0x21: {  	s24 =	sadd.s32 s7, s22  }
0x22: {  	[tilespmem:s31], [sflag:$0x6] =	stream.linear.gather [hbm4b:s24+s3], $0x80, $0x38;
	[tilespmem:$0x1C200] =	vst v63  }
0x23: {  	_ =	swait.ge [sflag:s0], $0x4000  }
0x24: {  	[sflag:s0] =	ssyncset.done $0x0  }
0x25: {  	[sflag:s0] =	ssyncadd.s32 $0xFFFFC000  }
0x26: {  	_ =	swait.ge [sflag:s4], $0x80  }
0x27: {  	[sflag:s4] =	ssyncset.done $0x0  }
0x28: {  	[sflag:s4] =	ssyncadd.s32 $0xFFFFFF80  }
0x29: {  	_ =	swait.ge [sflag:s4], $0x80  }
0x2a: {  	[sflag:s4] =	ssyncset.done $0x0  }
0x2b: {  	[sflag:s4] =	ssyncadd.s32 $0xFFFFFF80  }
0x2c: {  	[tilespmem:s9], [sflag:$0x2] =	stream.indirect.gather [hbm4b:s5+s30], $0x80, s30, s30, $0xb8;
	[tilespmem:$0x1C200] =	vst v63  }
0x2d: {  	_ = 	snop  }
0x2e: {  	[spmem:s2] =	stream.indirect.scatter.add.f32 [tilespmem:s26], [sflag:$0x3], $0x80, s29, s30, $0xb8;
	[tilespmem:$0x1C200] =	vst v63  }
0x2f: {  	_ =	swait.ge [sflag:s10], $0x4000  }
0x30: {  	s22 =	sand.u32 $0x7C00, s20;
	[sflag:s10] =	ssyncset.done $0x0  }
0x31: {  	s23 =	sand.u32 $0x300, s20;
	s21 =	sadd.s32 s13, s22;
	[sflag:s10] =	ssyncadd.s32 $0xFFFFC000  }
0x32: {  	[spmem:s2] =	stream.indirect.scatter.add.f32 [tilespmem:s9], [sflag:$0x4], $0x80, s31, s30, $0xb8;
	[tilespmem:$0x1C200] =	vst v63  }
0x33: {  	s20 =	sor.u32 s23, s21;
	_ =	swait.ge [sflag:s8], $0x4000  }
0x34: {  	s20 =	sshrl.u32 s20, $0x3;
	[sflag:s8] =	ssyncset.done $0x0  }
0x35: {  	s24 =	sadd.s32 s6, s20;
	[sflag:s8] =	ssyncadd.s32 $0xFFFFC000  }
0x36: {  	[tilespmem:s3], [sflag:$0x5] =	stream.linear.gather [hbm4b:s24+s3], $0x80, $0x38;
	[tilespmem:$0x1C200] =	vst v63  }
0x37: {  	s20 =	sadd.s32 s7, s20  }
0x38: {  	[tilespmem:s29], [sflag:$0x5] =	stream.linear.gather [hbm4b:s20+s3], $0x80, $0x38;
	[tilespmem:$0x1C200] =	vst v63  }
0x39: {  	_ =	swait.ge [sflag:s17], $0x80  }
0x3a: {  	[sflag:s17] =	ssyncset.done $0x0  }
0x3b: {  	[sflag:s17] =	ssyncadd.s32 $0xFFFFFF80  }
0x3c: {  	_ =	swait.ge [sflag:s17], $0x80  }
0x3d: {  	[sflag:s17] =	ssyncset.done $0x0  }
0x3e: {  	[sflag:s17] =	ssyncadd.s32 $0xFFFFFF80  }
0x3f: {  	[tilespmem:s26], [sflag:$0x1] =	stream.indirect.gather [hbm4b:s5+s30], $0x80, s3, s30, $0xb8;
	[tilespmem:$0x1C200] =	vst v63  }
0x40: {  	_ =	swait.ge [sflag:s18], $0x4000  }
0x41: {  	[sflag:s18] =	ssyncset.done $0x0  }
0x42: {  	s21 =	smov.u32 s5;
	s20 =	rddreg [dreg:$0x6];
	[sflag:s18] =	ssyncadd.s32 $0xFFFFC000  }
.LBB2_8:
0x43: {  	[tilespmem:s30], [sflag:$0x6] =	stream.linear.gather [hbm4b:s25+s3], $0x80, $0x38;
	[tilespmem:$0x1C200] =	vst v63  }
0x44: {  	s22 =	rddreg [dreg:$0xe]  }
0x45: {  	[tilespmem:s31], [sflag:$0x6] =	stream.linear.gather [hbm4b:s22+s3], $0x80, $0x38;
	[tilespmem:$0x1C200] =	vst v63  }
0x46: {  	_ =	swait.ge [sflag:s0], $0x4000  }
0x47: {  	[sflag:s0] =	ssyncset.done $0x0  }
0x48: {  	[sflag:s0] =	ssyncadd.s32 $0xFFFFC000  }
0x49: {  	_ =	swait.ge [sflag:s4], $0x80  }
0x4a: {  	[sflag:s4] =	ssyncset.done $0x0  }
0x4b: {  	[sflag:s4] =	ssyncadd.s32 $0xFFFFFF80  }
0x4c: {  	_ =	swait.ge [sflag:s4], $0x80  }
0x4d: {  	[sflag:s4] =	ssyncset.done $0x0  }
0x4e: {  	[sflag:s4] =	ssyncadd.s32 $0xFFFFFF80  }
0x4f: {  	[tilespmem:s9], [sflag:$0x2] =	stream.indirect.gather [hbm4b:s21+s30], $0x80, s30, s30, $0xb8;
	[tilespmem:$0x1C200] =	vst v63  }
0x50: {  	_ = 	snop  }
0x51: {  	[spmem:s2] =	stream.indirect.scatter.add.f32 [tilespmem:s26], [sflag:$0x3], $0x80, s29, s30, $0xb8;
	[tilespmem:$0x1C200] =	vst v63  }
0x52: {  	_ =	swait.ge [sflag:s10], $0x4000  }
0x53: {  	[sflag:s10] =	ssyncset.done $0x0  }
0x54: {  	[sflag:s10] =	ssyncadd.s32 $0xFFFFC000  }
0x55: {  	[spmem:s2] =	stream.indirect.scatter.add.f32 [tilespmem:s9], [sflag:$0x4], $0x80, s31, s30, $0xb8;
	[tilespmem:$0x1C200] =	vst v63  }
0x56: {  	_ =	swait.ge [sflag:s8], $0x4000  }
0x57: {  	[sflag:s8] =	ssyncset.done $0x0  }
0x58: {  	[sflag:s8] =	ssyncadd.s32 $0xFFFFC000  }
0x59: {  	_ =	swait.ge [sflag:s18], $0x4000  }
0x5a: {  	[sflag:s18] =	ssyncset.done $0x0  }
0x5b: {  	[sflag:s18] =	ssyncadd.s32 $0xFFFFC000  }
0x5c: {  	[bflag:$0x0] =	sbarrier.arrive $0xFFFF  }
0x5d: {  	[tilespmem:s26], [sflag:$0x7] =	stream.linear.gather [spmem:s11], $0x4000, $0x38;
	[tilespmem:$0x1C200] =	vst v63  }
0x5e: {  	_ =	swait.ge [sflag:s28], $0x4000  }
0x5f: {  	[sflag:s28] =	ssyncset.done $0x0  }
0x60: {  	s24 =	sadd.s32 s20, s13;
	[sflag:s28] =	ssyncadd.s32 $0xFFFFC000  }
0x61: {  	[hbm4b:s24+s3] =	stream.linear.scatter [tilespmem:s26], [sflag:$0x7], $0x4000, $0x38;
	[tilespmem:$0x1C200] =	vst v63  }
0x62: {  	_ =	swait.ge [sflag:s28], $0x4000  }
0x63: {  	[sflag:s28] =	ssyncset.done $0x0  }
0x64: {  	[sflag:s28] =	ssyncadd.s32 $0xFFFFC000  }
0x65: {  	[tilespmem:s26], [sflag:$0x7] =	stream.linear.gather [spmem:s12], $0x4000, $0x38;
	[tilespmem:$0x1C200] =	vst v63  }
0x66: {  	_ =	swait.ge [sflag:s28], $0x4000  }
0x67: {  	[sflag:s28] =	ssyncset.done $0x0;
	s22 =	rddreg [dreg:$0x9]  }
0x68: {  	s21 =	sadd.s32 s20, s22;
	[sflag:s28] =	ssyncadd.s32 $0xFFFFC000  }
0x69: {  	[hbm4b:s21+s3] =	stream.linear.scatter [tilespmem:s26], [sflag:$0x7], $0x4000, $0x38;
	[tilespmem:$0x1C200] =	vst v63  }
0x6a: {  	_ =	swait.ge [sflag:s28], $0x4000  }
0x6b: {  	[sflag:s28] =	ssyncset.done $0x0  }
0x6c: {  	[sflag:s28] =	ssyncadd.s32 $0xFFFFC000  }
0x6d: {  	[tilespmem:s26], [sflag:$0x7] =	stream.linear.gather [spmem:s14], $0x4000, $0x38;
	[tilespmem:$0x1C200] =	vst v63  }
0x6e: {  	_ =	swait.ge [sflag:s28], $0x4000  }
0x6f: {  	[sflag:s28] =	ssyncset.done $0x0;
	s23 =	rddreg [dreg:$0xa]  }
0x70: {  	s21 =	sadd.s32 s20, s23;
	[sflag:s28] =	ssyncadd.s32 $0xFFFFC000  }
0x71: {  	[hbm4b:s21+s3] =	stream.linear.scatter [tilespmem:s26], [sflag:$0x7], $0x4000, $0x38;
	[tilespmem:$0x1C200] =	vst v63  }
0x72: {  	_ =	swait.ge [sflag:s28], $0x4000  }
0x73: {  	[sflag:s28] =	ssyncset.done $0x0  }
0x74: {  	[sflag:s28] =	ssyncadd.s32 $0xFFFFC000  }
0x75: {  	[tilespmem:s26], [sflag:$0x7] =	stream.linear.gather [spmem:s15], $0x4000, $0x38;
	[tilespmem:$0x1C200] =	vst v63  }
0x76: {  	_ =	swait.ge [sflag:s28], $0x4000  }
0x77: {  	[sflag:s28] =	ssyncset.done $0x0;
	s24 =	rddreg [dreg:$0xb]  }
0x78: {  	s21 =	sadd.s32 s20, s24;
	[sflag:s28] =	ssyncadd.s32 $0xFFFFC000  }
0x79: {  	[hbm4b:s21+s3] =	stream.linear.scatter [tilespmem:s26], [sflag:$0x7], $0x4000, $0x38;
	[tilespmem:$0x1C200] =	vst v63  }
0x7a: {  	_ =	swait.ge [sflag:s28], $0x4000  }
0x7b: {  	[sflag:s28] =	ssyncset.done $0x0  }
0x7c: {  	[sflag:s28] =	ssyncadd.s32 $0xFFFFC000  }
0x7d: {  	[tilespmem:s26], [sflag:$0x7] =	stream.linear.gather [spmem:s16], $0x4000, $0x38;
	[tilespmem:$0x1C200] =	vst v63  }
0x7e: {  	_ =	swait.ge [sflag:s28], $0x4000  }
0x7f: {  	[sflag:s28] =	ssyncset.done $0x0;
	s22 =	rddreg [dreg:$0xc]  }
0x80: {  	s23 =	sadd.s32 s20, s22;
	[sflag:s28] =	ssyncadd.s32 $0xFFFFC000  }
0x81: {  	[hbm4b:s23+s3] =	stream.linear.scatter [tilespmem:s26], [sflag:$0x7], $0x4000, $0x38;
	[tilespmem:$0x1C200] =	vst v63  }
0x82: {  	_ =	swait.ge [sflag:s28], $0x4000  }
0x83: {  	s19 =	sadd.s32 $0x1, s19;
	s24 =	rddreg [dreg:$0xd]  }
0x84: {  	p1 =	sne.s32 s19, s24  }
.Ltmp1:
0x85: {  	_ = 	snop;
	(pc) =	sbr.rel @!p1 .LBB2_9-.Ltmp1, $3  }
0x86: {  	_ =	sdelay $0x1  }
0x87: {  	[sflag:s28] =	ssyncset.done $0x0  }
0x88: {  	[sflag:s28] =	ssyncadd.s32 $0xFFFFC000  }
.LBB2_1:
0x89: {  	s20 =	rddreg [dreg:$0x4]  }
0x8a: {  	[tilespmem:s26], [sflag:$0x7] =	stream.linear.gather [hbm4b:s20+s3], $0x4000, $0x38;
	[tilespmem:$0x1C200] =	vst v63  }
0x8b: {  	_ =	swait.ge [sflag:s28], $0x4000  }
0x8c: {  	[sflag:s28] =	ssyncset.done $0x0  }
0x8d: {  	[sflag:s28] =	ssyncadd.s32 $0xFFFFC000  }
0x8e: {  	[spmem:s11] =	stream.linear.scatter [tilespmem:s26], [sflag:$0x7], $0x4000, $0x38;
	[tilespmem:$0x1C200] =	vst v63  }
0x8f: {  	_ =	swait.ge [sflag:s28], $0x4000  }
0x90: {  	[sflag:s28] =	ssyncset.done $0x0  }
0x91: {  	[sflag:s28] =	ssyncadd.s32 $0xFFFFC000  }
0x92: {  	[spmem:s12] =	stream.linear.scatter [tilespmem:s26], [sflag:$0x7], $0x4000, $0x38;
	[tilespmem:$0x1C200] =	vst v63  }
0x93: {  	_ =	swait.ge [sflag:s28], $0x4000  }
0x94: {  	[sflag:s28] =	ssyncset.done $0x0  }
0x95: {  	[sflag:s28] =	ssyncadd.s32 $0xFFFFC000  }
0x96: {  	[spmem:s14] =	stream.linear.scatter [tilespmem:s26], [sflag:$0x7], $0x4000, $0x38;
	[tilespmem:$0x1C200] =	vst v63  }
0x97: {  	_ =	swait.ge [sflag:s28], $0x4000  }
0x98: {  	[sflag:s28] =	ssyncset.done $0x0  }
0x99: {  	[sflag:s28] =	ssyncadd.s32 $0xFFFFC000  }
0x9a: {  	[spmem:s15] =	stream.linear.scatter [tilespmem:s26], [sflag:$0x7], $0x4000, $0x38;
	[tilespmem:$0x1C200] =	vst v63  }
0x9b: {  	_ =	swait.ge [sflag:s28], $0x4000  }
0x9c: {  	[sflag:s28] =	ssyncset.done $0x0  }
0x9d: {  	[sflag:s28] =	ssyncadd.s32 $0xFFFFC000  }
0x9e: {  	[spmem:s16] =	stream.linear.scatter [tilespmem:s26], [sflag:$0x7], $0x4000, $0x38;
	[tilespmem:$0x1C200] =	vst v63  }
0x9f: {  	_ =	swait.ge [sflag:s28], $0x4000  }
0xa0: {  	[sflag:s28] =	ssyncset.done $0x0  }
0xa1: {  	[sflag:s28] =	ssyncadd.s32 $0xFFFFC000  }
0xa2: {  	[bflag:$0x0] =	sbarrier.arrive $0xFFFF  }
0xa3: {  	s23 =	rddreg [dreg:$0x7]  }
0xa4: {  	[tilespmem:s3], [sflag:$0x7] =	stream.linear.gather [hbm4b:s23+s3], $0x80, $0x38;
	[tilespmem:$0x1C200] =	vst v63  }
0xa5: {  	_ =	swait.ge [sflag:s28], $0x80  }
0xa6: {  	[sflag:s28] =	ssyncset.done $0x0  }
.Ltmp2:
0xa7: {  	s24 =	rddreg [dreg:$0x8];
	[sflag:s28] =	ssyncadd.s32 $0xFFFFFF80;
	(pc) =	sbr.rel @!p0 .LBB2_2-.Ltmp2, $4  }
0xa8: {  	[tilespmem:s29], [sflag:$0x7] =	stream.linear.gather [hbm4b:s24+s3], $0x80, $0x38;
	[tilespmem:$0x1C200] =	vst v63  }
0xa9: {  	_ =	swait.ge [sflag:s28], $0x80  }
0xaa: {  	[sflag:s28] =	ssyncset.done $0x0  }
0xab: {  	[sflag:s28] =	ssyncadd.s32 $0xFFFFFF80  }
0xac: {  	[tilespmem:s26], [sflag:$0x1] =	stream.indirect.gather [hbm4b:s5+s30], $0x80, s3, s30, $0xb8;
	[tilespmem:$0x1C200] =	vst v63  }
0xad: {  	s20 =	simm.s32 $0x0  }
0xae: {  	s21 =	sand.u32 $0x3C00, s20  }
0xaf: {  	s20 =	sand.u32 $0x300, s20;
	s21 =	sadd.s32 s13, s21  }
0xb0: {  	s20 =	sor.u32 s21, s20  }
0xb1: {  	s20 =	sor.u32 $0x80, s20  }
0xb2: {  	s20 =	sshrl.u32 s20, $0x3  }
0xb3: {  	s22 =	sadd.s32 s6, s20  }
0xb4: {  	[tilespmem:s30], [sflag:$0x6] =	stream.linear.gather [hbm4b:s22+s3], $0x80, $0x38;
	[tilespmem:$0x1C200] =	vst v63  }
0xb5: {  	s20 =	sadd.s32 s7, s20  }
0xb6: {  	[tilespmem:s31], [sflag:$0x6] =	stream.linear.gather [hbm4b:s20+s3], $0x80, $0x38;
	[tilespmem:$0x1C200] =	vst v63  }
0xb7: {  	_ =	swait.ge [sflag:s0], $0x4000  }
0xb8: {  	[sflag:s0] =	ssyncset.done $0x0  }
0xb9: {  	[sflag:s0] =	ssyncadd.s32 $0xFFFFC000  }
0xba: {  	_ =	swait.ge [sflag:s4], $0x80  }
0xbb: {  	[sflag:s4] =	ssyncset.done $0x0  }
0xbc: {  	[sflag:s4] =	ssyncadd.s32 $0xFFFFFF80  }
0xbd: {  	_ =	swait.ge [sflag:s4], $0x80  }
0xbe: {  	[sflag:s4] =	ssyncset.done $0x0  }
0xbf: {  	[sflag:s4] =	ssyncadd.s32 $0xFFFFFF80  }
0xc0: {  	[tilespmem:s9], [sflag:$0x2] =	stream.indirect.gather [hbm4b:s5+s30], $0x80, s30, s30, $0xb8;
	[tilespmem:$0x1C200] =	vst v63  }
0xc1: {  	_ = 	snop  }
0xc2: {  	[spmem:s2] =	stream.indirect.scatter.add.f32 [tilespmem:s26], [sflag:$0x3], $0x80, s29, s30, $0xb8;
	[tilespmem:$0x1C200] =	vst v63  }
0xc3: {  	s23 =	simm.s32 $0x100;
	_ =	swait.ge [sflag:s10], $0x4000  }
0xc4: {  	s24 =	sand.u32 $0x7C00, s23;
	[sflag:s10] =	ssyncset.done $0x0  }
0xc5: {  	s21 =	sadd.s32 s13, s24;
	s20 =	sand.u32 $0x300, s23;
	[sflag:s10] =	ssyncadd.s32 $0xFFFFC000  }
0xc6: {  	[spmem:s2] =	stream.indirect.scatter.add.f32 [tilespmem:s9], [sflag:$0x4], $0x80, s31, s30, $0xb8;
	[tilespmem:$0x1C200] =	vst v63  }
0xc7: {  	s20 =	sor.u32 s20, s21;
	_ =	swait.ge [sflag:s8], $0x4000  }
0xc8: {  	s20 =	sshrl.u32 s20, $0x3;
	[sflag:s8] =	ssyncset.done $0x0  }
0xc9: {  	s22 =	sadd.s32 s6, s20;
	[sflag:s8] =	ssyncadd.s32 $0xFFFFC000  }
0xca: {  	[tilespmem:s3], [sflag:$0x5] =	stream.linear.gather [hbm4b:s22+s3], $0x80, $0x38;
	[tilespmem:$0x1C200] =	vst v63  }
0xcb: {  	s23 =	simm.s32 $0x100;
	s20 =	sadd.s32 s7, s20  }
0xcc: {  	[tilespmem:s29], [sflag:$0x5] =	stream.linear.gather [hbm4b:s20+s3], $0x80, $0x38;
	[tilespmem:$0x1C200] =	vst v63  }
0xcd: {  	s24 =	sand.u32 $0x3C00, s23;
	_ =	swait.ge [sflag:s17], $0x80  }
0xce: {  	s21 =	sand.u32 $0x300, s23;
	s20 =	sadd.s32 s13, s24;
	[sflag:s17] =	ssyncset.done $0x0  }
0xcf: {  	s21 =	sor.u32 s20, s21;
	[sflag:s17] =	ssyncadd.s32 $0xFFFFFF80  }
0xd0: {  	s20 =	simm.s32 $0x200;
	s22 =	sor.u32 $0x80, s21;
	_ =	swait.ge [sflag:s17], $0x80  }
0xd1: {  	s21 =	simm.s32 $0x300;
	s22 =	sshrl.u32 s22, $0x3;
	[sflag:s17] =	ssyncset.done $0x0  }
.LBB2_6:
0xd2: {  	p1 =	sne.s32 s21, $0x2700  }
0xd3: {  	[sflag:s17] =	ssyncadd.s32 $0xFFFFFF80;
	s23 =	smov.u32 s21;
	s21 =	sadd.s32 $0x100, s21  }
0xd4: {  	[tilespmem:s26], [sflag:$0x1] =	stream.indirect.gather [hbm4b:s5+s30], $0x80, s3, s30, $0xb8;
	[tilespmem:$0x1C200] =	vst v63  }
0xd5: {  	_ =	swait.ge [sflag:s18], $0x4000  }
0xd6: {  	s24 =	sadd.s32 s6, s22;
	[sflag:s18] =	ssyncset.done $0x0  }
0xd7: {  	[sflag:s18] =	ssyncadd.s32 $0xFFFFC000  }
0xd8: {  	[tilespmem:s30], [sflag:$0x6] =	stream.linear.gather [hbm4b:s24+s3], $0x80, $0x38;
	[tilespmem:$0x1C200] =	vst v63  }
0xd9: {  	s22 =	sadd.s32 s7, s22  }
0xda: {  	[tilespmem:s31], [sflag:$0x6] =	stream.linear.gather [hbm4b:s22+s3], $0x80, $0x38;
	[tilespmem:$0x1C200] =	vst v63  }
0xdb: {  	_ =	swait.ge [sflag:s0], $0x4000  }
0xdc: {  	[sflag:s0] =	ssyncset.done $0x0  }
0xdd: {  	[sflag:s0] =	ssyncadd.s32 $0xFFFFC000  }
0xde: {  	_ =	swait.ge [sflag:s4], $0x80  }
0xdf: {  	[sflag:s4] =	ssyncset.done $0x0  }
0xe0: {  	[sflag:s4] =	ssyncadd.s32 $0xFFFFFF80  }
0xe1: {  	_ =	swait.ge [sflag:s4], $0x80  }
0xe2: {  	[sflag:s4] =	ssyncset.done $0x0  }
0xe3: {  	[sflag:s4] =	ssyncadd.s32 $0xFFFFFF80  }
0xe4: {  	[tilespmem:s9], [sflag:$0x2] =	stream.indirect.gather [hbm4b:s5+s30], $0x80, s30, s30, $0xb8;
	[tilespmem:$0x1C200] =	vst v63  }
0xe5: {  	_ = 	snop  }
0xe6: {  	[spmem:s2] =	stream.indirect.scatter.add.f32 [tilespmem:s26], [sflag:$0x3], $0x80, s29, s30, $0xb8;
	[tilespmem:$0x1C200] =	vst v63  }
0xe7: {  	_ =	swait.ge [sflag:s10], $0x4000  }
0xe8: {  	s22 =	sand.u32 $0x7C00, s20;
	[sflag:s10] =	ssyncset.done $0x0  }
0xe9: {  	s20 =	sand.u32 $0x300, s20;
	s22 =	sadd.s32 s13, s22;
	[sflag:s10] =	ssyncadd.s32 $0xFFFFC000  }
0xea: {  	[spmem:s2] =	stream.indirect.scatter.add.f32 [tilespmem:s9], [sflag:$0x4], $0x80, s31, s30, $0xb8;
	[tilespmem:$0x1C200] =	vst v63  }
0xeb: {  	s22 =	sor.u32 s20, s22;
	s20 =	smov.u32 s23;
	_ =	swait.ge [sflag:s8], $0x4000  }
0xec: {  	s22 =	sshrl.u32 s22, $0x3;
	[sflag:s8] =	ssyncset.done $0x0  }
0xed: {  	s23 =	sadd.s32 s6, s22;
	s22 =	sadd.s32 s7, s22;
	[sflag:s8] =	ssyncadd.s32 $0xFFFFC000  }
0xee: {  	[tilespmem:s3], [sflag:$0x5] =	stream.linear.gather [hbm4b:s23+s3], $0x80, $0x38;
	[tilespmem:$0x1C200] =	vst v63  }
0xef: {  	s23 =	sadd.s32 $0xFFFFFF00, s20  }
0xf0: {  	[tilespmem:s29], [sflag:$0x5] =	stream.linear.gather [hbm4b:s22+s3], $0x80, $0x38;
	[tilespmem:$0x1C200] =	vst v63  }
.Ltmp3:
0xf1: {  	s22 =	sand.u32 $0x3C00, s23;
	_ =	swait.ge [sflag:s17], $0x80;
	(pc) =	sbr.rel @p1 .LBB2_6-.Ltmp3, $4  }
0xf2: {  	s23 =	sand.u32 $0x300, s23;
	s22 =	sadd.s32 s13, s22;
	[sflag:s17] =	ssyncset.done $0x0  }
0xf3: {  	s22 =	sor.u32 s22, s23;
	[sflag:s17] =	ssyncadd.s32 $0xFFFFFF80  }
0xf4: {  	s22 =	sor.u32 $0x80, s22;
	_ =	swait.ge [sflag:s17], $0x80  }
0xf5: {  	s22 =	sshrl.u32 s22, $0x3;
	[sflag:s17] =	ssyncset.done $0x0  }
.Ltmp4:
0xf6: {  	_ = 	snop;
	(pc) =	sbr.rel .LBB2_7-.Ltmp4, $1  }
0xf7: {  	_ =	sdelay $0x3  }
.LBB2_2:
0xf8: {  	[tilespmem:s26], [sflag:$0x1] =	stream.indirect.gather [hbm4b:s1+s30], $0x80, s3, s30, $0xb8;
	[tilespmem:$0x1C200] =	vst v63  }
0xf9: {  	s20 =	simm.s32 $0x0  }
0xfa: {  	s21 =	sand.u32 $0x3C00, s20  }
0xfb: {  	s20 =	sand.u32 $0x300, s20;
	s21 =	sadd.s32 s13, s21  }
0xfc: {  	s20 =	sor.u32 s21, s20  }
0xfd: {  	s20 =	sor.u32 $0x80, s20  }
0xfe: {  	s20 =	sshrl.u32 s20, $0x3  }
0xff: {  	s22 =	sadd.s32 s6, s20  }
0x100: {  	[tilespmem:s30], [sflag:$0x6] =	stream.linear.gather [hbm4b:s22+s3], $0x80, $0x38;
	[tilespmem:$0x1C200] =	vst v63  }
0x101: {  	s20 =	sadd.s32 s7, s20  }
0x102: {  	[tilespmem:s31], [sflag:$0x6] =	stream.linear.gather [hbm4b:s20+s3], $0x80, $0x38;
	[tilespmem:$0x1C200] =	vst v63  }
0x103: {  	_ =	swait.ge [sflag:s0], $0x4000  }
0x104: {  	[sflag:s0] =	ssyncset.done $0x0  }
0x105: {  	[sflag:s0] =	ssyncadd.s32 $0xFFFFC000  }
0x106: {  	_ =	swait.ge [sflag:s4], $0x80  }
0x107: {  	[sflag:s4] =	ssyncset.done $0x0  }
0x108: {  	[sflag:s4] =	ssyncadd.s32 $0xFFFFFF80  }
0x109: {  	_ =	swait.ge [sflag:s4], $0x80  }
0x10a: {  	[sflag:s4] =	ssyncset.done $0x0  }
0x10b: {  	[sflag:s4] =	ssyncadd.s32 $0xFFFFFF80  }
0x10c: {  	[tilespmem:s9], [sflag:$0x2] =	stream.indirect.gather [hbm4b:s1+s30], $0x80, s30, s30, $0xb8;
	[tilespmem:$0x1C200] =	vst v63  }
0x10d: {  	_ = 	snop  }
0x10e: {  	[spmem:s2] =	stream.indirect.scatter.add.f32 [tilespmem:s26], [sflag:$0x3], $0x80, s29, s30, $0xb8;
	[tilespmem:$0x1C200] =	vst v63  }
0x10f: {  	s23 =	simm.s32 $0x100;
	_ =	swait.ge [sflag:s10], $0x4000  }
0x110: {  	s24 =	sand.u32 $0x7C00, s23;
	[sflag:s10] =	ssyncset.done $0x0  }
0x111: {  	s21 =	sadd.s32 s13, s24;
	s20 =	sand.u32 $0x300, s23;
	[sflag:s10] =	ssyncadd.s32 $0xFFFFC000  }
0x112: {  	[spmem:s2] =	stream.indirect.scatter.add.f32 [tilespmem:s9], [sflag:$0x4], $0x80, s31, s30, $0xb8;
	[tilespmem:$0x1C200] =	vst v63  }
0x113: {  	s20 =	sor.u32 s20, s21;
	_ =	swait.ge [sflag:s8], $0x4000  }
0x114: {  	s20 =	sshrl.u32 s20, $0x3;
	[sflag:s8] =	ssyncset.done $0x0  }
0x115: {  	s22 =	sadd.s32 s6, s20;
	[sflag:s8] =	ssyncadd.s32 $0xFFFFC000  }
0x116: {  	[tilespmem:s3], [sflag:$0x5] =	stream.linear.gather [hbm4b:s22+s3], $0x80, $0x38;
	[tilespmem:$0x1C200] =	vst v63  }
0x117: {  	s23 =	simm.s32 $0x100;
	s20 =	sadd.s32 s7, s20  }
0x118: {  	[tilespmem:s29], [sflag:$0x5] =	stream.linear.gather [hbm4b:s20+s3], $0x80, $0x38;
	[tilespmem:$0x1C200] =	vst v63  }
0x119: {  	s24 =	sand.u32 $0x3C00, s23;
	_ =	swait.ge [sflag:s17], $0x80  }
0x11a: {  	s21 =	sand.u32 $0x300, s23;
	s20 =	sadd.s32 s13, s24;
	[sflag:s17] =	ssyncset.done $0x0  }
0x11b: {  	s21 =	sor.u32 s20, s21;
	[sflag:s17] =	ssyncadd.s32 $0xFFFFFF80  }
0x11c: {  	s20 =	simm.s32 $0x200;
	s22 =	sor.u32 $0x80, s21;
	_ =	swait.ge [sflag:s17], $0x80  }
0x11d: {  	s21 =	simm.s32 $0x300;
	s22 =	sshrl.u32 s22, $0x3;
	[sflag:s17] =	ssyncset.done $0x0  }
.LBB2_3:
0x11e: {  	p1 =	seq.s32 s21, $0x2700  }
0x11f: {  	[sflag:s17] =	ssyncadd.s32 $0xFFFFFF80;
	s23 =	smov.u32 s21;
	s21 =	sadd.s32 $0x100, s21  }
0x120: {  	[tilespmem:s26], [sflag:$0x1] =	stream.indirect.gather [hbm4b:s1+s30], $0x80, s3, s30, $0xb8;
	[tilespmem:$0x1C200] =	vst v63  }
0x121: {  	_ =	swait.ge [sflag:s18], $0x4000  }
0x122: {  	s24 =	sadd.s32 s6, s22;
	[sflag:s18] =	ssyncset.done $0x0  }
0x123: {  	[sflag:s18] =	ssyncadd.s32 $0xFFFFC000  }
0x124: {  	[tilespmem:s30], [sflag:$0x6] =	stream.linear.gather [hbm4b:s24+s3], $0x80, $0x38;
	[tilespmem:$0x1C200] =	vst v63  }
0x125: {  	s22 =	sadd.s32 s7, s22  }
0x126: {  	[tilespmem:s31], [sflag:$0x6] =	stream.linear.gather [hbm4b:s22+s3], $0x80, $0x38;
	[tilespmem:$0x1C200] =	vst v63  }
0x127: {  	_ =	swait.ge [sflag:s0], $0x4000  }
0x128: {  	[sflag:s0] =	ssyncset.done $0x0  }
0x129: {  	[sflag:s0] =	ssyncadd.s32 $0xFFFFC000  }
0x12a: {  	_ =	swait.ge [sflag:s4], $0x80  }
0x12b: {  	[sflag:s4] =	ssyncset.done $0x0  }
0x12c: {  	[sflag:s4] =	ssyncadd.s32 $0xFFFFFF80  }
0x12d: {  	_ =	swait.ge [sflag:s4], $0x80  }
0x12e: {  	[sflag:s4] =	ssyncset.done $0x0  }
0x12f: {  	[sflag:s4] =	ssyncadd.s32 $0xFFFFFF80  }
0x130: {  	[tilespmem:s9], [sflag:$0x2] =	stream.indirect.gather [hbm4b:s1+s30], $0x80, s30, s30, $0xb8;
	[tilespmem:$0x1C200] =	vst v63  }
0x131: {  	_ = 	snop  }
0x132: {  	[spmem:s2] =	stream.indirect.scatter.add.f32 [tilespmem:s26], [sflag:$0x3], $0x80, s29, s30, $0xb8;
	[tilespmem:$0x1C200] =	vst v63  }
0x133: {  	_ =	swait.ge [sflag:s10], $0x4000  }
0x134: {  	s22 =	sand.u32 $0x7C00, s20;
	[sflag:s10] =	ssyncset.done $0x0  }
0x135: {  	s20 =	sand.u32 $0x300, s20;
	s22 =	sadd.s32 s13, s22;
	[sflag:s10] =	ssyncadd.s32 $0xFFFFC000  }
0x136: {  	[spmem:s2] =	stream.indirect.scatter.add.f32 [tilespmem:s9], [sflag:$0x4], $0x80, s31, s30, $0xb8;
	[tilespmem:$0x1C200] =	vst v63  }
0x137: {  	s22 =	sor.u32 s20, s22;
	s20 =	smov.u32 s23;
	_ =	swait.ge [sflag:s8], $0x4000  }
0x138: {  	s22 =	sshrl.u32 s22, $0x3;
	[sflag:s8] =	ssyncset.done $0x0  }
0x139: {  	s23 =	sadd.s32 s6, s22;
	s22 =	sadd.s32 s7, s22;
	[sflag:s8] =	ssyncadd.s32 $0xFFFFC000  }
0x13a: {  	[tilespmem:s3], [sflag:$0x5] =	stream.linear.gather [hbm4b:s23+s3], $0x80, $0x38;
	[tilespmem:$0x1C200] =	vst v63  }
0x13b: {  	s23 =	sadd.s32 $0xFFFFFF00, s20  }
0x13c: {  	[tilespmem:s29], [sflag:$0x5] =	stream.linear.gather [hbm4b:s22+s3], $0x80, $0x38;
	[tilespmem:$0x1C200] =	vst v63  }
.Ltmp5:
0x13d: {  	s22 =	sand.u32 $0x3C00, s23;
	_ =	swait.ge [sflag:s17], $0x80;
	(pc) =	sbr.rel @!p1 .LBB2_3-.Ltmp5, $4  }
0x13e: {  	s23 =	sand.u32 $0x300, s23;
	s22 =	sadd.s32 s13, s22;
	[sflag:s17] =	ssyncset.done $0x0  }
0x13f: {  	s22 =	sor.u32 s22, s23;
	[sflag:s17] =	ssyncadd.s32 $0xFFFFFF80  }
0x140: {  	s22 =	sor.u32 $0x80, s22;
	_ =	swait.ge [sflag:s17], $0x80  }
0x141: {  	s22 =	sshrl.u32 s22, $0x3;
	[sflag:s17] =	ssyncset.done $0x0  }
0x142: {  	[sflag:s17] =	ssyncadd.s32 $0xFFFFFF80  }
0x143: {  	[tilespmem:s26], [sflag:$0x1] =	stream.indirect.gather [hbm4b:s1+s30], $0x80, s3, s30, $0xb8;
	[tilespmem:$0x1C200] =	vst v63  }
0x144: {  	_ =	swait.ge [sflag:s18], $0x4000  }
0x145: {  	[sflag:s18] =	ssyncset.done $0x0  }
0x146: {  	s21 =	sadd.s32 s6, s22;
	[sflag:s18] =	ssyncadd.s32 $0xFFFFC000  }
0x147: {  	[tilespmem:s30], [sflag:$0x6] =	stream.linear.gather [hbm4b:s21+s3], $0x80, $0x38;
	[tilespmem:$0x1C200] =	vst v63  }
0x148: {  	s24 =	sadd.s32 s7, s22  }
0x149: {  	[tilespmem:s31], [sflag:$0x6] =	stream.linear.gather [hbm4b:s24+s3], $0x80, $0x38;
	[tilespmem:$0x1C200] =	vst v63  }
0x14a: {  	_ =	swait.ge [sflag:s0], $0x4000  }
0x14b: {  	[sflag:s0] =	ssyncset.done $0x0  }
0x14c: {  	[sflag:s0] =	ssyncadd.s32 $0xFFFFC000  }
0x14d: {  	_ =	swait.ge [sflag:s4], $0x80  }
0x14e: {  	[sflag:s4] =	ssyncset.done $0x0  }
0x14f: {  	[sflag:s4] =	ssyncadd.s32 $0xFFFFFF80  }
0x150: {  	_ =	swait.ge [sflag:s4], $0x80  }
0x151: {  	[sflag:s4] =	ssyncset.done $0x0  }
0x152: {  	[sflag:s4] =	ssyncadd.s32 $0xFFFFFF80  }
0x153: {  	[tilespmem:s9], [sflag:$0x2] =	stream.indirect.gather [hbm4b:s1+s30], $0x80, s30, s30, $0xb8;
	[tilespmem:$0x1C200] =	vst v63  }
0x154: {  	_ = 	snop  }
0x155: {  	[spmem:s2] =	stream.indirect.scatter.add.f32 [tilespmem:s26], [sflag:$0x3], $0x80, s29, s30, $0xb8;
	[tilespmem:$0x1C200] =	vst v63  }
0x156: {  	_ =	swait.ge [sflag:s10], $0x4000  }
0x157: {  	s22 =	sand.u32 $0x7C00, s20;
	[sflag:s10] =	ssyncset.done $0x0  }
0x158: {  	s23 =	sand.u32 $0x300, s20;
	s21 =	sadd.s32 s13, s22;
	[sflag:s10] =	ssyncadd.s32 $0xFFFFC000  }
0x159: {  	[spmem:s2] =	stream.indirect.scatter.add.f32 [tilespmem:s9], [sflag:$0x4], $0x80, s31, s30, $0xb8;
	[tilespmem:$0x1C200] =	vst v63  }
0x15a: {  	s20 =	sor.u32 s23, s21;
	_ =	swait.ge [sflag:s8], $0x4000  }
0x15b: {  	s20 =	sshrl.u32 s20, $0x3;
	[sflag:s8] =	ssyncset.done $0x0  }
0x15c: {  	s24 =	sadd.s32 s6, s20;
	[sflag:s8] =	ssyncadd.s32 $0xFFFFC000  }
0x15d: {  	[tilespmem:s3], [sflag:$0x5] =	stream.linear.gather [hbm4b:s24+s3], $0x80, $0x38;
	[tilespmem:$0x1C200] =	vst v63  }
0x15e: {  	s20 =	sadd.s32 s7, s20  }
0x15f: {  	[tilespmem:s29], [sflag:$0x5] =	stream.linear.gather [hbm4b:s20+s3], $0x80, $0x38;
	[tilespmem:$0x1C200] =	vst v63  }
0x160: {  	_ =	swait.ge [sflag:s17], $0x80  }
0x161: {  	[sflag:s17] =	ssyncset.done $0x0  }
0x162: {  	[sflag:s17] =	ssyncadd.s32 $0xFFFFFF80  }
0x163: {  	_ =	swait.ge [sflag:s17], $0x80  }
0x164: {  	[sflag:s17] =	ssyncset.done $0x0  }
.Ltmp6:
0x165: {  	[sflag:s17] =	ssyncadd.s32 $0xFFFFFF80;
	(pc) =	sbr.rel .LBB2_8-.Ltmp6, $4  }
0x166: {  	[tilespmem:s26], [sflag:$0x1] =	stream.indirect.gather [hbm4b:s1+s30], $0x80, s3, s30, $0xb8;
	[tilespmem:$0x1C200] =	vst v63  }
0x167: {  	_ =	swait.ge [sflag:s18], $0x4000  }
0x168: {  	[sflag:s18] =	ssyncset.done $0x0  }
0x169: {  	s21 =	smov.u32 s1;
	s20 =	rddreg [dreg:$0x5];
	[sflag:s18] =	ssyncadd.s32 $0xFFFFC000  }
.LBB2_9:
0x16a: {  	_ =	sfence.sel $0x180000  }
0x16b: {  	[bflag:$0x0] =	sbarrier.arrive $0xFFFF  }
0x16c: {  	_ =	strace $0x9000004A  }
0x16d: {  	s0 =	stileid.u32;
	[bflag:$0x2] =	sbarrier.arrive $0xFFFF  }
0x16e: {  	p0 =	sne.s32 s0, $0x0;
	s0 =	rddreg [dreg:$0x3]  }
0x16f: {  	s0 =	sadd.s32 @!p0 $0x100000, s0  }
0x170: {  	[sflag:s0] =	ssyncadd.tile.s32 @!p0 $0x1;
	_ =	shalt  }
.Lfunc_end2:
_tile_overlayer_lowered:
.L_overlay_start_2:
0x171: {  	(tag) =	ssettag $0x2  }
0x172: {  	s0 =	rddreg [dreg:$0x0];
	s2 =	stileid.u32  }
0x173: {  	s1 =	rddreg [dreg:$0x1];
	p0 =	sne.s32 s2, $0x0  }
0x174: {  	s3 =	rddreg [dreg:$0x2];
	[bflag:$0x3] =	sbarrier.arrive $0xFFFF;
	s2 =	simm.s32 @!p0 $0x1C07  }
0x175: {  	[timem:s3], [sflag:s2] =	dma.local @!p0 [hbm:s0], s1  }
0x176: {  	s0 =	simm.s32 @!p0 $0x7  }
0x177: {  	_ =	swait.ge @!p0 [sflag:s0], s1  }
0x178: {  	s1 =	ssub.s32 @!p0 $0x0, s1;
	[sflag:s0] =	ssyncset.done @!p0 $0x0  }
0x179: {  	[sflag:s0] =	ssyncadd.s32 @!p0 s1  }
0x17a: {  	[bflag:$0x3] =	sbarrier.arrive $0xFFFF  }
0x17b: {  	_ =	shalt  }

// kernel: kernel.14.cloned.1.call-start
scs
__scs_entry_jumppad:
0x0: {  	(pc) =	sbr.rel $0x88, $3  }
0x1: {  	(tag) =	ssettag $0x0;
	lr =	simm.s32 $0x1  }
0x2: {  	[smem:$0x3F9B] =	sst lr;
	_ =	strace $0xD0000000  }
0x3: {  	_ = 	snop  }
0x4: {  	_ = 	snop  }
0x5: {  	_ = 	snop  }
0x6: {  	_ = 	snop  }
0x7: {  	_ = 	snop  }
__scs_overlays_trampoline_lowered:
0x8: {  	[smem:$0x3FAA] =	sst s0  }
0x9: {  	[smem:$0x3FAB] =	sst s1  }
0xa: {  	[smem:$0x3FAC] =	sst s2  }
0xb: {  	[smem:$0x3FAD] =	sst s3  }
0xc: {  	[smem:$0x3FAE] =	sst s4  }
0xd: {  	[smem:$0x3FAF] =	sst s5  }
0xe: {  	[smem:$0x3FB0] =	sst s6  }
0xf: {  	[smem:$0x3FB1] =	sst s7  }
0x10: {  	[smem:$0x3FB2] =	sst s8  }
0x11: {  	[smem:$0x3FB3] =	sst s9;
	s0 =	simm.s32 @!p0 $0x0  }
0x12: {  	s1 =	sld [smem:$0x3F99];
	s0 =	simm.s32 @p0 $0x1  }
0x13: {  	[smem:$0x3FB4] =	sst s0;
	s0 =	simm.s32 @!p1 $0x0  }
0x14: {  	s2 =	sld [smem:$0x3F98];
	s0 =	simm.s32 @p1 $0x1  }
0x15: {  	[smem:$0x3FB5] =	sst s0;
	s0 =	simm.s32 @!p2 $0x0  }
0x16: {  	s3 =	sld [smem:$0x3FDB];
	s0 =	simm.s32 @p2 $0x1  }
0x17: {  	s4 =	simm.s32 $0x1BF5;
	[smem:$0x3FB7] =	sst s0  }
0x18: {  	s0 =	sld [smem:$0x3F9A];
	_ =	swait.ge [sflag:s4], $0x0  }
0x19: {  	s7 =	sld [smem:$0x3F9B]  }
0x1a: {  	s8 =	sadd.s32 $0xFFFFE003, lr  }
0x1b: {  	s9 =	sadd.s32 $0xFFFFFEF7, lr;
	s5 =	simm.s32 $0xFFFFFFFF;
	p2 =	slt.u32 s8, $0xFFFFF086  }
0x1c: {  	p1 =	slt.u32 s9, $0xF7A;
	s5 =	simm.s32 @!p2 $0x0  }
0x1d: {  	s5 =	simm.s32 @p1 $0x1;
	p0 =	seq.s32 s7, s2  }
0x1e: {  	s7 =	smul.u32 @!p0 $0xF7A, s2;
	p2 =	seq.s32 @!p0 s5, $0x0  }
0x1f: {  	s9 =	smul.u32 $0xF7A, s1;
	s8 =	simm.s32 @!p0 $0x1BF5;
	p2 =	por !p2, p0  }
0x20: {  	[sflag:s8] =	ssyncset.s32 @!p0 $0xFFFFF086;
	s6 =	sadd.s32 @!p0 s3, s7;
	s7 =	simm.s32 @!p0 $0x108  }
0x21: {  	s3 =	sadd.s32 s3, s9;
	s6 =	sadd.s32 @!p0 $0x88, s6;
	s7 =	simm.s32 @p2 $0x1082  }
0x22: {  	[simem:s7], [sflag:s8] =	dma.local @!p0 [hbm:s6], $0xF7A  }
0x23: {  	s9 =	sor.u32 $0xD0000000, s2;
	s6 =	simm.s32 $0x108;
	_ =	swait.ge @!p0 [sflag:s8], $0x0  }
0x24: {  	s3 =	sadd.s32 $0x88, s3;
	s6 =	simm.s32 @!p1 $0x1082;
	[sflag:s4] =	ssyncset.s32 $0xFFFFF086  }
0x25: {  	[simem:s6], [sflag:s4] =	dma.local [hbm:s3], $0xF7A  }
0x26: {  	[smem:$0x3F9B] =	sst s1;
	(tag) =	ssettag s2;
	_ =	strace s9  }
0x27: {  	s1 =	sld [smem:$0x3FAB]  }
0x28: {  	s2 =	sld [smem:$0x3FAC]  }
0x29: {  	s4 =	sld [smem:$0x3FAE]  }
0x2a: {  	p0 =	seq.s32 s5, $0x0;
	s5 =	sld [smem:$0x3FAF]  }
0x2b: {  	s6 =	sld [smem:$0x3FB0]  }
0x2c: {  	s7 =	sld [smem:$0x3FB1]  }
0x2d: {  	s3 =	simm.s32 $0x108;
	s8 =	sld [smem:$0x3FB2]  }
0x2e: {  	s3 =	simm.s32 @!p0 $0x1082;
	s9 =	sld [smem:$0x3FB3]  }
0x2f: {  	lr =	sadd.s32 s0, s3;
	s0 =	sld [smem:$0x3FAA]  }
0x30: {  	s3 =	sld [smem:$0x3FAD]  }
0x31: {  	[smem:$0x3FB6] =	sst s10  }
0x32: {  	s10 =	sld [smem:$0x3FB4];
	_ =	sdelay $0x3  }
0x33: {  	p0 =	seq.s32 s10, $0x1;
	s10 =	sld [smem:$0x3FB6];
	_ =	sdelay $0x3  }
0x34: {  	[smem:$0x3FB6] =	sst s10  }
0x35: {  	s10 =	sld [smem:$0x3FB5];
	_ =	sdelay $0x3  }
0x36: {  	p1 =	seq.s32 s10, $0x1;
	s10 =	sld [smem:$0x3FB6];
	_ =	sdelay $0x3  }
0x37: {  	[smem:$0x3FB6] =	sst s10  }
0x38: {  	s10 =	sld [smem:$0x3FB7]  }
0x39: {  	_ = 	snop;
	(pc) =	sbr.ind lr, $3  }
0x3a: {  	_ = 	snop  }
0x3b: {  	_ = 	snop  }
0x3c: {  	p2 =	seq.s32 s10, $0x1;
	s10 =	sld [smem:$0x3FB6]  }
0x3d: {  	_ =	shalt  }
0x3e: {  	_ =	shalt  }
0x3f: {  	_ =	shalt  }
0x40: {  	_ =	shalt  }
0x41: {  	_ =	shalt  }
0x42: {  	_ =	shalt  }
0x43: {  	_ =	shalt  }
0x44: {  	_ =	shalt  }
0x45: {  	_ =	shalt  }
0x46: {  	_ =	shalt  }
0x47: {  	_ =	shalt  }
0x48: {  	_ =	shalt  }
0x49: {  	_ =	shalt  }
0x4a: {  	_ =	shalt  }
0x4b: {  	_ =	shalt  }
0x4c: {  	_ =	shalt  }
0x4d: {  	_ =	shalt  }
0x4e: {  	_ =	shalt  }
0x4f: {  	_ =	shalt  }
0x50: {  	_ =	shalt  }
0x51: {  	_ =	shalt  }
0x52: {  	_ =	shalt  }
0x53: {  	_ =	shalt  }
0x54: {  	_ =	shalt  }
0x55: {  	_ =	shalt  }
0x56: {  	_ =	shalt  }
0x57: {  	_ =	shalt  }
0x58: {  	_ =	shalt  }
0x59: {  	_ =	shalt  }
0x5a: {  	_ =	shalt  }
0x5b: {  	_ =	shalt  }
0x5c: {  	_ =	shalt  }
0x5d: {  	_ =	shalt  }
0x5e: {  	_ =	shalt  }
0x5f: {  	_ =	shalt  }
0x60: {  	_ =	shalt  }
0x61: {  	_ =	shalt  }
0x62: {  	_ =	shalt  }
0x63: {  	_ =	shalt  }
0x64: {  	_ =	shalt  }
0x65: {  	_ =	shalt  }
0x66: {  	_ =	shalt  }
0x67: {  	_ =	shalt  }
0x68: {  	_ =	shalt  }
0x69: {  	_ =	shalt  }
0x6a: {  	_ =	shalt  }
0x6b: {  	_ =	shalt  }
0x6c: {  	_ =	shalt  }
0x6d: {  	_ =	shalt  }
0x6e: {  	_ =	shalt  }
0x6f: {  	_ =	shalt  }
0x70: {  	_ =	shalt  }
0x71: {  	_ =	shalt  }
0x72: {  	_ =	shalt  }
0x73: {  	_ =	shalt  }
0x74: {  	_ =	shalt  }
0x75: {  	_ =	shalt  }
0x76: {  	_ =	shalt  }
0x77: {  	_ =	shalt  }
0x78: {  	_ =	shalt  }
0x79: {  	_ =	shalt  }
0x7a: {  	_ =	shalt  }
0x7b: {  	_ =	shalt  }
0x7c: {  	_ =	shalt  }
0x7d: {  	_ =	shalt  }
0x7e: {  	_ =	shalt  }
0x7f: {  	_ =	shalt  }
0x80: {  	_ =	shalt  }
0x81: {  	_ =	shalt  }
0x82: {  	_ =	shalt  }
0x83: {  	_ =	shalt  }
0x84: {  	_ =	shalt  }
0x85: {  	_ =	shalt  }
0x86: {  	_ =	shalt  }
0x87: {  	_ =	shalt  }
.Lfunc_end0:
.L_simem_size_0:
called_computation.2_lowered:
.L_overlay_start_0:
0x88: {  	s2 =	sld [smem:$0x3FD9]  }
0x89: {  	s3 =	sld [smem:$0x3FFE];
	_ =	sdelay $0x1  }
0x8a: {  	s1 =	srdreg.scid  }
0x8b: {  	s0 =	sand.u32 $0x1, s1  }
0x8c: {  	s17 =	sshll.u32 s0, $0xA;
	s2 =	sadd.s32 s3, s2  }
0x8d: {  	s2 =	sadd.s32 s2, s17  }
0x8e: {  	[smem:$0x3FC2] =	sst s2  }
0x8f: {  	_ = 	snop  }
0x90: {  	s2 =	sld [smem:$0x3FD0];
	(tm) =	ssettm $0x1  }
0x91: {  	s18 =	sld [smem:$0x3FFB];
	_ =	sdelay $0x3  }
0x92: {  	_ =	strace s18  }
0x93: {  	s3 =	sld [smem:$0x3FFC];
	_ =	sdelay $0x3  }
0x94: {  	_ =	strace s3  }
0x95: {  	s3 =	sld [smem:$0x3FFD];
	_ =	sdelay $0x3  }
0x96: {  	_ =	strace s3  }
0x97: {  	_ =	strace $0x8FFFFFFF  }
0x98: {  	s19 =	sld [smem:$0x3FDB];
	_ =	sdelay $0x1  }
0x99: {  	s4 =	simm.s32 $_scs_section_size  }
0x9a: {  	s5 =	simm.s32 $_size__tile_overlayer_lowered;
	s6 =	simm.s32 $_tile_overlayer_lowered  }
0x9b: {  	s22 =	simm.s32 $0x1BFF;
	s21 =	sshll.u32 s6, $0x1;
	s3 =	sadd.s32 s4, s19  }
0x9c: {  	s7 =	simm.s32 $0x0;
	s20 =	sshll.u32 s5, $0x1;
	s5 =	sadd.s32 s21, s3  }
0x9d: {  	[timem:s7], [sflag:s22] =	dma.local [hbm:s5], s20  }
0x9e: {  	_ =	swait.ge [sflag:s22], s20  }
0x9f: {  	s4 =	ssub.s32 $0x0, s20;
	[sflag:s22] =	ssyncset.done $0x0  }
0xa0: {  	[sflag:s22] =	ssyncadd.s32 s4;
	_ =	sdelay $0x1  }
0xa1: {  	s23 =	simm.s32 $0x1B8B  }
0xa2: {  	_ =	swait.ge [sflag:s23], $0x1  }
0xa3: {  	[sflag:s23] =	ssyncset.done $0x0  }
0xa4: {  	s25 =	simm.s32 $0x1B8E;
	s24 =	sld [smem:$0x3FFE];
	[sflag:s23] =	ssyncadd.s32 $0xFFFFFFFF  }
0xa5: {  	s26 =	simm.s32 $execute0_lowered;
	[smem:$0x3FD2] =	sst s25  }
0xa6: {  	s5 =	sshll.u32 s26, $0x1;
	_ =	strace $0x8000004C;
	[dreg:$0x1] =	wrdreg $0xFFFFFFFF  }
0xa7: {  	s28 =	simm.s32 $_size_execute0_lowered;
	s3 =	sadd.s32 s3, s5;
	[dreg:$0x0] =	wrdreg $0x0  }
0xa8: {  	s5 =	sshll.u32 s28, $0x1;
	[dreg:$0x2] =	wrdreg s3  }
0xa9: {  	[dreg:$0x3] =	wrdreg s5  }
0xaa: {  	[dreg:$0x4] =	wrdreg $0xC0  }
0xab: {  	_ =	task [dreg:s7], $0x5FFFF  }
0xac: {  	[dreg:$0x1] =	wrdreg $0xFFFFFFFF  }
0xad: {  	[dreg:$0x0] =	wrdreg $0x60  }
0xae: {  	[dreg:$0x2] =	wrdreg s2  }
0xaf: {  	[dreg:$0x3] =	wrdreg s24  }
0xb0: {  	[dreg:$0x4] =	wrdreg $0x82000  }
0xb1: {  	[dreg:$0x5] =	wrdreg $0x9  }
0xb2: {  	_ =	task.clear_ibuf [dreg:s7], $0x6FFFF;
	_ =	strace $0x9000004C  }
0xb3: {  	s29 =	simm.s32 $0x9;
	_ =	strace $0x8000004E  }
0xb4: {  	_ =	swait.ge [sflag:s29], $0x1  }
0xb5: {  	[sflag:s29] =	ssyncadd.s32 $0xFFFFFFFF  }
0xb6: {  	_ =	strace $0x9000004E  }
0xb7: {  	_ =	sfence  }
0xb8: {  	s30 =	sld [smem:$0x0];
	_ =	sdelay $0x2  }
0xb9: {  	s31 =	sshll.u32 s1, $0xD;
	s1 =	sshrl.u32 s1, $0x2  }
0xba: {  	s3 =	sand.u32 $0x4000, s31;
	s1 =	sadd.s32 s1, s30  }
0xbb: {  	s0 =	sor.u32 s3, s0;
	s1 =	sshll.u32 s1, $0x11  }
0xbc: {  	s0 =	sor.u32 s1, s0  }
0xbd: {  	s0 =	sadd.s32 $0x8F2B, s0  }
0xbe: {  	[sflag:s0] =	ssyncadd.remote.s32 $0x1  }
0xbf: {  	_ =	sfence.sel $0xFFFF  }
0xc0: {  	[dreg:$0x0] =	wrdreg $0xFFFFFFFF;
	(pc) =	sbr.abs _section_cstart, $3  }
0xc1: {  	[dreg:$0x1] =	wrdreg $0xFFFFFFFF  }
0xc2: {  	_ =	task.clear_ibuf [dreg:s7], $0x2FFFF;
	_ =	strace $0x9FFFFFFF  }
0xc3: {  	(tm) =	ssettm $0x7FFFFFFF  }
tec
execute0_lowered:
.L_overlay_start_1:
0x0: {  	(tag) =	ssettag $0x1  }
0x1: {  	s1 =	rddreg [dreg:$0x0]  }
0x2: {  	s0 =	rddreg [dreg:$0x1]  }
0x3: {  	s2 =	rddreg [dreg:$0x2]  }
0x4: {  	s3 =	simm.s32 $0x0;
	s4 =	srdreg.scid;
	s13 =	stileid.u32  }
0x5: {  	s28 =	simm.s32 $0x7;
	s29 =	simm.s32 $0x100;
	s30 =	simm.s32 $0x80  }
0x6: {  	s31 =	simm.s32 $0x180;
	[smem:$0x7FF] =	sst s3;
	s5 =	sadd.s32 $0xD200, s0  }
0x7: {  	s6 =	sadd.s32 $0x3200, s0;
	s7 =	sadd.s32 $0x8200, s0;
	s4 =	sand.u32 $0x1, s4  }
0x8: {  	s8 =	sadd.s32 $0x35200, s0;
	s9 =	smul.u32 $0x280, s13;
	s10 =	sadd.s32 $0x35A00, s0  }
0x9: {  	s11 =	smul.u32 $0x50000, s13;
	_ =	strace $0x8000004D;
	[dreg:$0x4] =	wrdreg s8  }
0xa: {  	s0 =	sadd.s32 $0x5DA00, s0;
	s13 =	smul.u32 $0x2800, s13;
	[dreg:$0x5] =	wrdreg s10  }
0xb: {  	s20 =	ssub.s32 $0x2, s4;
	[dreg:$0x6] =	wrdreg s0;
	p0 =	seq.s32 s4, $0x1  }
0xc: {  	s4 =	simm.s32 $0x6;
	s10 =	simm.s32 $0x2;
	s8 =	simm.s32 $0x3  }
0xd: {  	s21 =	sshrl.u32 s20, $0x1;
	s22 =	sadd.s32 $0x80, s9;
	s23 =	sshrl.u32 s11, $0x2  }
0xe: {  	s17 =	sadd.s32 $0x100, s9;
	s18 =	sadd.s32 $0x180, s9;
	s9 =	sadd.s32 $0x200, s9  }
0xf: {  	s26 =	sshrl.u32 s13, $0x3;
	s0 =	ssub.s32 s20, s21;
	s12 =	sshll.u32 s22, $0x7  }
0x10: {  	s11 =	sadd.s32 s23, s2;
	s24 =	sshll.u32 s17, $0x7;
	s25 =	sshll.u32 s18, $0x7  }
0x11: {  	s16 =	sshll.u32 s9, $0x7;
	s19 =	sadd.s32 s6, s26;
	s20 =	sadd.s32 s7, s26  }
0x12: {  	s21 =	sshll.u32 s22, $0x4;
	s22 =	sshll.u32 s17, $0x4;
	[dreg:$0x7] =	wrdreg s19  }
0x13: {  	s23 =	sshll.u32 s18, $0x4;
	s17 =	simm.s32 $0x5;
	[dreg:$0x8] =	wrdreg s20  }
0x14: {  	s18 =	simm.s32 $0x4;
	s12 =	sadd.s32 s12, s2;
	[dreg:$0x9] =	wrdreg s21  }
0x15: {  	s14 =	sadd.s32 s24, s2;
	s15 =	sadd.s32 s25, s2;
	[dreg:$0xa] =	wrdreg s22  }
.Ltmp0:
0x16: {  	s16 =	sadd.s32 s16, s2;
	[dreg:$0xb] =	wrdreg s23;
	(pc) =	sbr.rel .LBB2_1-.Ltmp0, $4  }
0x17: {  	s24 =	sshll.u32 s9, $0x4;
	s0 =	smax.u32 s0, $0x1;
	s25 =	sadd.s32 $0x4F0, s26  }
0x18: {  	s9 =	simm.s32 $0x4200;
	s19 =	simm.s32 $0x0;
	[dreg:$0xc] =	wrdreg s24  }
0x19: {  	[dreg:$0xd] =	wrdreg s0;
	s26 =	sadd.s32 s7, s25;
	s25 =	sadd.s32 s6, s25  }
0x1a: {  	s0 =	simm.s32 $0x1;
	[dreg:$0xe] =	wrdreg s26;
	s26 =	simm.s32 $0x200  }
.LBB2_7:
0x1b: {  	[sflag:s17] =	ssyncadd.s32 $0xFFFFFF80  }
0x1c: {  	[tilespmem:s26], [sflag:$0x1] =	stream.indirect.gather [hbm4b:s5+s30], $0x80, s3, s30, $0xb8;
	[tilespmem:$0x1C200] =	vst v63  }
0x1d: {  	_ =	swait.ge [sflag:s18], $0x4000  }
0x1e: {  	[sflag:s18] =	ssyncset.done $0x0  }
0x1f: {  	s21 =	sadd.s32 s6, s22;
	[sflag:s18] =	ssyncadd.s32 $0xFFFFC000  }
0x20: {  	[tilespmem:s30], [sflag:$0x6] =	stream.linear.gather [hbm4b:s21+s3], $0x80, $0x38;
	[tilespmem:$0x1C200] =	vst v63  }
0x21: {  	s24 =	sadd.s32 s7, s22  }
0x22: {  	[tilespmem:s31], [sflag:$0x6] =	stream.linear.gather [hbm4b:s24+s3], $0x80, $0x38;
	[tilespmem:$0x1C200] =	vst v63  }
0x23: {  	_ =	swait.ge [sflag:s0], $0x4000  }
0x24: {  	[sflag:s0] =	ssyncset.done $0x0  }
0x25: {  	[sflag:s0] =	ssyncadd.s32 $0xFFFFC000  }
0x26: {  	_ =	swait.ge [sflag:s4], $0x80  }
0x27: {  	[sflag:s4] =	ssyncset.done $0x0  }
0x28: {  	[sflag:s4] =	ssyncadd.s32 $0xFFFFFF80  }
0x29: {  	_ =	swait.ge [sflag:s4], $0x80  }
0x2a: {  	[sflag:s4] =	ssyncset.done $0x0  }
0x2b: {  	[sflag:s4] =	ssyncadd.s32 $0xFFFFFF80  }
0x2c: {  	[tilespmem:s9], [sflag:$0x2] =	stream.indirect.gather [hbm4b:s5+s30], $0x80, s30, s30, $0xb8;
	[tilespmem:$0x1C200] =	vst v63  }
0x2d: {  	_ = 	snop  }
0x2e: {  	[spmem:s2] =	stream.indirect.scatter.add.f32 [tilespmem:s26], [sflag:$0x3], $0x80, s29, s30, $0xb8;
	[tilespmem:$0x1C200] =	vst v63  }
0x2f: {  	_ =	swait.ge [sflag:s10], $0x4000  }
0x30: {  	s22 =	sand.u32 $0x7C00, s20;
	[sflag:s10] =	ssyncset.done $0x0  }
0x31: {  	s23 =	sand.u32 $0x300, s20;
	s21 =	sadd.s32 s13, s22;
	[sflag:s10] =	ssyncadd.s32 $0xFFFFC000  }
0x32: {  	[spmem:s2] =	stream.indirect.scatter.add.f32 [tilespmem:s9], [sflag:$0x4], $0x80, s31, s30, $0xb8;
	[tilespmem:$0x1C200] =	vst v63  }
0x33: {  	s20 =	sor.u32 s23, s21;
	_ =	swait.ge [sflag:s8], $0x4000  }
0x34: {  	s20 =	sshrl.u32 s20, $0x3;
	[sflag:s8] =	ssyncset.done $0x0  }
0x35: {  	s24 =	sadd.s32 s6, s20;
	[sflag:s8] =	ssyncadd.s32 $0xFFFFC000  }
0x36: {  	[tilespmem:s3], [sflag:$0x5] =	stream.linear.gather [hbm4b:s24+s3], $0x80, $0x38;
	[tilespmem:$0x1C200] =	vst v63  }
0x37: {  	s20 =	sadd.s32 s7, s20  }
0x38: {  	[tilespmem:s29], [sflag:$0x5] =	stream.linear.gather [hbm4b:s20+s3], $0x80, $0x38;
	[tilespmem:$0x1C200] =	vst v63  }
0x39: {  	_ =	swait.ge [sflag:s17], $0x80  }
0x3a: {  	[sflag:s17] =	ssyncset.done $0x0  }
0x3b: {  	[sflag:s17] =	ssyncadd.s32 $0xFFFFFF80  }
0x3c: {  	_ =	swait.ge [sflag:s17], $0x80  }
0x3d: {  	[sflag:s17] =	ssyncset.done $0x0  }
0x3e: {  	[sflag:s17] =	ssyncadd.s32 $0xFFFFFF80  }
0x3f: {  	[tilespmem:s26], [sflag:$0x1] =	stream.indirect.gather [hbm4b:s5+s30], $0x80, s3, s30, $0xb8;
	[tilespmem:$0x1C200] =	vst v63  }
0x40: {  	_ =	swait.ge [sflag:s18], $0x4000  }
0x41: {  	[sflag:s18] =	ssyncset.done $0x0  }
0x42: {  	s21 =	smov.u32 s5;
	s20 =	rddreg [dreg:$0x6];
	[sflag:s18] =	ssyncadd.s32 $0xFFFFC000  }
.LBB2_8:
0x43: {  	[tilespmem:s30], [sflag:$0x6] =	stream.linear.gather [hbm4b:s25+s3], $0x80, $0x38;
	[tilespmem:$0x1C200] =	vst v63  }
0x44: {  	s22 =	rddreg [dreg:$0xe]  }
0x45: {  	[tilespmem:s31], [sflag:$0x6] =	stream.linear.gather [hbm4b:s22+s3], $0x80, $0x38;
	[tilespmem:$0x1C200] =	vst v63  }
0x46: {  	_ =	swait.ge [sflag:s0], $0x4000  }
0x47: {  	[sflag:s0] =	ssyncset.done $0x0  }
0x48: {  	[sflag:s0] =	ssyncadd.s32 $0xFFFFC000  }
0x49: {  	_ =	swait.ge [sflag:s4], $0x80  }
0x4a: {  	[sflag:s4] =	ssyncset.done $0x0  }
0x4b: {  	[sflag:s4] =	ssyncadd.s32 $0xFFFFFF80  }
0x4c: {  	_ =	swait.ge [sflag:s4], $0x80  }
0x4d: {  	[sflag:s4] =	ssyncset.done $0x0  }
0x4e: {  	[sflag:s4] =	ssyncadd.s32 $0xFFFFFF80  }
0x4f: {  	[tilespmem:s9], [sflag:$0x2] =	stream.indirect.gather [hbm4b:s21+s30], $0x80, s30, s30, $0xb8;
	[tilespmem:$0x1C200] =	vst v63  }
0x50: {  	_ = 	snop  }
0x51: {  	[spmem:s2] =	stream.indirect.scatter.add.f32 [tilespmem:s26], [sflag:$0x3], $0x80, s29, s30, $0xb8;
	[tilespmem:$0x1C200] =	vst v63  }
0x52: {  	_ =	swait.ge [sflag:s10], $0x4000  }
0x53: {  	[sflag:s10] =	ssyncset.done $0x0  }
0x54: {  	[sflag:s10] =	ssyncadd.s32 $0xFFFFC000  }
0x55: {  	[spmem:s2] =	stream.indirect.scatter.add.f32 [tilespmem:s9], [sflag:$0x4], $0x80, s31, s30, $0xb8;
	[tilespmem:$0x1C200] =	vst v63  }
0x56: {  	_ =	swait.ge [sflag:s8], $0x4000  }
0x57: {  	[sflag:s8] =	ssyncset.done $0x0  }
0x58: {  	[sflag:s8] =	ssyncadd.s32 $0xFFFFC000  }
0x59: {  	_ =	swait.ge [sflag:s18], $0x4000  }
0x5a: {  	[sflag:s18] =	ssyncset.done $0x0  }
0x5b: {  	[sflag:s18] =	ssyncadd.s32 $0xFFFFC000  }
0x5c: {  	[bflag:$0x0] =	sbarrier.arrive $0xFFFF  }
0x5d: {  	[tilespmem:s26], [sflag:$0x7] =	stream.linear.gather [spmem:s11], $0x4000, $0x38;
	[tilespmem:$0x1C200] =	vst v63  }
0x5e: {  	_ =	swait.ge [sflag:s28], $0x4000  }
0x5f: {  	[sflag:s28] =	ssyncset.done $0x0  }
0x60: {  	s24 =	sadd.s32 s20, s13;
	[sflag:s28] =	ssyncadd.s32 $0xFFFFC000  }
0x61: {  	[hbm4b:s24+s3] =	stream.linear.scatter [tilespmem:s26], [sflag:$0x7], $0x4000, $0x38;
	[tilespmem:$0x1C200] =	vst v63  }
0x62: {  	_ =	swait.ge [sflag:s28], $0x4000  }
0x63: {  	[sflag:s28] =	ssyncset.done $0x0  }
0x64: {  	[sflag:s28] =	ssyncadd.s32 $0xFFFFC000  }
0x65: {  	[tilespmem:s26], [sflag:$0x7] =	stream.linear.gather [spmem:s12], $0x4000, $0x38;
	[tilespmem:$0x1C200] =	vst v63  }
0x66: {  	_ =	swait.ge [sflag:s28], $0x4000  }
0x67: {  	[sflag:s28] =	ssyncset.done $0x0;
	s22 =	rddreg [dreg:$0x9]  }
0x68: {  	s21 =	sadd.s32 s20, s22;
	[sflag:s28] =	ssyncadd.s32 $0xFFFFC000  }
0x69: {  	[hbm4b:s21+s3] =	stream.linear.scatter [tilespmem:s26], [sflag:$0x7], $0x4000, $0x38;
	[tilespmem:$0x1C200] =	vst v63  }
0x6a: {  	_ =	swait.ge [sflag:s28], $0x4000  }
0x6b: {  	[sflag:s28] =	ssyncset.done $0x0  }
0x6c: {  	[sflag:s28] =	ssyncadd.s32 $0xFFFFC000  }
0x6d: {  	[tilespmem:s26], [sflag:$0x7] =	stream.linear.gather [spmem:s14], $0x4000, $0x38;
	[tilespmem:$0x1C200] =	vst v63  }
0x6e: {  	_ =	swait.ge [sflag:s28], $0x4000  }
0x6f: {  	[sflag:s28] =	ssyncset.done $0x0;
	s23 =	rddreg [dreg:$0xa]  }
0x70: {  	s21 =	sadd.s32 s20, s23;
	[sflag:s28] =	ssyncadd.s32 $0xFFFFC000  }
0x71: {  	[hbm4b:s21+s3] =	stream.linear.scatter [tilespmem:s26], [sflag:$0x7], $0x4000, $0x38;
	[tilespmem:$0x1C200] =	vst v63  }
0x72: {  	_ =	swait.ge [sflag:s28], $0x4000  }
0x73: {  	[sflag:s28] =	ssyncset.done $0x0  }
0x74: {  	[sflag:s28] =	ssyncadd.s32 $0xFFFFC000  }
0x75: {  	[tilespmem:s26], [sflag:$0x7] =	stream.linear.gather [spmem:s15], $0x4000, $0x38;
	[tilespmem:$0x1C200] =	vst v63  }
0x76: {  	_ =	swait.ge [sflag:s28], $0x4000  }
0x77: {  	[sflag:s28] =	ssyncset.done $0x0;
	s24 =	rddreg [dreg:$0xb]  }
0x78: {  	s21 =	sadd.s32 s20, s24;
	[sflag:s28] =	ssyncadd.s32 $0xFFFFC000  }
0x79: {  	[hbm4b:s21+s3] =	stream.linear.scatter [tilespmem:s26], [sflag:$0x7], $0x4000, $0x38;
	[tilespmem:$0x1C200] =	vst v63  }
0x7a: {  	_ =	swait.ge [sflag:s28], $0x4000  }
0x7b: {  	[sflag:s28] =	ssyncset.done $0x0  }
0x7c: {  	[sflag:s28] =	ssyncadd.s32 $0xFFFFC000  }
0x7d: {  	[tilespmem:s26], [sflag:$0x7] =	stream.linear.gather [spmem:s16], $0x4000, $0x38;
	[tilespmem:$0x1C200] =	vst v63  }
0x7e: {  	_ =	swait.ge [sflag:s28], $0x4000  }
0x7f: {  	[sflag:s28] =	ssyncset.done $0x0;
	s22 =	rddreg [dreg:$0xc]  }
0x80: {  	s23 =	sadd.s32 s20, s22;
	[sflag:s28] =	ssyncadd.s32 $0xFFFFC000  }
0x81: {  	[hbm4b:s23+s3] =	stream.linear.scatter [tilespmem:s26], [sflag:$0x7], $0x4000, $0x38;
	[tilespmem:$0x1C200] =	vst v63  }
0x82: {  	_ =	swait.ge [sflag:s28], $0x4000  }
0x83: {  	s19 =	sadd.s32 $0x1, s19;
	s24 =	rddreg [dreg:$0xd]  }
0x84: {  	p1 =	sne.s32 s19, s24  }
.Ltmp1:
0x85: {  	_ = 	snop;
	(pc) =	sbr.rel @!p1 .LBB2_9-.Ltmp1, $3  }
0x86: {  	_ =	sdelay $0x1  }
0x87: {  	[sflag:s28] =	ssyncset.done $0x0  }
0x88: {  	[sflag:s28] =	ssyncadd.s32 $0xFFFFC000  }
.LBB2_1:
0x89: {  	s20 =	rddreg [dreg:$0x4]  }
0x8a: {  	[tilespmem:s26], [sflag:$0x7] =	stream.linear.gather [hbm4b:s20+s3], $0x4000, $0x38;
	[tilespmem:$0x1C200] =	vst v63  }
0x8b: {  	_ =	swait.ge [sflag:s28], $0x4000  }
0x8c: {  	[sflag:s28] =	ssyncset.done $0x0  }
0x8d: {  	[sflag:s28] =	ssyncadd.s32 $0xFFFFC000  }
0x8e: {  	[spmem:s11] =	stream.linear.scatter [tilespmem:s26], [sflag:$0x7], $0x4000, $0x38;
	[tilespmem:$0x1C200] =	vst v63  }
0x8f: {  	_ =	swait.ge [sflag:s28], $0x4000  }
0x90: {  	[sflag:s28] =	ssyncset.done $0x0  }
0x91: {  	[sflag:s28] =	ssyncadd.s32 $0xFFFFC000  }
0x92: {  	[spmem:s12] =	stream.linear.scatter [tilespmem:s26], [sflag:$0x7], $0x4000, $0x38;
	[tilespmem:$0x1C200] =	vst v63  }
0x93: {  	_ =	swait.ge [sflag:s28], $0x4000  }
0x94: {  	[sflag:s28] =	ssyncset.done $0x0  }
0x95: {  	[sflag:s28] =	ssyncadd.s32 $0xFFFFC000  }
0x96: {  	[spmem:s14] =	stream.linear.scatter [tilespmem:s26], [sflag:$0x7], $0x4000, $0x38;
	[tilespmem:$0x1C200] =	vst v63  }
0x97: {  	_ =	swait.ge [sflag:s28], $0x4000  }
0x98: {  	[sflag:s28] =	ssyncset.done $0x0  }
0x99: {  	[sflag:s28] =	ssyncadd.s32 $0xFFFFC000  }
0x9a: {  	[spmem:s15] =	stream.linear.scatter [tilespmem:s26], [sflag:$0x7], $0x4000, $0x38;
	[tilespmem:$0x1C200] =	vst v63  }
0x9b: {  	_ =	swait.ge [sflag:s28], $0x4000  }
0x9c: {  	[sflag:s28] =	ssyncset.done $0x0  }
0x9d: {  	[sflag:s28] =	ssyncadd.s32 $0xFFFFC000  }
0x9e: {  	[spmem:s16] =	stream.linear.scatter [tilespmem:s26], [sflag:$0x7], $0x4000, $0x38;
	[tilespmem:$0x1C200] =	vst v63  }
0x9f: {  	_ =	swait.ge [sflag:s28], $0x4000  }
0xa0: {  	[sflag:s28] =	ssyncset.done $0x0  }
0xa1: {  	[sflag:s28] =	ssyncadd.s32 $0xFFFFC000  }
0xa2: {  	[bflag:$0x0] =	sbarrier.arrive $0xFFFF  }
0xa3: {  	s23 =	rddreg [dreg:$0x7]  }
0xa4: {  	[tilespmem:s3], [sflag:$0x7] =	stream.linear.gather [hbm4b:s23+s3], $0x80, $0x38;
	[tilespmem:$0x1C200] =	vst v63  }
0xa5: {  	_ =	swait.ge [sflag:s28], $0x80  }
0xa6: {  	[sflag:s28] =	ssyncset.done $0x0  }
.Ltmp2:
0xa7: {  	s24 =	rddreg [dreg:$0x8];
	[sflag:s28] =	ssyncadd.s32 $0xFFFFFF80;
	(pc) =	sbr.rel @!p0 .LBB2_2-.Ltmp2, $4  }
0xa8: {  	[tilespmem:s29], [sflag:$0x7] =	stream.linear.gather [hbm4b:s24+s3], $0x80, $0x38;
	[tilespmem:$0x1C200] =	vst v63  }
0xa9: {  	_ =	swait.ge [sflag:s28], $0x80  }
0xaa: {  	[sflag:s28] =	ssyncset.done $0x0  }
0xab: {  	[sflag:s28] =	ssyncadd.s32 $0xFFFFFF80  }
0xac: {  	[tilespmem:s26], [sflag:$0x1] =	stream.indirect.gather [hbm4b:s5+s30], $0x80, s3, s30, $0xb8;
	[tilespmem:$0x1C200] =	vst v63  }
0xad: {  	s20 =	simm.s32 $0x0  }
0xae: {  	s21 =	sand.u32 $0x3C00, s20  }
0xaf: {  	s20 =	sand.u32 $0x300, s20;
	s21 =	sadd.s32 s13, s21  }
0xb0: {  	s20 =	sor.u32 s21, s20  }
0xb1: {  	s20 =	sor.u32 $0x80, s20  }
0xb2: {  	s20 =	sshrl.u32 s20, $0x3  }
0xb3: {  	s22 =	sadd.s32 s6, s20  }
0xb4: {  	[tilespmem:s30], [sflag:$0x6] =	stream.linear.gather [hbm4b:s22+s3], $0x80, $0x38;
	[tilespmem:$0x1C200] =	vst v63  }
0xb5: {  	s20 =	sadd.s32 s7, s20  }
0xb6: {  	[tilespmem:s31], [sflag:$0x6] =	stream.linear.gather [hbm4b:s20+s3], $0x80, $0x38;
	[tilespmem:$0x1C200] =	vst v63  }
0xb7: {  	_ =	swait.ge [sflag:s0], $0x4000  }
0xb8: {  	[sflag:s0] =	ssyncset.done $0x0  }
0xb9: {  	[sflag:s0] =	ssyncadd.s32 $0xFFFFC000  }
0xba: {  	_ =	swait.ge [sflag:s4], $0x80  }
0xbb: {  	[sflag:s4] =	ssyncset.done $0x0  }
0xbc: {  	[sflag:s4] =	ssyncadd.s32 $0xFFFFFF80  }
0xbd: {  	_ =	swait.ge [sflag:s4], $0x80  }
0xbe: {  	[sflag:s4] =	ssyncset.done $0x0  }
0xbf: {  	[sflag:s4] =	ssyncadd.s32 $0xFFFFFF80  }
0xc0: {  	[tilespmem:s9], [sflag:$0x2] =	stream.indirect.gather [hbm4b:s5+s30], $0x80, s30, s30, $0xb8;
	[tilespmem:$0x1C200] =	vst v63  }
0xc1: {  	_ = 	snop  }
0xc2: {  	[spmem:s2] =	stream.indirect.scatter.add.f32 [tilespmem:s26], [sflag:$0x3], $0x80, s29, s30, $0xb8;
	[tilespmem:$0x1C200] =	vst v63  }
0xc3: {  	s23 =	simm.s32 $0x100;
	_ =	swait.ge [sflag:s10], $0x4000  }
0xc4: {  	s24 =	sand.u32 $0x7C00, s23;
	[sflag:s10] =	ssyncset.done $0x0  }
0xc5: {  	s21 =	sadd.s32 s13, s24;
	s20 =	sand.u32 $0x300, s23;
	[sflag:s10] =	ssyncadd.s32 $0xFFFFC000  }
0xc6: {  	[spmem:s2] =	stream.indirect.scatter.add.f32 [tilespmem:s9], [sflag:$0x4], $0x80, s31, s30, $0xb8;
	[tilespmem:$0x1C200] =	vst v63  }
0xc7: {  	s20 =	sor.u32 s20, s21;
	_ =	swait.ge [sflag:s8], $0x4000  }
0xc8: {  	s20 =	sshrl.u32 s20, $0x3;
	[sflag:s8] =	ssyncset.done $0x0  }
0xc9: {  	s22 =	sadd.s32 s6, s20;
	[sflag:s8] =	ssyncadd.s32 $0xFFFFC000  }
0xca: {  	[tilespmem:s3], [sflag:$0x5] =	stream.linear.gather [hbm4b:s22+s3], $0x80, $0x38;
	[tilespmem:$0x1C200] =	vst v63  }
0xcb: {  	s23 =	simm.s32 $0x100;
	s20 =	sadd.s32 s7, s20  }
0xcc: {  	[tilespmem:s29], [sflag:$0x5] =	stream.linear.gather [hbm4b:s20+s3], $0x80, $0x38;
	[tilespmem:$0x1C200] =	vst v63  }
0xcd: {  	s24 =	sand.u32 $0x3C00, s23;
	_ =	swait.ge [sflag:s17], $0x80  }
0xce: {  	s21 =	sand.u32 $0x300, s23;
	s20 =	sadd.s32 s13, s24;
	[sflag:s17] =	ssyncset.done $0x0  }
0xcf: {  	s21 =	sor.u32 s20, s21;
	[sflag:s17] =	ssyncadd.s32 $0xFFFFFF80  }
0xd0: {  	s20 =	simm.s32 $0x200;
	s22 =	sor.u32 $0x80, s21;
	_ =	swait.ge [sflag:s17], $0x80  }
0xd1: {  	s21 =	simm.s32 $0x300;
	s22 =	sshrl.u32 s22, $0x3;
	[sflag:s17] =	ssyncset.done $0x0  }
.LBB2_6:
0xd2: {  	p1 =	sne.s32 s21, $0x2700  }
0xd3: {  	[sflag:s17] =	ssyncadd.s32 $0xFFFFFF80;
	s23 =	smov.u32 s21;
	s21 =	sadd.s32 $0x100, s21  }
0xd4: {  	[tilespmem:s26], [sflag:$0x1] =	stream.indirect.gather [hbm4b:s5+s30], $0x80, s3, s30, $0xb8;
	[tilespmem:$0x1C200] =	vst v63  }
0xd5: {  	_ =	swait.ge [sflag:s18], $0x4000  }
0xd6: {  	s24 =	sadd.s32 s6, s22;
	[sflag:s18] =	ssyncset.done $0x0  }
0xd7: {  	[sflag:s18] =	ssyncadd.s32 $0xFFFFC000  }
0xd8: {  	[tilespmem:s30], [sflag:$0x6] =	stream.linear.gather [hbm4b:s24+s3], $0x80, $0x38;
	[tilespmem:$0x1C200] =	vst v63  }
0xd9: {  	s22 =	sadd.s32 s7, s22  }
0xda: {  	[tilespmem:s31], [sflag:$0x6] =	stream.linear.gather [hbm4b:s22+s3], $0x80, $0x38;
	[tilespmem:$0x1C200] =	vst v63  }
0xdb: {  	_ =	swait.ge [sflag:s0], $0x4000  }
0xdc: {  	[sflag:s0] =	ssyncset.done $0x0  }
0xdd: {  	[sflag:s0] =	ssyncadd.s32 $0xFFFFC000  }
0xde: {  	_ =	swait.ge [sflag:s4], $0x80  }
0xdf: {  	[sflag:s4] =	ssyncset.done $0x0  }
0xe0: {  	[sflag:s4] =	ssyncadd.s32 $0xFFFFFF80  }
0xe1: {  	_ =	swait.ge [sflag:s4], $0x80  }
0xe2: {  	[sflag:s4] =	ssyncset.done $0x0  }
0xe3: {  	[sflag:s4] =	ssyncadd.s32 $0xFFFFFF80  }
0xe4: {  	[tilespmem:s9], [sflag:$0x2] =	stream.indirect.gather [hbm4b:s5+s30], $0x80, s30, s30, $0xb8;
	[tilespmem:$0x1C200] =	vst v63  }
0xe5: {  	_ = 	snop  }
0xe6: {  	[spmem:s2] =	stream.indirect.scatter.add.f32 [tilespmem:s26], [sflag:$0x3], $0x80, s29, s30, $0xb8;
	[tilespmem:$0x1C200] =	vst v63  }
0xe7: {  	_ =	swait.ge [sflag:s10], $0x4000  }
0xe8: {  	s22 =	sand.u32 $0x7C00, s20;
	[sflag:s10] =	ssyncset.done $0x0  }
0xe9: {  	s20 =	sand.u32 $0x300, s20;
	s22 =	sadd.s32 s13, s22;
	[sflag:s10] =	ssyncadd.s32 $0xFFFFC000  }
0xea: {  	[spmem:s2] =	stream.indirect.scatter.add.f32 [tilespmem:s9], [sflag:$0x4], $0x80, s31, s30, $0xb8;
	[tilespmem:$0x1C200] =	vst v63  }
0xeb: {  	s22 =	sor.u32 s20, s22;
	s20 =	smov.u32 s23;
	_ =	swait.ge [sflag:s8], $0x4000  }
0xec: {  	s22 =	sshrl.u32 s22, $0x3;
	[sflag:s8] =	ssyncset.done $0x0  }
0xed: {  	s23 =	sadd.s32 s6, s22;
	s22 =	sadd.s32 s7, s22;
	[sflag:s8] =	ssyncadd.s32 $0xFFFFC000  }
0xee: {  	[tilespmem:s3], [sflag:$0x5] =	stream.linear.gather [hbm4b:s23+s3], $0x80, $0x38;
	[tilespmem:$0x1C200] =	vst v63  }
0xef: {  	s23 =	sadd.s32 $0xFFFFFF00, s20  }
0xf0: {  	[tilespmem:s29], [sflag:$0x5] =	stream.linear.gather [hbm4b:s22+s3], $0x80, $0x38;
	[tilespmem:$0x1C200] =	vst v63  }
.Ltmp3:
0xf1: {  	s22 =	sand.u32 $0x3C00, s23;
	_ =	swait.ge [sflag:s17], $0x80;
	(pc) =	sbr.rel @p1 .LBB2_6-.Ltmp3, $4  }
0xf2: {  	s23 =	sand.u32 $0x300, s23;
	s22 =	sadd.s32 s13, s22;
	[sflag:s17] =	ssyncset.done $0x0  }
0xf3: {  	s22 =	sor.u32 s22, s23;
	[sflag:s17] =	ssyncadd.s32 $0xFFFFFF80  }
0xf4: {  	s22 =	sor.u32 $0x80, s22;
	_ =	swait.ge [sflag:s17], $0x80  }
0xf5: {  	s22 =	sshrl.u32 s22, $0x3;
	[sflag:s17] =	ssyncset.done $0x0  }
.Ltmp4:
0xf6: {  	_ = 	snop;
	(pc) =	sbr.rel .LBB2_7-.Ltmp4, $1  }
0xf7: {  	_ =	sdelay $0x3  }
.LBB2_2:
0xf8: {  	[tilespmem:s26], [sflag:$0x1] =	stream.indirect.gather [hbm4b:s1+s30], $0x80, s3, s30, $0xb8;
	[tilespmem:$0x1C200] =	vst v63  }
0xf9: {  	s20 =	simm.s32 $0x0  }
0xfa: {  	s21 =	sand.u32 $0x3C00, s20  }
0xfb: {  	s20 =	sand.u32 $0x300, s20;
	s21 =	sadd.s32 s13, s21  }
0xfc: {  	s20 =	sor.u32 s21, s20  }
0xfd: {  	s20 =	sor.u32 $0x80, s20  }
0xfe: {  	s20 =	sshrl.u32 s20, $0x3  }
0xff: {  	s22 =	sadd.s32 s6, s20  }
0x100: {  	[tilespmem:s30], [sflag:$0x6] =	stream.linear.gather [hbm4b:s22+s3], $0x80, $0x38;
	[tilespmem:$0x1C200] =	vst v63  }
0x101: {  	s20 =	sadd.s32 s7, s20  }
0x102: {  	[tilespmem:s31], [sflag:$0x6] =	stream.linear.gather [hbm4b:s20+s3], $0x80, $0x38;
	[tilespmem:$0x1C200] =	vst v63  }
0x103: {  	_ =	swait.ge [sflag:s0], $0x4000  }
0x104: {  	[sflag:s0] =	ssyncset.done $0x0  }
0x105: {  	[sflag:s0] =	ssyncadd.s32 $0xFFFFC000  }
0x106: {  	_ =	swait.ge [sflag:s4], $0x80  }
0x107: {  	[sflag:s4] =	ssyncset.done $0x0  }
0x108: {  	[sflag:s4] =	ssyncadd.s32 $0xFFFFFF80  }
0x109: {  	_ =	swait.ge [sflag:s4], $0x80  }
0x10a: {  	[sflag:s4] =	ssyncset.done $0x0  }
0x10b: {  	[sflag:s4] =	ssyncadd.s32 $0xFFFFFF80  }
0x10c: {  	[tilespmem:s9], [sflag:$0x2] =	stream.indirect.gather [hbm4b:s1+s30], $0x80, s30, s30, $0xb8;
	[tilespmem:$0x1C200] =	vst v63  }
0x10d: {  	_ = 	snop  }
0x10e: {  	[spmem:s2] =	stream.indirect.scatter.add.f32 [tilespmem:s26], [sflag:$0x3], $0x80, s29, s30, $0xb8;
	[tilespmem:$0x1C200] =	vst v63  }
0x10f: {  	s23 =	simm.s32 $0x100;
	_ =	swait.ge [sflag:s10], $0x4000  }
0x110: {  	s24 =	sand.u32 $0x7C00, s23;
	[sflag:s10] =	ssyncset.done $0x0  }
0x111: {  	s21 =	sadd.s32 s13, s24;
	s20 =	sand.u32 $0x300, s23;
	[sflag:s10] =	ssyncadd.s32 $0xFFFFC000  }
0x112: {  	[spmem:s2] =	stream.indirect.scatter.add.f32 [tilespmem:s9], [sflag:$0x4], $0x80, s31, s30, $0xb8;
	[tilespmem:$0x1C200] =	vst v63  }
0x113: {  	s20 =	sor.u32 s20, s21;
	_ =	swait.ge [sflag:s8], $0x4000  }
0x114: {  	s20 =	sshrl.u32 s20, $0x3;
	[sflag:s8] =	ssyncset.done $0x0  }
0x115: {  	s22 =	sadd.s32 s6, s20;
	[sflag:s8] =	ssyncadd.s32 $0xFFFFC000  }
0x116: {  	[tilespmem:s3], [sflag:$0x5] =	stream.linear.gather [hbm4b:s22+s3], $0x80, $0x38;
	[tilespmem:$0x1C200] =	vst v63  }
0x117: {  	s23 =	simm.s32 $0x100;
	s20 =	sadd.s32 s7, s20  }
0x118: {  	[tilespmem:s29], [sflag:$0x5] =	stream.linear.gather [hbm4b:s20+s3], $0x80, $0x38;
	[tilespmem:$0x1C200] =	vst v63  }
0x119: {  	s24 =	sand.u32 $0x3C00, s23;
	_ =	swait.ge [sflag:s17], $0x80  }
0x11a: {  	s21 =	sand.u32 $0x300, s23;
	s20 =	sadd.s32 s13, s24;
	[sflag:s17] =	ssyncset.done $0x0  }
0x11b: {  	s21 =	sor.u32 s20, s21;
	[sflag:s17] =	ssyncadd.s32 $0xFFFFFF80  }
0x11c: {  	s20 =	simm.s32 $0x200;
	s22 =	sor.u32 $0x80, s21;
	_ =	swait.ge [sflag:s17], $0x80  }
0x11d: {  	s21 =	simm.s32 $0x300;
	s22 =	sshrl.u32 s22, $0x3;
	[sflag:s17] =	ssyncset.done $0x0  }
.LBB2_3:
0x11e: {  	p1 =	seq.s32 s21, $0x2700  }
0x11f: {  	[sflag:s17] =	ssyncadd.s32 $0xFFFFFF80;
	s23 =	smov.u32 s21;
	s21 =	sadd.s32 $0x100, s21  }
0x120: {  	[tilespmem:s26], [sflag:$0x1] =	stream.indirect.gather [hbm4b:s1+s30], $0x80, s3, s30, $0xb8;
	[tilespmem:$0x1C200] =	vst v63  }
0x121: {  	_ =	swait.ge [sflag:s18], $0x4000  }
0x122: {  	s24 =	sadd.s32 s6, s22;
	[sflag:s18] =	ssyncset.done $0x0  }
0x123: {  	[sflag:s18] =	ssyncadd.s32 $0xFFFFC000  }
0x124: {  	[tilespmem:s30], [sflag:$0x6] =	stream.linear.gather [hbm4b:s24+s3], $0x80, $0x38;
	[tilespmem:$0x1C200] =	vst v63  }
0x125: {  	s22 =	sadd.s32 s7, s22  }
0x126: {  	[tilespmem:s31], [sflag:$0x6] =	stream.linear.gather [hbm4b:s22+s3], $0x80, $0x38;
	[tilespmem:$0x1C200] =	vst v63  }
0x127: {  	_ =	swait.ge [sflag:s0], $0x4000  }
0x128: {  	[sflag:s0] =	ssyncset.done $0x0  }
0x129: {  	[sflag:s0] =	ssyncadd.s32 $0xFFFFC000  }
0x12a: {  	_ =	swait.ge [sflag:s4], $0x80  }
0x12b: {  	[sflag:s4] =	ssyncset.done $0x0  }
0x12c: {  	[sflag:s4] =	ssyncadd.s32 $0xFFFFFF80  }
0x12d: {  	_ =	swait.ge [sflag:s4], $0x80  }
0x12e: {  	[sflag:s4] =	ssyncset.done $0x0  }
0x12f: {  	[sflag:s4] =	ssyncadd.s32 $0xFFFFFF80  }
0x130: {  	[tilespmem:s9], [sflag:$0x2] =	stream.indirect.gather [hbm4b:s1+s30], $0x80, s30, s30, $0xb8;
	[tilespmem:$0x1C200] =	vst v63  }
0x131: {  	_ = 	snop  }
0x132: {  	[spmem:s2] =	stream.indirect.scatter.add.f32 [tilespmem:s26], [sflag:$0x3], $0x80, s29, s30, $0xb8;
	[tilespmem:$0x1C200] =	vst v63  }
0x133: {  	_ =	swait.ge [sflag:s10], $0x4000  }
0x134: {  	s22 =	sand.u32 $0x7C00, s20;
	[sflag:s10] =	ssyncset.done $0x0  }
0x135: {  	s20 =	sand.u32 $0x300, s20;
	s22 =	sadd.s32 s13, s22;
	[sflag:s10] =	ssyncadd.s32 $0xFFFFC000  }
0x136: {  	[spmem:s2] =	stream.indirect.scatter.add.f32 [tilespmem:s9], [sflag:$0x4], $0x80, s31, s30, $0xb8;
	[tilespmem:$0x1C200] =	vst v63  }
0x137: {  	s22 =	sor.u32 s20, s22;
	s20 =	smov.u32 s23;
	_ =	swait.ge [sflag:s8], $0x4000  }
0x138: {  	s22 =	sshrl.u32 s22, $0x3;
	[sflag:s8] =	ssyncset.done $0x0  }
0x139: {  	s23 =	sadd.s32 s6, s22;
	s22 =	sadd.s32 s7, s22;
	[sflag:s8] =	ssyncadd.s32 $0xFFFFC000  }
0x13a: {  	[tilespmem:s3], [sflag:$0x5] =	stream.linear.gather [hbm4b:s23+s3], $0x80, $0x38;
	[tilespmem:$0x1C200] =	vst v63  }
0x13b: {  	s23 =	sadd.s32 $0xFFFFFF00, s20  }
0x13c: {  	[tilespmem:s29], [sflag:$0x5] =	stream.linear.gather [hbm4b:s22+s3], $0x80, $0x38;
	[tilespmem:$0x1C200] =	vst v63  }
.Ltmp5:
0x13d: {  	s22 =	sand.u32 $0x3C00, s23;
	_ =	swait.ge [sflag:s17], $0x80;
	(pc) =	sbr.rel @!p1 .LBB2_3-.Ltmp5, $4  }
0x13e: {  	s23 =	sand.u32 $0x300, s23;
	s22 =	sadd.s32 s13, s22;
	[sflag:s17] =	ssyncset.done $0x0  }
0x13f: {  	s22 =	sor.u32 s22, s23;
	[sflag:s17] =	ssyncadd.s32 $0xFFFFFF80  }
0x140: {  	s22 =	sor.u32 $0x80, s22;
	_ =	swait.ge [sflag:s17], $0x80  }
0x141: {  	s22 =	sshrl.u32 s22, $0x3;
	[sflag:s17] =	ssyncset.done $0x0  }
0x142: {  	[sflag:s17] =	ssyncadd.s32 $0xFFFFFF80  }
0x143: {  	[tilespmem:s26], [sflag:$0x1] =	stream.indirect.gather [hbm4b:s1+s30], $0x80, s3, s30, $0xb8;
	[tilespmem:$0x1C200] =	vst v63  }
0x144: {  	_ =	swait.ge [sflag:s18], $0x4000  }
0x145: {  	[sflag:s18] =	ssyncset.done $0x0  }
0x146: {  	s21 =	sadd.s32 s6, s22;
	[sflag:s18] =	ssyncadd.s32 $0xFFFFC000  }
0x147: {  	[tilespmem:s30], [sflag:$0x6] =	stream.linear.gather [hbm4b:s21+s3], $0x80, $0x38;
	[tilespmem:$0x1C200] =	vst v63  }
0x148: {  	s24 =	sadd.s32 s7, s22  }
0x149: {  	[tilespmem:s31], [sflag:$0x6] =	stream.linear.gather [hbm4b:s24+s3], $0x80, $0x38;
	[tilespmem:$0x1C200] =	vst v63  }
0x14a: {  	_ =	swait.ge [sflag:s0], $0x4000  }
0x14b: {  	[sflag:s0] =	ssyncset.done $0x0  }
0x14c: {  	[sflag:s0] =	ssyncadd.s32 $0xFFFFC000  }
0x14d: {  	_ =	swait.ge [sflag:s4], $0x80  }
0x14e: {  	[sflag:s4] =	ssyncset.done $0x0  }
0x14f: {  	[sflag:s4] =	ssyncadd.s32 $0xFFFFFF80  }
0x150: {  	_ =	swait.ge [sflag:s4], $0x80  }
0x151: {  	[sflag:s4] =	ssyncset.done $0x0  }
0x152: {  	[sflag:s4] =	ssyncadd.s32 $0xFFFFFF80  }
0x153: {  	[tilespmem:s9], [sflag:$0x2] =	stream.indirect.gather [hbm4b:s1+s30], $0x80, s30, s30, $0xb8;
	[tilespmem:$0x1C200] =	vst v63  }
0x154: {  	_ = 	snop  }
0x155: {  	[spmem:s2] =	stream.indirect.scatter.add.f32 [tilespmem:s26], [sflag:$0x3], $0x80, s29, s30, $0xb8;
	[tilespmem:$0x1C200] =	vst v63  }
0x156: {  	_ =	swait.ge [sflag:s10], $0x4000  }
0x157: {  	s22 =	sand.u32 $0x7C00, s20;
	[sflag:s10] =	ssyncset.done $0x0  }
0x158: {  	s23 =	sand.u32 $0x300, s20;
	s21 =	sadd.s32 s13, s22;
	[sflag:s10] =	ssyncadd.s32 $0xFFFFC000  }
0x159: {  	[spmem:s2] =	stream.indirect.scatter.add.f32 [tilespmem:s9], [sflag:$0x4], $0x80, s31, s30, $0xb8;
	[tilespmem:$0x1C200] =	vst v63  }
0x15a: {  	s20 =	sor.u32 s23, s21;
	_ =	swait.ge [sflag:s8], $0x4000  }
0x15b: {  	s20 =	sshrl.u32 s20, $0x3;
	[sflag:s8] =	ssyncset.done $0x0  }
0x15c: {  	s24 =	sadd.s32 s6, s20;
	[sflag:s8] =	ssyncadd.s32 $0xFFFFC000  }
0x15d: {  	[tilespmem:s3], [sflag:$0x5] =	stream.linear.gather [hbm4b:s24+s3], $0x80, $0x38;
	[tilespmem:$0x1C200] =	vst v63  }
0x15e: {  	s20 =	sadd.s32 s7, s20  }
0x15f: {  	[tilespmem:s29], [sflag:$0x5] =	stream.linear.gather [hbm4b:s20+s3], $0x80, $0x38;
	[tilespmem:$0x1C200] =	vst v63  }
0x160: {  	_ =	swait.ge [sflag:s17], $0x80  }
0x161: {  	[sflag:s17] =	ssyncset.done $0x0  }
0x162: {  	[sflag:s17] =	ssyncadd.s32 $0xFFFFFF80  }
0x163: {  	_ =	swait.ge [sflag:s17], $0x80  }
0x164: {  	[sflag:s17] =	ssyncset.done $0x0  }
.Ltmp6:
0x165: {  	[sflag:s17] =	ssyncadd.s32 $0xFFFFFF80;
	(pc) =	sbr.rel .LBB2_8-.Ltmp6, $4  }
0x166: {  	[tilespmem:s26], [sflag:$0x1] =	stream.indirect.gather [hbm4b:s1+s30], $0x80, s3, s30, $0xb8;
	[tilespmem:$0x1C200] =	vst v63  }
0x167: {  	_ =	swait.ge [sflag:s18], $0x4000  }
0x168: {  	[sflag:s18] =	ssyncset.done $0x0  }
0x169: {  	s21 =	smov.u32 s1;
	s20 =	rddreg [dreg:$0x5];
	[sflag:s18] =	ssyncadd.s32 $0xFFFFC000  }
.LBB2_9:
0x16a: {  	_ =	sfence.sel $0x180000  }
0x16b: {  	[bflag:$0x0] =	sbarrier.arrive $0xFFFF  }
0x16c: {  	_ =	strace $0x9000004D  }
0x16d: {  	s0 =	stileid.u32;
	[bflag:$0x2] =	sbarrier.arrive $0xFFFF  }
0x16e: {  	p0 =	sne.s32 s0, $0x0;
	s0 =	rddreg [dreg:$0x3]  }
0x16f: {  	s0 =	sadd.s32 @!p0 $0x100000, s0  }
0x170: {  	[sflag:s0] =	ssyncadd.tile.s32 @!p0 $0x1;
	_ =	shalt  }
.Lfunc_end2:
_tile_overlayer_lowered:
.L_overlay_start_2:
0x171: {  	(tag) =	ssettag $0x2  }
0x172: {  	s0 =	rddreg [dreg:$0x0];
	s2 =	stileid.u32  }
0x173: {  	s1 =	rddreg [dreg:$0x1];
	p0 =	sne.s32 s2, $0x0  }
0x174: {  	s3 =	rddreg [dreg:$0x2];
	[bflag:$0x3] =	sbarrier.arrive $0xFFFF;
	s2 =	simm.s32 @!p0 $0x1C07  }
0x175: {  	[timem:s3], [sflag:s2] =	dma.local @!p0 [hbm:s0], s1  }
0x176: {  	s0 =	simm.s32 @!p0 $0x7  }
0x177: {  	_ =	swait.ge @!p0 [sflag:s0], s1  }
0x178: {  	s1 =	ssub.s32 @!p0 $0x0, s1;
	[sflag:s0] =	ssyncset.done @!p0 $0x0  }
0x179: {  	[sflag:s0] =	ssyncadd.s32 @!p0 s1  }
0x17a: {  	[bflag:$0x3] =	sbarrier.arrive $0xFFFF  }
0x17b: {  	_ =	shalt  }

// kernel: kernel.8.cloned.1.call-start
scs
__scs_entry_jumppad:
0x0: {  	(pc) =	sbr.rel $0x88, $3  }
0x1: {  	(tag) =	ssettag $0x0;
	lr =	simm.s32 $0x1  }
0x2: {  	[smem:$0x3F9B] =	sst lr;
	_ =	strace $0xD0000000  }
0x3: {  	_ = 	snop  }
0x4: {  	_ = 	snop  }
0x5: {  	_ = 	snop  }
0x6: {  	_ = 	snop  }
0x7: {  	_ = 	snop  }
__scs_overlays_trampoline_lowered:
0x8: {  	[smem:$0x3FAA] =	sst s0  }
0x9: {  	[smem:$0x3FAB] =	sst s1  }
0xa: {  	[smem:$0x3FAC] =	sst s2  }
0xb: {  	[smem:$0x3FAD] =	sst s3  }
0xc: {  	[smem:$0x3FAE] =	sst s4  }
0xd: {  	[smem:$0x3FAF] =	sst s5  }
0xe: {  	[smem:$0x3FB0] =	sst s6  }
0xf: {  	[smem:$0x3FB1] =	sst s7  }
0x10: {  	[smem:$0x3FB2] =	sst s8  }
0x11: {  	[smem:$0x3FB3] =	sst s9;
	s0 =	simm.s32 @!p0 $0x0  }
0x12: {  	s1 =	sld [smem:$0x3F99];
	s0 =	simm.s32 @p0 $0x1  }
0x13: {  	[smem:$0x3FB4] =	sst s0;
	s0 =	simm.s32 @!p1 $0x0  }
0x14: {  	s2 =	sld [smem:$0x3F98];
	s0 =	simm.s32 @p1 $0x1  }
0x15: {  	[smem:$0x3FB5] =	sst s0;
	s0 =	simm.s32 @!p2 $0x0  }
0x16: {  	s3 =	sld [smem:$0x3FDB];
	s0 =	simm.s32 @p2 $0x1  }
0x17: {  	s4 =	simm.s32 $0x1BF5;
	[smem:$0x3FB7] =	sst s0  }
0x18: {  	s0 =	sld [smem:$0x3F9A];
	_ =	swait.ge [sflag:s4], $0x0  }
0x19: {  	s7 =	sld [smem:$0x3F9B]  }
0x1a: {  	s8 =	sadd.s32 $0xFFFFE003, lr  }
0x1b: {  	s9 =	sadd.s32 $0xFFFFFEF7, lr;
	s5 =	simm.s32 $0xFFFFFFFF;
	p2 =	slt.u32 s8, $0xFFFFF086  }
0x1c: {  	p1 =	slt.u32 s9, $0xF7A;
	s5 =	simm.s32 @!p2 $0x0  }
0x1d: {  	s5 =	simm.s32 @p1 $0x1;
	p0 =	seq.s32 s7, s2  }
0x1e: {  	s7 =	smul.u32 @!p0 $0xF7A, s2;
	p2 =	seq.s32 @!p0 s5, $0x0  }
0x1f: {  	s9 =	smul.u32 $0xF7A, s1;
	s8 =	simm.s32 @!p0 $0x1BF5;
	p2 =	por !p2, p0  }
0x20: {  	[sflag:s8] =	ssyncset.s32 @!p0 $0xFFFFF086;
	s6 =	sadd.s32 @!p0 s3, s7;
	s7 =	simm.s32 @!p0 $0x108  }
0x21: {  	s3 =	sadd.s32 s3, s9;
	s6 =	sadd.s32 @!p0 $0x88, s6;
	s7 =	simm.s32 @p2 $0x1082  }
0x22: {  	[simem:s7], [sflag:s8] =	dma.local @!p0 [hbm:s6], $0xF7A  }
0x23: {  	s9 =	sor.u32 $0xD0000000, s2;
	s6 =	simm.s32 $0x108;
	_ =	swait.ge @!p0 [sflag:s8], $0x0  }
0x24: {  	s3 =	sadd.s32 $0x88, s3;
	s6 =	simm.s32 @!p1 $0x1082;
	[sflag:s4] =	ssyncset.s32 $0xFFFFF086  }
0x25: {  	[simem:s6], [sflag:s4] =	dma.local [hbm:s3], $0xF7A  }
0x26: {  	[smem:$0x3F9B] =	sst s1;
	(tag) =	ssettag s2;
	_ =	strace s9  }
0x27: {  	s1 =	sld [smem:$0x3FAB]  }
0x28: {  	s2 =	sld [smem:$0x3FAC]  }
0x29: {  	s4 =	sld [smem:$0x3FAE]  }
0x2a: {  	p0 =	seq.s32 s5, $0x0;
	s5 =	sld [smem:$0x3FAF]  }
0x2b: {  	s6 =	sld [smem:$0x3FB0]  }
0x2c: {  	s7 =	sld [smem:$0x3FB1]  }
0x2d: {  	s3 =	simm.s32 $0x108;
	s8 =	sld [smem:$0x3FB2]  }
0x2e: {  	s3 =	simm.s32 @!p0 $0x1082;
	s9 =	sld [smem:$0x3FB3]  }
0x2f: {  	lr =	sadd.s32 s0, s3;
	s0 =	sld [smem:$0x3FAA]  }
0x30: {  	s3 =	sld [smem:$0x3FAD]  }
0x31: {  	[smem:$0x3FB6] =	sst s10  }
0x32: {  	s10 =	sld [smem:$0x3FB4];
	_ =	sdelay $0x3  }
0x33: {  	p0 =	seq.s32 s10, $0x1;
	s10 =	sld [smem:$0x3FB6];
	_ =	sdelay $0x3  }
0x34: {  	[smem:$0x3FB6] =	sst s10  }
0x35: {  	s10 =	sld [smem:$0x3FB5];
	_ =	sdelay $0x3  }
0x36: {  	p1 =	seq.s32 s10, $0x1;
	s10 =	sld [smem:$0x3FB6];
	_ =	sdelay $0x3  }
0x37: {  	[smem:$0x3FB6] =	sst s10  }
0x38: {  	s10 =	sld [smem:$0x3FB7]  }
0x39: {  	_ = 	snop;
	(pc) =	sbr.ind lr, $3  }
0x3a: {  	_ = 	snop  }
0x3b: {  	_ = 	snop  }
0x3c: {  	p2 =	seq.s32 s10, $0x1;
	s10 =	sld [smem:$0x3FB6]  }
0x3d: {  	_ =	shalt  }
0x3e: {  	_ =	shalt  }
0x3f: {  	_ =	shalt  }
0x40: {  	_ =	shalt  }
0x41: {  	_ =	shalt  }
0x42: {  	_ =	shalt  }
0x43: {  	_ =	shalt  }
0x44: {  	_ =	shalt  }
0x45: {  	_ =	shalt  }
0x46: {  	_ =	shalt  }
0x47: {  	_ =	shalt  }
0x48: {  	_ =	shalt  }
0x49: {  	_ =	shalt  }
0x4a: {  	_ =	shalt  }
0x4b: {  	_ =	shalt  }
0x4c: {  	_ =	shalt  }
0x4d: {  	_ =	shalt  }
0x4e: {  	_ =	shalt  }
0x4f: {  	_ =	shalt  }
0x50: {  	_ =	shalt  }
0x51: {  	_ =	shalt  }
0x52: {  	_ =	shalt  }
0x53: {  	_ =	shalt  }
0x54: {  	_ =	shalt  }
0x55: {  	_ =	shalt  }
0x56: {  	_ =	shalt  }
0x57: {  	_ =	shalt  }
0x58: {  	_ =	shalt  }
0x59: {  	_ =	shalt  }
0x5a: {  	_ =	shalt  }
0x5b: {  	_ =	shalt  }
0x5c: {  	_ =	shalt  }
0x5d: {  	_ =	shalt  }
0x5e: {  	_ =	shalt  }
0x5f: {  	_ =	shalt  }
0x60: {  	_ =	shalt  }
0x61: {  	_ =	shalt  }
0x62: {  	_ =	shalt  }
0x63: {  	_ =	shalt  }
0x64: {  	_ =	shalt  }
0x65: {  	_ =	shalt  }
0x66: {  	_ =	shalt  }
0x67: {  	_ =	shalt  }
0x68: {  	_ =	shalt  }
0x69: {  	_ =	shalt  }
0x6a: {  	_ =	shalt  }
0x6b: {  	_ =	shalt  }
0x6c: {  	_ =	shalt  }
0x6d: {  	_ =	shalt  }
0x6e: {  	_ =	shalt  }
0x6f: {  	_ =	shalt  }
0x70: {  	_ =	shalt  }
0x71: {  	_ =	shalt  }
0x72: {  	_ =	shalt  }
0x73: {  	_ =	shalt  }
0x74: {  	_ =	shalt  }
0x75: {  	_ =	shalt  }
0x76: {  	_ =	shalt  }
0x77: {  	_ =	shalt  }
0x78: {  	_ =	shalt  }
0x79: {  	_ =	shalt  }
0x7a: {  	_ =	shalt  }
0x7b: {  	_ =	shalt  }
0x7c: {  	_ =	shalt  }
0x7d: {  	_ =	shalt  }
0x7e: {  	_ =	shalt  }
0x7f: {  	_ =	shalt  }
0x80: {  	_ =	shalt  }
0x81: {  	_ =	shalt  }
0x82: {  	_ =	shalt  }
0x83: {  	_ =	shalt  }
0x84: {  	_ =	shalt  }
0x85: {  	_ =	shalt  }
0x86: {  	_ =	shalt  }
0x87: {  	_ =	shalt  }
.Lfunc_end0:
.L_simem_size_0:
called_computation_lowered:
.L_overlay_start_0:
0x88: {  	s2 =	sld [smem:$0x3FD9]  }
0x89: {  	s3 =	sld [smem:$0x3FFE];
	_ =	sdelay $0x1  }
0x8a: {  	s1 =	srdreg.scid  }
0x8b: {  	s0 =	sand.u32 $0x1, s1  }
0x8c: {  	s17 =	sshll.u32 s0, $0xA;
	s2 =	sadd.s32 s3, s2  }
0x8d: {  	s2 =	sadd.s32 s2, s17  }
0x8e: {  	[smem:$0x3FC2] =	sst s2  }
0x8f: {  	_ = 	snop  }
0x90: {  	s2 =	sld [smem:$0x3FD0];
	(tm) =	ssettm $0x1  }
0x91: {  	s18 =	sld [smem:$0x3FFB];
	_ =	sdelay $0x3  }
0x92: {  	_ =	strace s18  }
0x93: {  	s3 =	sld [smem:$0x3FFC];
	_ =	sdelay $0x3  }
0x94: {  	_ =	strace s3  }
0x95: {  	s3 =	sld [smem:$0x3FFD];
	_ =	sdelay $0x3  }
0x96: {  	_ =	strace s3  }
0x97: {  	_ =	strace $0x8FFFFFFF  }
0x98: {  	s19 =	sld [smem:$0x3FDB];
	_ =	sdelay $0x1  }
0x99: {  	s4 =	simm.s32 $_scs_section_size  }
0x9a: {  	s5 =	simm.s32 $_size__tile_overlayer_lowered;
	s6 =	simm.s32 $_tile_overlayer_lowered  }
0x9b: {  	s22 =	simm.s32 $0x1BFF;
	s21 =	sshll.u32 s6, $0x1;
	s3 =	sadd.s32 s4, s19  }
0x9c: {  	s7 =	simm.s32 $0x0;
	s20 =	sshll.u32 s5, $0x1;
	s5 =	sadd.s32 s21, s3  }
0x9d: {  	[timem:s7], [sflag:s22] =	dma.local [hbm:s5], s20  }
0x9e: {  	_ =	swait.ge [sflag:s22], s20  }
0x9f: {  	s4 =	ssub.s32 $0x0, s20;
	[sflag:s22] =	ssyncset.done $0x0  }
0xa0: {  	[sflag:s22] =	ssyncadd.s32 s4;
	_ =	sdelay $0x1  }
0xa1: {  	s23 =	simm.s32 $0x1B8B  }
0xa2: {  	_ =	swait.ge [sflag:s23], $0x1  }
0xa3: {  	[sflag:s23] =	ssyncset.done $0x0  }
0xa4: {  	s25 =	simm.s32 $0x1B8E;
	s24 =	sld [smem:$0x3FFE];
	[sflag:s23] =	ssyncadd.s32 $0xFFFFFFFF  }
0xa5: {  	s26 =	simm.s32 $execute0_lowered;
	[smem:$0x3FD2] =	sst s25  }
0xa6: {  	s5 =	sshll.u32 s26, $0x1;
	_ =	strace $0x80000046;
	[dreg:$0x1] =	wrdreg $0xFFFFFFFF  }
0xa7: {  	s28 =	simm.s32 $_size_execute0_lowered;
	s3 =	sadd.s32 s3, s5;
	[dreg:$0x0] =	wrdreg $0x0  }
0xa8: {  	s5 =	sshll.u32 s28, $0x1;
	[dreg:$0x2] =	wrdreg s3  }
0xa9: {  	[dreg:$0x3] =	wrdreg s5  }
0xaa: {  	[dreg:$0x4] =	wrdreg $0xC0  }
0xab: {  	_ =	task [dreg:s7], $0x5FFFF  }
0xac: {  	[dreg:$0x1] =	wrdreg $0xFFFFFFFF  }
0xad: {  	[dreg:$0x0] =	wrdreg $0x60  }
0xae: {  	[dreg:$0x2] =	wrdreg s24  }
0xaf: {  	[dreg:$0x3] =	wrdreg s2  }
0xb0: {  	[dreg:$0x4] =	wrdreg $0x9  }
0xb1: {  	_ =	task.clear_ibuf [dreg:s7], $0x5FFFF;
	_ =	strace $0x90000046  }
0xb2: {  	s29 =	simm.s32 $0x9;
	_ =	strace $0x80000048  }
0xb3: {  	_ =	swait.ge [sflag:s29], $0x1  }
0xb4: {  	[sflag:s29] =	ssyncadd.s32 $0xFFFFFFFF  }
0xb5: {  	_ =	strace $0x90000048  }
0xb6: {  	_ =	sfence  }
0xb7: {  	s30 =	sld [smem:$0x0];
	_ =	sdelay $0x2  }
0xb8: {  	s31 =	sshll.u32 s1, $0xD;
	s1 =	sshrl.u32 s1, $0x2  }
0xb9: {  	s3 =	sand.u32 $0x4000, s31;
	s1 =	sadd.s32 s1, s30  }
0xba: {  	s0 =	sor.u32 s3, s0;
	s1 =	sshll.u32 s1, $0x11  }
0xbb: {  	s0 =	sor.u32 s1, s0  }
0xbc: {  	s0 =	sadd.s32 $0x8F2B, s0  }
0xbd: {  	[sflag:s0] =	ssyncadd.remote.s32 $0x1  }
0xbe: {  	_ =	sfence.sel $0xFFFF  }
0xbf: {  	[dreg:$0x0] =	wrdreg $0xFFFFFFFF;
	(pc) =	sbr.abs _section_cstart, $3  }
0xc0: {  	[dreg:$0x1] =	wrdreg $0xFFFFFFFF  }
0xc1: {  	_ =	task.clear_ibuf [dreg:s7], $0x2FFFF;
	_ =	strace $0x9FFFFFFF  }
0xc2: {  	(tm) =	ssettm $0x7FFFFFFF  }
0xc3: {  	_ =	shalt  }
tec
execute0_lowered:
.L_overlay_start_1:
0x0: {  	(tag) =	ssettag $0x1  }
0x1: {  	s3 =	rddreg [dreg:$0x0];
	s1 =	srdreg.scid  }
0x2: {  	s0 =	stileid.u32;
	s5 =	rddreg [dreg:$0x1]  }
0x3: {  	s2 =	simm.s32 $0x0;
	s4 =	sand.u32 $0x1, s1;
	s6 =	smul.u32 $0x2800, s0  }
0x4: {  	s10 =	simm.s32 $0x400;
	s11 =	simm.s32 $0x0;
	s7 =	smul.u32 $0x1400, s4  }
0x5: {  	s1 =	rddreg [dreg:$0x2];
	s9 =	sshrl.u32 s0, $0x3;
	s8 =	smul.u32 $0x28000, s4  }
0x6: {  	[smem:$0x7FF] =	sst s2;
	s9 =	smul.u32 $0x14000, s9;
	s4 =	ssub.s32 $0x2, s4  }
0x7: {  	s30 =	sshll.u32 s0, $0x7;
	_ =	strace $0x80000047;
	s31 =	sshrl.u32 s4, $0x1  }
0x8: {  	s6 =	sadd.s32 s7, s6;
	s8 =	sadd.s32 s8, s9;
	s7 =	sand.u32 $0x380, s30  }
0x9: {  	s9 =	simm.s32 $0x80;
	s6 =	sshrl.u32 s6, $0x3;
	s7 =	sor.u32 s7, s8  }
0xa: {  	s8 =	ssub.s32 s4, s31;
	s6 =	sadd.s32 s6, s3;
	s7 =	sshrl.u32 s7, $0x3  }
0xb: {  	s3 =	sadd.s32 $0xD200, s3;
	s4 =	sadd.s32 $0x8200, s6;
	s5 =	sadd.s32 s5, s7  }
0xc: {  	s6 =	smax.u32 s8, $0x1;
	s7 =	simm.s32 $0x1400;
	s8 =	simm.s32 $0x1  }
.LBB2_1:
0xd: {  	[tilespmem:s7], [sflag:$0x1] =	stream.linear.gather [hbm4b:s3+s2], $0x2800, $0x38;
	[tilespmem:$0x3C00] =	vst v63  }
0xe: {  	_ =	swait.ge [sflag:s8], $0x2800  }
0xf: {  	[sflag:s8] =	ssyncset.done $0x0  }
0x10: {  	[sflag:s8] =	ssyncadd.s32 $0xFFFFD800  }
0x11: {  	[tilespmem:s2], [sflag:$0x1] =	stream.linear.gather [hbm4b:s4+s2], $0x1400, $0x38;
	[tilespmem:$0x3C00] =	vst v63  }
0x12: {  	_ =	swait.ge [sflag:s8], $0x1400  }
0x13: {  	[sflag:s8] =	ssyncset.done $0x0  }
0x14: {  	s12 =	simm.s32 $0x0;
	[sflag:s8] =	ssyncadd.s32 $0xFFFFEC00  }
.LBB2_2:
0x15: {  	s13 =	sshra.s32 s12, $0x2  }
0x16: {  	v0 =	vld [tilespmem:s13+$0x0];
	_ =	sdelay $0x4  }
0x17: {  	(xrf1) =	vunique.msk.u32 $0xffff, v0;
	_ =	sdelay $0xd  }
0x18: {  	_, v1, vm0 =	vpop (xrf1);
	_ =	sdelay $0x3  }
0x19: {  	v1 =	vcvt.s32.f32 v1;
	_ =	sdelay $0x1  }
0x1a: {  	[tilespmem:v0+s7+$0x0] =	vst.idx.add.f32.msk vm0, v1  }
0x1b: {  	v0 =	vld [tilespmem:s13+$0x10];
	_ =	sdelay $0x4  }
0x1c: {  	(xrf1) =	vunique.msk.u32 $0xffff, v0;
	_ =	sdelay $0xd  }
0x1d: {  	_, v1, vm0 =	vpop (xrf1);
	_ =	sdelay $0x3  }
0x1e: {  	v1 =	vcvt.s32.f32 v1;
	_ =	sdelay $0x1  }
0x1f: {  	[tilespmem:v0+s7+$0x0] =	vst.idx.add.f32.msk vm0, v1  }
0x20: {  	v0 =	vld [tilespmem:s13+$0x20];
	_ =	sdelay $0x4  }
0x21: {  	(xrf1) =	vunique.msk.u32 $0xffff, v0;
	_ =	sdelay $0xd  }
0x22: {  	_, v1, vm0 =	vpop (xrf1);
	_ =	sdelay $0x3  }
0x23: {  	v1 =	vcvt.s32.f32 v1;
	_ =	sdelay $0x1  }
0x24: {  	[tilespmem:v0+s7+$0x0] =	vst.idx.add.f32.msk vm0, v1  }
0x25: {  	v0 =	vld [tilespmem:s13+$0x30];
	_ =	sdelay $0x4  }
0x26: {  	(xrf1) =	vunique.msk.u32 $0xffff, v0;
	_ =	sdelay $0xd  }
0x27: {  	_, v1, vm0 =	vpop (xrf1);
	_ =	sdelay $0x3  }
0x28: {  	v1 =	vcvt.s32.f32 v1;
	_ =	sdelay $0x1  }
0x29: {  	[tilespmem:v0+s7+$0x0] =	vst.idx.add.f32.msk vm0, v1  }
0x2a: {  	v0 =	vld [tilespmem:s13+$0x40];
	_ =	sdelay $0x4  }
0x2b: {  	(xrf1) =	vunique.msk.u32 $0xffff, v0;
	_ =	sdelay $0xd  }
0x2c: {  	_, v1, vm0 =	vpop (xrf1);
	_ =	sdelay $0x3  }
0x2d: {  	v1 =	vcvt.s32.f32 v1;
	_ =	sdelay $0x1  }
0x2e: {  	[tilespmem:v0+s7+$0x0] =	vst.idx.add.f32.msk vm0, v1  }
0x2f: {  	v0 =	vld [tilespmem:s13+$0x50];
	_ =	sdelay $0x4  }
0x30: {  	(xrf1) =	vunique.msk.u32 $0xffff, v0;
	_ =	sdelay $0xd  }
0x31: {  	_, v1, vm0 =	vpop (xrf1);
	_ =	sdelay $0x3  }
0x32: {  	v1 =	vcvt.s32.f32 v1;
	_ =	sdelay $0x1  }
0x33: {  	[tilespmem:v0+s7+$0x0] =	vst.idx.add.f32.msk vm0, v1  }
0x34: {  	v0 =	vld [tilespmem:s13+$0x60];
	_ =	sdelay $0x4  }
0x35: {  	(xrf1) =	vunique.msk.u32 $0xffff, v0;
	_ =	sdelay $0xd  }
0x36: {  	_, v1, vm0 =	vpop (xrf1);
	_ =	sdelay $0x3  }
0x37: {  	v1 =	vcvt.s32.f32 v1;
	_ =	sdelay $0x1  }
0x38: {  	[tilespmem:v0+s7+$0x0] =	vst.idx.add.f32.msk vm0, v1  }
0x39: {  	v0 =	vld [tilespmem:s13+$0x70];
	_ =	sdelay $0x4  }
0x3a: {  	(xrf1) =	vunique.msk.u32 $0xffff, v0;
	_ =	sdelay $0xd  }
0x3b: {  	_, v1, vm0 =	vpop (xrf1)  }
0x3c: {  	p0 =	sne.s32 s12, $0x4E00  }
.Ltmp0:
0x3d: {  	_ = 	snop;
	(pc) =	sbr.rel @p0 .LBB2_2-.Ltmp0, $3  }
0x3e: {  	_ = 	snop  }
0x3f: {  	v1 =	vcvt.s32.f32 v1;
	_ =	sdelay $0x1  }
0x40: {  	s12 =	sadd.s32 $0x200, s12;
	[tilespmem:v0+s7+$0x0] =	vst.idx.add.f32.msk vm0, v1  }
0x41: {  	s11 =	sadd.s32 $0x1, s11  }
0x42: {  	p0 =	sne.s32 s11, s6  }
.Ltmp1:
0x43: {  	_ = 	snop;
	(pc) =	sbr.rel @p0 .LBB2_1-.Ltmp1, $4  }
0x44: {  	[hbm4b:s5+s9] =	stream.strided.scatter [tilespmem:s7], [sflag:$0x1], $0x2800, s10, s9, $0x38;
	[tilespmem:$0x3C00] =	vst v63  }
0x45: {  	_ =	swait.ge [sflag:s8], $0x2800  }
0x46: {  	[sflag:s8] =	ssyncset.done $0x0  }
0x47: {  	[sflag:s8] =	ssyncadd.s32 $0xFFFFD800  }
0x48: {  	_ =	sfence.sel $0x180000  }
0x49: {  	[bflag:$0x0] =	sbarrier.arrive $0xFFFF  }
0x4a: {  	p0 =	sne.s32 s0, $0x0;
	_ =	strace $0x90000047  }
0x4b: {  	s0 =	sadd.s32 @!p0 $0x100000, s1;
	[bflag:$0x2] =	sbarrier.arrive $0xFFFF  }
0x4c: {  	[sflag:s0] =	ssyncadd.tile.s32 @!p0 $0x1;
	_ =	shalt  }
.Lfunc_end2:
_tile_overlayer_lowered:
.L_overlay_start_2:
0x4d: {  	(tag) =	ssettag $0x2  }
0x4e: {  	s0 =	rddreg [dreg:$0x0];
	s2 =	stileid.u32  }
0x4f: {  	s1 =	rddreg [dreg:$0x1];
	p0 =	sne.s32 s2, $0x0  }
0x50: {  	s3 =	rddreg [dreg:$0x2];
	[bflag:$0x3] =	sbarrier.arrive $0xFFFF;
	s2 =	simm.s32 @!p0 $0x1C01  }
0x51: {  	[timem:s3], [sflag:s2] =	dma.local @!p0 [hbm:s0], s1  }
0x52: {  	s0 =	simm.s32 @!p0 $0x1  }
0x53: {  	_ =	swait.ge @!p0 [sflag:s0], s1  }
0x54: {  	s1 =	ssub.s32 @!p0 $0x0, s1;
	[sflag:s0] =	ssyncset.done @!p0 $0x0  }
0x55: {  	[sflag:s0] =	ssyncadd.s32 @!p0 s1  }
0x56: {  	[bflag:$0x3] =	sbarrier.arrive $0xFFFF  }
0x57: {  	_ =	shalt  }

</sc_bundles>
